<compile_context>
chip_gen: v7x
topology: tpu7x:2x2x1
jax: 0.10.2.dev20260603
libtpu: 0.0.44.dev20260713+nightly
codegen_flags: <defaults>
</compile_context>

<pallas_src>
import functools
import math

import jax
import jax.numpy as jnp
from jax.experimental import pallas as pl
from jax.experimental.pallas import tpu as pltpu
from jax.experimental.pallas import tpu_sc as plsc

D_MODEL = 32
NHEAD = 2
FF = 2048
CONV_CH = 24
GR = 12
KNN_K = 16
NUM_CONVS = 4
BB = 16
NN = 1024

NB_DENSE = 64
RB_EDGE = 1024
FF_CHUNK = 512
GD = 16

NUM_SC_WORKERS = 32
GATHER_ROWS = BB * NN * KNN_K
ROWS_PER_W = GATHER_ROWS // NUM_SC_WORKERS
SC_CHUNK = 2048

F32 = jnp.float32


def _bmm(a, b):
    return jax.lax.dot_general(
        a.astype(jnp.bfloat16), b.astype(jnp.bfloat16),
        (((a.ndim - 1,), (0,)), ((), ())),
        preferred_element_type=F32)


def _bmmT(a, w):
    return jax.lax.dot_general(
        a.astype(jnp.bfloat16), w.astype(jnp.bfloat16),
        (((a.ndim - 1,), (w.ndim - 1,)), ((), ())),
        preferred_element_type=F32)


def _layer_norm(x, w, b):
    m = jnp.mean(x, axis=-1, keepdims=True)
    v = jnp.mean((x - m) ** 2, axis=-1, keepdims=True)
    return (x - m) / jnp.sqrt(v + 1e-5) * w + b


def _dense_body(relu_in, xb_ref, pos_ref, mask_ref,
                wt_ref, bt_ref, wfc_ref, bfc_ref, wi_ref, bi_ref,
                wo_ref, bo_ref, w1_ref, b1_ref, w2_ref, b2_ref,
                n1w_ref, n1b_ref, n2w_ref, n2b_ref,
                wa1_ref, ba1_ref, wa2_ref, ba2_ref, wout_ref, bout_ref,
                wk1_ref, o_ref, g_ref):
    bb, nb = xb_ref.shape[0], xb_ref.shape[1]
    t_rows = bb * nb
    x = xb_ref[...].reshape(t_rows, xb_ref.shape[2])
    t = _bmmT(x, wt_ref[...]) + bt_ref[...]
    if relu_in:
        t = jnp.maximum(t, 0.0)
    h = _bmmT(t, wfc_ref[...]) + bfc_ref[...]
    h = (h.reshape(bb, nb, D_MODEL) + pos_ref[...][None, :, :]).reshape(t_rows, D_MODEL)

    qkv = _bmmT(h, wi_ref[...]) + bi_ref[...]
    dh = D_MODEL // NHEAD
    scale = 1.0 / math.sqrt(float(dh))
    mask = mask_ref[...]
    heads = []
    for hd in range(NHEAD):
        qh = qkv[:, hd * dh:(hd + 1) * dh]
        kh = qkv[:, D_MODEL + hd * dh:D_MODEL + (hd + 1) * dh]
        vh = qkv[:, 2 * D_MODEL + hd * dh:2 * D_MODEL + (hd + 1) * dh]
        s = _bmmT(qh, kh) * scale + mask
        s = s - jnp.max(s, axis=-1, keepdims=True)
        e = jnp.exp(s)
        a = e / jnp.sum(e, axis=-1, keepdims=True)
        heads.append(_bmm(a, vh))
    att = jnp.concatenate(heads, axis=-1)
    h = h + _bmmT(att, wo_ref[...]) + bo_ref[...]
    h = _layer_norm(h, n1w_ref[...], n1b_ref[...])

    acc = jnp.zeros((t_rows, D_MODEL), F32)
    for c in range(FF // FF_CHUNK):
        w1c = w1_ref[pl.ds(c * FF_CHUNK, FF_CHUNK), :]
        b1c = b1_ref[:, pl.ds(c * FF_CHUNK, FF_CHUNK)]
        hc = jnp.maximum(_bmmT(h, w1c) + b1c, 0.0)
        w2c = w2_ref[:, pl.ds(c * FF_CHUNK, FF_CHUNK)]
        acc = acc + _bmmT(hc, w2c)
    h = _layer_norm(h + acc + b2_ref[...], n2w_ref[...], n2b_ref[...])

    a1 = jnp.maximum(_bmmT(h, wa1_ref[...]) + ba1_ref[...], 0.0)
    a1b = a1.astype(jnp.bfloat16).astype(F32)
    wa2b = wa2_ref[...].astype(jnp.bfloat16).astype(F32)
    a2 = jnp.sum(a1b * wa2b, axis=1, keepdims=True) + ba2_ref[...]
    aw = 1.0 / (1.0 + jnp.exp(-a2))
    h = h * aw
    out = _bmmT(h, wout_ref[...]) + bout_ref[...]
    o_ref[...] = out.reshape(bb, nb, CONV_CH)
    g_ref[...] = _bmm(out, wk1_ref[...]).reshape(bb, nb, GD)


def _topk_body(frow_ref, ffull_ref, idx_ref):
    xt = frow_ref[0]
    f = ffull_ref[0]
    r = xt.shape[0]
    b = pl.program_id(0)

    sq_r = jnp.sum(xt * xt, axis=1, keepdims=True)
    ff2 = f * f
    sq_c = jax.lax.dot_general(
        jnp.ones((8, CONV_CH), F32), ff2,
        (((1,), (1,)), ((), ())),
        precision=jax.lax.Precision.HIGHEST,
        preferred_element_type=F32)[0:1, :]
    cross = _bmmT(xt, f)
    d = sq_r + sq_c - 2.0 * cross

    iota = jax.lax.broadcasted_iota(jnp.int32, (r, NN), 1)
    cols = []
    for j in range(KNN_K + 1):
        m = jnp.min(d, axis=1, keepdims=True)
        ismin = d <= m
        amin = jnp.min(jnp.where(ismin, iota, jnp.int32(2 ** 30)),
                       axis=1, keepdims=True)
        d = jnp.where(iota == amin, jnp.float32(jnp.inf), d)
        if j > 0:
            cols.append(amin)
    idx_ref[0] = jnp.concatenate(cols, axis=1) + b * NN


def _edge_body(frow_ref, gath_ref,
               wx1_ref, b1_ref, wm_ref, wx2_ref, b2_ref,
               wlm_ref, wlf_ref, wx3_ref, b3_ref,
               o_ref):
    xt = frow_ref[0]
    r = xt.shape[0]

    cx1 = _bmm(xt, wx1_ref[...]) + b1_ref[...]
    cx2 = _bmm(xt, wx2_ref[...]) + b2_ref[...]
    cx3 = _bmm(xt, wx3_ref[...]) + b3_ref[...]

    neg = jnp.float32(-jnp.inf)
    acc_l = jnp.full((r, GR), neg, F32)
    acc_m = jnp.full((r, GR), neg, F32)
    acc_f = jnp.full((r, GR), neg, F32)
    for j in range(KNN_K):
        gj = gath_ref[0][:, j * GD:j * GD + GR]
        first = jnp.maximum(gj + cx1, 0.0)
        mid = jnp.maximum(_bmm(first, wm_ref[...]) + cx2, 0.0)
        last = _bmm(mid, wlm_ref[...]) + _bmm(first, wlf_ref[...]) + cx3
        acc_l = jnp.maximum(acc_l, last)
        acc_m = jnp.maximum(acc_m, mid)
        acc_f = jnp.maximum(acc_f, first)
    o_ref[0] = jnp.concatenate([acc_l, acc_m, acc_f, xt], axis=1)


def _sc_gather(table, idx):
    mesh = plsc.VectorSubcoreMesh(core_axis_name="c", subcore_axis_name="s")

    @functools.partial(
        pl.kernel, mesh=mesh,
        compiler_params=pltpu.CompilerParams(use_tc_tiling_on_sc=False),
        out_type=jax.ShapeDtypeStruct((GATHER_ROWS, GD), F32),
        scratch_types=[
            pltpu.VMEM((SC_CHUNK,), jnp.int32),
            pltpu.VMEM((SC_CHUNK, GD), F32),
            pltpu.SemaphoreType.DMA,
        ],
    )
    def k(table_hbm, idx_hbm, out_hbm, idx_v, rows_v, sem):
        wid = jax.lax.axis_index("s") * 2 + jax.lax.axis_index("c")
        base = wid * ROWS_PER_W

        def body(c, _):
            off = base + c * SC_CHUNK
            pltpu.sync_copy(idx_hbm.at[pl.ds(off, SC_CHUNK)], idx_v)
            pltpu.async_copy(table_hbm.at[idx_v], rows_v, sem).wait()
            pltpu.sync_copy(rows_v, out_hbm.at[pl.ds(off, SC_CHUNK)])
            return _

        jax.lax.fori_loop(0, ROWS_PER_W // SC_CHUNK, body, 0)

    return k(table, idx)


def _edge_weights(p, i):
    w1, b1 = p['conv%d_first' % i]
    w2, b2 = p['conv%d_mid0' % i]
    w3, b3 = p['conv%d_last' % i]
    if i == 0:
        wk1 = w1.T
        wx1 = -w1.T
    else:
        a, bw, cw = w1[:, :CONV_CH], w1[:, CONV_CH:2 * CONV_CH], w1[:, 2 * CONV_CH:]
        wk1 = (bw + cw).T
        wx1 = (a - cw).T
    wk1 = jnp.pad(wk1, ((0, 0), (0, GD - GR)))
    wm = w2[:, :GR].T
    wx2 = w2[:, GR:].T
    wlm = w3[:, :GR].T
    wlf = w3[:, GR:2 * GR].T
    wx3 = w3[:, 2 * GR:].T
    r2 = lambda v: v.reshape(1, -1)
    return wk1, (wx1, r2(b1), wm, wx2, r2(b2), wlm, wlf, wx3, r2(b3))


def _dense_call(x_t, p, i, wk1):
    in_ch = x_t.shape[2]
    wt, bt = p['trans%d' % i]
    wfc, bfc = p['nt_fc_in']
    wi, bi = p['nt_in_proj']
    wo, bo = p['nt_out_proj']
    w1, b1 = p['nt_lin1']
    w2, b2 = p['nt_lin2']
    n1w, n1b = p['nt_norm1']
    n2w, n2b = p['nt_norm2']
    wa1, ba1 = p['nt_attn1']
    wa2, ba2 = p['nt_attn2']
    wout, bout = p['nt_fc_out']
    pos = p['nt_pos'][0]
    r2 = lambda v: v.reshape(1, -1)

    t_rows = NB_DENSE * BB
    gid = jnp.arange(t_rows) % NB_DENSE
    mask = jnp.where(gid[:, None] == gid[None, :], 0.0, -1e30).astype(F32)

    full = lambda a: pl.BlockSpec(a.shape, lambda n: (0,) * a.ndim)
    args = (x_t, pos, mask,
            wt, r2(bt), wfc, r2(bfc), wi, r2(bi), wo, r2(bo),
            w1, r2(b1), w2, r2(b2), r2(n1w), r2(n1b), r2(n2w), r2(n2b),
            wa1, r2(ba1), wa2, r2(ba2), wout, r2(bout), wk1)
    in_specs = [
        pl.BlockSpec((BB, NB_DENSE, in_ch), lambda n: (0, n, 0)),
        pl.BlockSpec((NB_DENSE, D_MODEL), lambda n: (n, 0)),
    ] + [full(a) for a in args[2:]]
    return pl.pallas_call(
        functools.partial(_dense_body, i > 0),
        grid=(NN // NB_DENSE,),
        in_specs=in_specs,
        out_specs=[
            pl.BlockSpec((BB, NB_DENSE, CONV_CH), lambda n: (0, n, 0)),
            pl.BlockSpec((BB, NB_DENSE, GD), lambda n: (0, n, 0)),
        ],
        out_shape=[
            jax.ShapeDtypeStruct((BB, NN, CONV_CH), F32),
            jax.ShapeDtypeStruct((BB, NN, GD), F32),
        ],
    )(*args)


def _topk_call(feat_bn):
    return pl.pallas_call(
        _topk_body,
        grid=(BB, NN // RB_EDGE),
        in_specs=[
            pl.BlockSpec((1, RB_EDGE, CONV_CH), lambda b, r: (b, r, 0)),
            pl.BlockSpec((1, NN, CONV_CH), lambda b, r: (b, 0, 0)),
        ],
        out_specs=pl.BlockSpec((1, RB_EDGE, KNN_K), lambda b, r: (b, r, 0)),
        out_shape=jax.ShapeDtypeStruct((BB, NN, KNN_K), jnp.int32),
    )(feat_bn, feat_bn)


def _edge_call(feat_bn, gath_bn, ws):
    full = lambda a: pl.BlockSpec(a.shape, lambda b, r: (0,) * a.ndim)
    in_specs = [
        pl.BlockSpec((1, RB_EDGE, CONV_CH), lambda b, r: (b, r, 0)),
        pl.BlockSpec((1, RB_EDGE, KNN_K * GD), lambda b, r: (b, r, 0)),
    ] + [full(a) for a in ws]
    out_ch = CONV_CH + 3 * GR
    return pl.pallas_call(
        _edge_body,
        grid=(BB, NN // RB_EDGE),
        in_specs=in_specs,
        out_specs=pl.BlockSpec((1, RB_EDGE, out_ch), lambda b, r: (b, r, 0)),
        out_shape=jax.ShapeDtypeStruct((BB, NN, out_ch), F32),
    )(feat_bn, gath_bn, *ws)


def kernel(x, params):
    for i in range(NUM_CONVS):
        wk1, ws = _edge_weights(params, i)
        feat_bn, g_bn = _dense_call(x, params, i, wk1)
        g_flat = g_bn.reshape(BB * NN, GD)
        idx = _topk_call(feat_bn)
        gath = _sc_gather(g_flat, idx.reshape(GATHER_ROWS))
        gath_bn = gath.reshape(BB, NN, KNN_K * GD)
        x = _edge_call(feat_bn, gath_bn, ws)
    return x

# --- scband reference (transcript-rebuilt; emitter-appended) ---
"""Pipeline reference for scband-feature-extraction-67482526155287 (READ-ONLY COPY).

The authoritative reference and input builder live on the scoring server;
editing this copy changes nothing except your own understanding.
"""

import jax, jax.numpy as jnp
import numpy as np

D_MODEL = 32
NHEAD = 2
FF = 2048
CONV_CH = 24
GR = 12
KNN = 16
NUM_CONVS = 4
B, N = 16, 1024


def _lin(key, out_dim, in_dim):
    k1, k2 = jax.random.split(key)
    w = jax.random.normal(k1, (out_dim, in_dim), jnp.float32) * 0.05
    b = jax.random.normal(k2, (out_dim,), jnp.float32) * 0.05
    return (w, b)


def setup_inputs(seed: int = 0) -> dict:
    key = jax.random.key(seed)
    keys = iter(jax.random.split(key, 64))
    p = {}
    in_ch = 3
    for i in range(NUM_CONVS):
        p['trans%d' % i] = _lin(next(keys), CONV_CH, in_ch)
        fin = CONV_CH if i == 0 else 3 * CONV_CH
        p['conv%d_first' % i] = _lin(next(keys), GR, fin)
        p['conv%d_mid0' % i] = _lin(next(keys), GR, CONV_CH + GR)
        p['conv%d_last' % i] = _lin(next(keys), GR, CONV_CH + 2 * GR)
        in_ch = CONV_CH + 3 * GR
    p['nt_fc_in'] = _lin(next(keys), D_MODEL, CONV_CH)
    p['nt_pos'] = jax.random.normal(next(keys), (1, 1024, D_MODEL), jnp.float32)
    p['nt_in_proj'] = _lin(next(keys), 3 * D_MODEL, D_MODEL)
    p['nt_out_proj'] = _lin(next(keys), D_MODEL, D_MODEL)
    p['nt_lin1'] = _lin(next(keys), FF, D_MODEL)
    p['nt_lin2'] = _lin(next(keys), D_MODEL, FF)
    p['nt_norm1'] = (jnp.ones((D_MODEL,), jnp.float32), jnp.zeros((D_MODEL,), jnp.float32))
    p['nt_norm2'] = (jnp.ones((D_MODEL,), jnp.float32), jnp.zeros((D_MODEL,), jnp.float32))
    p['nt_attn1'] = _lin(next(keys), D_MODEL // 2, D_MODEL)
    p['nt_attn2'] = _lin(next(keys), 1, D_MODEL // 2)
    p['nt_fc_out'] = _lin(next(keys), CONV_CH, D_MODEL)
    x = jax.random.normal(next(keys), (B, N, 3), jnp.float32)
    return {'x': x, 'params': p}


def _layer_norm(x, w, b):
    m = jnp.mean(x, axis=-1, keepdims=True)
    v = jnp.mean((x - m) ** 2, axis=-1, keepdims=True)
    return (x - m) / jnp.sqrt(v + 1e-5) * w + b


def _mha(x, Wi, bi, Wo, bo):
    # Faithful to torch nn.MultiheadAttention with batch_first=False:
    # axis 0 is the sequence axis (here the batch dim B), axis 1 is batch (points N).
    S, Nb, E = x.shape
    H = NHEAD
    dh = E // H
    qkv = x @ Wi.T + bi
    q, k, v = jnp.split(qkv, 3, axis=-1)
    def rs(t):
        return t.reshape(S, Nb, H, dh).transpose(1, 2, 0, 3)
    q, k, v = rs(q), rs(k), rs(v)
    a = jax.nn.softmax((q @ k.transpose(0, 1, 3, 2)) / jnp.sqrt(float(dh)), axis=-1)
    o = (a @ v).transpose(2, 0, 1, 3).reshape(S, Nb, E)
    return o @ Wo.T + bo


def _noise_transformer(x, p):
    w, b = p['nt_fc_in']
    x = x @ w.T + b
    n = x.shape[1]
    x = x + p['nt_pos'][:, :n, :]
    wi, bi = p['nt_in_proj']
    wo, bo = p['nt_out_proj']
    x = x + _mha(x, wi, bi, wo, bo)
    x = _layer_norm(x, p['nt_norm1'][0], p['nt_norm1'][1])
    w1, b1 = p['nt_lin1']
    w2, b2 = p['nt_lin2']
    ff = jax.nn.relu(x @ w1.T + b1) @ w2.T + b2
    x = _layer_norm(x + ff, p['nt_norm2'][0], p['nt_norm2'][1])
    wa1, ba1 = p['nt_attn1']
    wa2, ba2 = p['nt_attn2']
    aw = jax.nn.sigmoid(jax.nn.relu(x @ wa1.T + ba1) @ wa2.T + ba2)
    x = x * aw
    w, b = p['nt_fc_out']
    return x @ w.T + b


def _knn_idx(pos, k, offset=1):
    sq = jnp.sum(pos ** 2, axis=-1)
    d = sq[:, :, None] + sq[:, None, :] - 2.0 * jnp.einsum('bnd,bmd->bnm', pos, pos)
    return jnp.argsort(d, axis=-1)[:, :, offset:offset + k]


def _dense_edge_conv(x, pos, p, i):
    idx = _knn_idx(pos, KNN, 1)
    knn_feat = jax.vmap(lambda xb, ib: xb[ib])(x, idx)  # (B,N,K,d) gather
    xt = jnp.broadcast_to(x[:, :, None, :], knn_feat.shape)
    if i == 0:
        ef = knn_feat - xt
    else:
        ef = jnp.concatenate([xt, knn_feat, knn_feat - xt], axis=-1)
    w, b = p['conv%d_first' % i]
    y = jnp.concatenate([jax.nn.relu(ef @ w.T + b), xt], axis=-1)
    w, b = p['conv%d_mid0' % i]
    y = jnp.concatenate([jax.nn.relu(y @ w.T + b), y], axis=-1)
    w, b = p['conv%d_last' % i]
    y = jnp.concatenate([y @ w.T + b, y], axis=-1)
    return jnp.max(y, axis=-2)


def reference(x, params):
    for i in range(NUM_CONVS):
        w, b = params['trans%d' % i]
        x = x @ w.T + b
        if i > 0:
            x = jax.nn.relu(x)
        x = _noise_transformer(x, params)
        x = _dense_edge_conv(x, x, params, i)
    return x

if __name__ == "__main__":
    import jax
    _d = setup_inputs()
    print(jax.jit(kernel)(*tuple(_d.values())))

</pallas_src>

<mosaic_0001>
#map = affine_map<(d0, d1) -> (0, 0)>
#map1 = affine_map<(d0, d1) -> (0)>
module attributes {stable_mosaic.version = 14 : i64} {
  func.func @k(%arg0: i32, %arg1: i32, %arg2: memref<16384x16xf32, #tpu.memory_space<hbm>>, %arg3: memref<262144xi32, #tpu.memory_space<hbm>>, %arg4: memref<262144x16xf32, #tpu.memory_space<hbm>>, %arg5: memref<2048xi32, #tpu.memory_space<vmem>>, %arg6: memref<2048x16xf32, #tpu.memory_space<vmem>>, %arg7: memref<!tpu.dma_semaphore, #tpu.memory_space<semaphore_mem>>) attributes {dimension_semantics = [#tpu.dimension_semantics<core_parallel>, #tpu.dimension_semantics<subcore_parallel>], iteration_bounds = array<i64: 2, 16>, scalar_prefetch = 0 : i64, scratch_operands = 3 : i64, tpu.core_type = #tpu.core_type<sc_vector_subcore>, window_params = [{transform_indices = #map}, {transform_indices = #map1}, {transform_indices = #map}]} {
    %mul3A = arith.constant 2 : i32
    %mul3A_0 = arith.muli %arg1, %mul3A : i32
    %add3A = arith.addi %mul3A_0, %arg0 : i32
    %mul3A_1 = arith.constant 8192 : i32
    %mul3A_2 = arith.muli %add3A, %mul3A_1 : i32
    %scan3A = arith.constant 0 : i32
    %scan3A_3 = arith.constant 0 : i32
    %scan3A_4 = arith.constant 4 : i32
    %scan3A_5 = arith.addi %scan3A_3, %scan3A_4 : i32
    %scan3A_6 = arith.constant 1 : i32
    scf.for %scan3A_8 = %scan3A_3 to %scan3A_5 step %scan3A_6  : i32 {
      %mul3A_9 = arith.constant 2048 : i32
      %mul3A_10 = arith.muli %scan3A_8, %mul3A_9 : i32
      %add3A_11 = arith.addi %mul3A_2, %mul3A_10 : i32
      "tpu.region"() ({
        %run_scoped3A = tpu.sem_alloc : memref<!tpu.dma_semaphore, #tpu.memory_space<semaphore_mem>>
        %dma_start3A_16 = tpu.memref_slice %arg3[%add3A_11] : memref<262144xi32, #tpu.memory_space<hbm>> -> memref<2048xi32, #tpu.memory_space<hbm>>
        %dma_start3A_17 = tpu.memref_slice %arg3[%add3A_11] : memref<262144xi32, #tpu.memory_space<hbm>> -> memref<2048xi32, #tpu.memory_space<hbm>>
        tpu.enqueue_dma source(%dma_start3A_17 : memref<2048xi32, #tpu.memory_space<hbm>>) target(%arg5 : memref<2048xi32, #tpu.memory_space<vmem>>) target_semaphore(%run_scoped3A : memref<!tpu.dma_semaphore, #tpu.memory_space<semaphore_mem>>)
        %dma_wait3A_18 = tpu.memref_slice %arg3[%add3A_11] : memref<262144xi32, #tpu.memory_space<hbm>> -> memref<2048xi32, #tpu.memory_space<hbm>>
        %dma_wait3A_19 = tpu.memref_slice %arg3[%add3A_11] : memref<262144xi32, #tpu.memory_space<hbm>> -> memref<2048xi32, #tpu.memory_space<hbm>>
        tpu.wait_dma2 semaphore(%run_scoped3A : memref<!tpu.dma_semaphore, #tpu.memory_space<semaphore_mem>>) src(%dma_wait3A_19 : memref<2048xi32, #tpu.memory_space<hbm>>) dst(%arg5 : memref<2048xi32, #tpu.memory_space<vmem>>)
        tpu.yield
      }) : () -> ()
      %dma_start3A = arith.constant 0 : i32
      %dma_start3A_12 = arith.constant 0 : i32
      %dma_start3A_13 = tpu.memref_slice %arg2[%dma_start3A, %dma_start3A_12] : memref<16384x16xf32, #tpu.memory_space<hbm>> -> memref<16384x16xf32, #tpu.memory_space<hbm>>
      tpu.enqueue_indirect_dma source(%dma_start3A_13 : memref<16384x16xf32, #tpu.memory_space<hbm>>) target(%arg6 : memref<2048x16xf32, #tpu.memory_space<vmem>>) offsets(%arg5 : memref<2048xi32, #tpu.memory_space<vmem>>) semaphore(%arg7 : memref<!tpu.dma_semaphore, #tpu.memory_space<semaphore_mem>>)
      %dma_wait3A = arith.constant 0 : i32
      %dma_wait3A_14 = arith.constant 0 : i32
      %dma_wait3A_15 = tpu.memref_slice %arg2[%dma_wait3A, %dma_wait3A_14] : memref<16384x16xf32, #tpu.memory_space<hbm>> -> memref<16384x16xf32, #tpu.memory_space<hbm>>
      tpu.wait_indirect_dma semaphore(%arg7 : memref<!tpu.dma_semaphore, #tpu.memory_space<semaphore_mem>>) src(%dma_wait3A_15 : memref<16384x16xf32, #tpu.memory_space<hbm>>) dst(%arg6 : memref<2048x16xf32, #tpu.memory_space<vmem>>)
      "tpu.region"() ({
        %run_scoped3A = tpu.sem_alloc : memref<!tpu.dma_semaphore, #tpu.memory_space<semaphore_mem>>
        %dma_start3A_16 = arith.constant 0 : i32
        %dma_start3A_17 = tpu.memref_slice %arg4[%add3A_11, %dma_start3A_16] : memref<262144x16xf32, #tpu.memory_space<hbm>> -> memref<2048x16xf32, #tpu.memory_space<hbm>>
        %dma_start3A_18 = arith.constant 0 : i32
        %dma_start3A_19 = tpu.memref_slice %arg4[%add3A_11, %dma_start3A_18] : memref<262144x16xf32, #tpu.memory_space<hbm>> -> memref<2048x16xf32, #tpu.memory_space<hbm>>
        tpu.enqueue_dma source(%arg6 : memref<2048x16xf32, #tpu.memory_space<vmem>>) target(%dma_start3A_19 : memref<2048x16xf32, #tpu.memory_space<hbm>>) target_semaphore(%run_scoped3A : memref<!tpu.dma_semaphore, #tpu.memory_space<semaphore_mem>>)
        %dma_wait3A_20 = arith.constant 0 : i32
        %dma_wait3A_21 = tpu.memref_slice %arg4[%add3A_11, %dma_wait3A_20] : memref<262144x16xf32, #tpu.memory_space<hbm>> -> memref<2048x16xf32, #tpu.memory_space<hbm>>
        %dma_wait3A_22 = arith.constant 0 : i32
        %dma_wait3A_23 = tpu.memref_slice %arg4[%add3A_11, %dma_wait3A_22] : memref<262144x16xf32, #tpu.memory_space<hbm>> -> memref<2048x16xf32, #tpu.memory_space<hbm>>
        tpu.wait_dma2 semaphore(%run_scoped3A : memref<!tpu.dma_semaphore, #tpu.memory_space<semaphore_mem>>) src(%arg6 : memref<2048x16xf32, #tpu.memory_space<vmem>>) dst(%dma_wait3A_23 : memref<2048x16xf32, #tpu.memory_space<hbm>>)
        tpu.yield
      }) : () -> ()
    }
    %scan3A_7 = arith.constant 4 : i32
    return
  }
}

#map = affine_map<(d0, d1) -> (0, 0)>
#map1 = affine_map<(d0, d1) -> (0)>
module attributes {stable_mosaic.version = 14 : i64} {
  func.func @k(%arg0: i32, %arg1: i32, %arg2: memref<16384x16xf32, #tpu.memory_space<hbm>>, %arg3: memref<262144xi32, #tpu.memory_space<hbm>>, %arg4: memref<262144x16xf32, #tpu.memory_space<hbm>>, %arg5: memref<2048xi32, #tpu.memory_space<vmem>>, %arg6: memref<2048x16xf32, #tpu.memory_space<vmem>>, %arg7: memref<!tpu.dma_semaphore, #tpu.memory_space<semaphore_mem>>) attributes {dimension_semantics = [#tpu.dimension_semantics<core_parallel>, #tpu.dimension_semantics<subcore_parallel>], iteration_bounds = array<i64: 2, 16>, scalar_prefetch = 0 : i64, scratch_operands = 3 : i64, tpu.core_type = #tpu.core_type<sc_vector_subcore>, window_params = [{transform_indices = #map}, {transform_indices = #map1}, {transform_indices = #map}]} {
    %mul3A = arith.constant 2 : i32
    %mul3A_0 = arith.muli %arg1, %mul3A : i32
    %add3A = arith.addi %mul3A_0, %arg0 : i32
    %mul3A_1 = arith.constant 8192 : i32
    %mul3A_2 = arith.muli %add3A, %mul3A_1 : i32
    %scan3A = arith.constant 0 : i32
    %scan3A_3 = arith.constant 0 : i32
    %scan3A_4 = arith.constant 4 : i32
    %scan3A_5 = arith.addi %scan3A_3, %scan3A_4 : i32
    %scan3A_6 = arith.constant 1 : i32
    scf.for %scan3A_8 = %scan3A_3 to %scan3A_5 step %scan3A_6  : i32 {
      %mul3A_9 = arith.constant 2048 : i32
      %mul3A_10 = arith.muli %scan3A_8, %mul3A_9 : i32
      %add3A_11 = arith.addi %mul3A_2, %mul3A_10 : i32
      "tpu.region"() ({
        %run_scoped3A = tpu.sem_alloc : memref<!tpu.dma_semaphore, #tpu.memory_space<semaphore_mem>>
        %dma_start3A_16 = tpu.memref_slice %arg3[%add3A_11] : memref<262144xi32, #tpu.memory_space<hbm>> -> memref<2048xi32, #tpu.memory_space<hbm>>
        %dma_start3A_17 = tpu.memref_slice %arg3[%add3A_11] : memref<262144xi32, #tpu.memory_space<hbm>> -> memref<2048xi32, #tpu.memory_space<hbm>>
        tpu.enqueue_dma source(%dma_start3A_17 : memref<2048xi32, #tpu.memory_space<hbm>>) target(%arg5 : memref<2048xi32, #tpu.memory_space<vmem>>) target_semaphore(%run_scoped3A : memref<!tpu.dma_semaphore, #tpu.memory_space<semaphore_mem>>)
        %dma_wait3A_18 = tpu.memref_slice %arg3[%add3A_11] : memref<262144xi32, #tpu.memory_space<hbm>> -> memref<2048xi32, #tpu.memory_space<hbm>>
        %dma_wait3A_19 = tpu.memref_slice %arg3[%add3A_11] : memref<262144xi32, #tpu.memory_space<hbm>> -> memref<2048xi32, #tpu.memory_space<hbm>>
        tpu.wait_dma2 semaphore(%run_scoped3A : memref<!tpu.dma_semaphore, #tpu.memory_space<semaphore_mem>>) src(%dma_wait3A_19 : memref<2048xi32, #tpu.memory_space<hbm>>) dst(%arg5 : memref<2048xi32, #tpu.memory_space<vmem>>)
        tpu.yield
      }) : () -> ()
      %dma_start3A = arith.constant 0 : i32
      %dma_start3A_12 = arith.constant 0 : i32
      %dma_start3A_13 = tpu.memref_slice %arg2[%dma_start3A, %dma_start3A_12] : memref<16384x16xf32, #tpu.memory_space<hbm>> -> memref<16384x16xf32, #tpu.memory_space<hbm>>
      tpu.enqueue_indirect_dma source(%dma_start3A_13 : memref<16384x16xf32, #tpu.memory_space<hbm>>) target(%arg6 : memref<2048x16xf32, #tpu.memory_space<vmem>>) offsets(%arg5 : memref<2048xi32, #tpu.memory_space<vmem>>) semaphore(%arg7 : memref<!tpu.dma_semaphore, #tpu.memory_space<semaphore_mem>>)
      %dma_wait3A = arith.constant 0 : i32
      %dma_wait3A_14 = arith.constant 0 : i32
      %dma_wait3A_15 = tpu.memref_slice %arg2[%dma_wait3A, %dma_wait3A_14] : memref<16384x16xf32, #tpu.memory_space<hbm>> -> memref<16384x16xf32, #tpu.memory_space<hbm>>
      tpu.wait_indirect_dma semaphore(%arg7 : memref<!tpu.dma_semaphore, #tpu.memory_space<semaphore_mem>>) src(%dma_wait3A_15 : memref<16384x16xf32, #tpu.memory_space<hbm>>) dst(%arg6 : memref<2048x16xf32, #tpu.memory_space<vmem>>)
      "tpu.region"() ({
        %run_scoped3A = tpu.sem_alloc : memref<!tpu.dma_semaphore, #tpu.memory_space<semaphore_mem>>
        %dma_start3A_16 = arith.constant 0 : i32
        %dma_start3A_17 = tpu.memref_slice %arg4[%add3A_11, %dma_start3A_16] : memref<262144x16xf32, #tpu.memory_space<hbm>> -> memref<2048x16xf32, #tpu.memory_space<hbm>>
        %dma_start3A_18 = arith.constant 0 : i32
        %dma_start3A_19 = tpu.memref_slice %arg4[%add3A_11, %dma_start3A_18] : memref<262144x16xf32, #tpu.memory_space<hbm>> -> memref<2048x16xf32, #tpu.memory_space<hbm>>
        tpu.enqueue_dma source(%arg6 : memref<2048x16xf32, #tpu.memory_space<vmem>>) target(%dma_start3A_19 : memref<2048x16xf32, #tpu.memory_space<hbm>>) target_semaphore(%run_scoped3A : memref<!tpu.dma_semaphore, #tpu.memory_space<semaphore_mem>>)
        %dma_wait3A_20 = arith.constant 0 : i32
        %dma_wait3A_21 = tpu.memref_slice %arg4[%add3A_11, %dma_wait3A_20] : memref<262144x16xf32, #tpu.memory_space<hbm>> -> memref<2048x16xf32, #tpu.memory_space<hbm>>
        %dma_wait3A_22 = arith.constant 0 : i32
        %dma_wait3A_23 = tpu.memref_slice %arg4[%add3A_11, %dma_wait3A_22] : memref<262144x16xf32, #tpu.memory_space<hbm>> -> memref<2048x16xf32, #tpu.memory_space<hbm>>
        tpu.wait_dma2 semaphore(%run_scoped3A : memref<!tpu.dma_semaphore, #tpu.memory_space<semaphore_mem>>) src(%arg6 : memref<2048x16xf32, #tpu.memory_space<vmem>>) dst(%dma_wait3A_23 : memref<2048x16xf32, #tpu.memory_space<hbm>>)
        tpu.yield
      }) : () -> ()
    }
    %scan3A_7 = arith.constant 4 : i32
    return
  }
}

#map = affine_map<(d0, d1) -> (0, 0)>
#map1 = affine_map<(d0, d1) -> (0)>
module attributes {stable_mosaic.version = 14 : i64} {
  func.func @k(%arg0: i32, %arg1: i32, %arg2: memref<16384x16xf32, #tpu.memory_space<hbm>>, %arg3: memref<262144xi32, #tpu.memory_space<hbm>>, %arg4: memref<262144x16xf32, #tpu.memory_space<hbm>>, %arg5: memref<2048xi32, #tpu.memory_space<vmem>>, %arg6: memref<2048x16xf32, #tpu.memory_space<vmem>>, %arg7: memref<!tpu.dma_semaphore, #tpu.memory_space<semaphore_mem>>) attributes {dimension_semantics = [#tpu.dimension_semantics<core_parallel>, #tpu.dimension_semantics<subcore_parallel>], iteration_bounds = array<i64: 2, 16>, scalar_prefetch = 0 : i64, scratch_operands = 3 : i64, tpu.core_type = #tpu.core_type<sc_vector_subcore>, window_params = [{transform_indices = #map}, {transform_indices = #map1}, {transform_indices = #map}]} {
    %mul3A = arith.constant 2 : i32
    %mul3A_0 = arith.muli %arg1, %mul3A : i32
    %add3A = arith.addi %mul3A_0, %arg0 : i32
    %mul3A_1 = arith.constant 8192 : i32
    %mul3A_2 = arith.muli %add3A, %mul3A_1 : i32
    %scan3A = arith.constant 0 : i32
    %scan3A_3 = arith.constant 0 : i32
    %scan3A_4 = arith.constant 4 : i32
    %scan3A_5 = arith.addi %scan3A_3, %scan3A_4 : i32
    %scan3A_6 = arith.constant 1 : i32
    scf.for %scan3A_8 = %scan3A_3 to %scan3A_5 step %scan3A_6  : i32 {
      %mul3A_9 = arith.constant 2048 : i32
      %mul3A_10 = arith.muli %scan3A_8, %mul3A_9 : i32
      %add3A_11 = arith.addi %mul3A_2, %mul3A_10 : i32
      "tpu.region"() ({
        %run_scoped3A = tpu.sem_alloc : memref<!tpu.dma_semaphore, #tpu.memory_space<semaphore_mem>>
        %dma_start3A_16 = tpu.memref_slice %arg3[%add3A_11] : memref<262144xi32, #tpu.memory_space<hbm>> -> memref<2048xi32, #tpu.memory_space<hbm>>
        %dma_start3A_17 = tpu.memref_slice %arg3[%add3A_11] : memref<262144xi32, #tpu.memory_space<hbm>> -> memref<2048xi32, #tpu.memory_space<hbm>>
        tpu.enqueue_dma source(%dma_start3A_17 : memref<2048xi32, #tpu.memory_space<hbm>>) target(%arg5 : memref<2048xi32, #tpu.memory_space<vmem>>) target_semaphore(%run_scoped3A : memref<!tpu.dma_semaphore, #tpu.memory_space<semaphore_mem>>)
        %dma_wait3A_18 = tpu.memref_slice %arg3[%add3A_11] : memref<262144xi32, #tpu.memory_space<hbm>> -> memref<2048xi32, #tpu.memory_space<hbm>>
        %dma_wait3A_19 = tpu.memref_slice %arg3[%add3A_11] : memref<262144xi32, #tpu.memory_space<hbm>> -> memref<2048xi32, #tpu.memory_space<hbm>>
        tpu.wait_dma2 semaphore(%run_scoped3A : memref<!tpu.dma_semaphore, #tpu.memory_space<semaphore_mem>>) src(%dma_wait3A_19 : memref<2048xi32, #tpu.memory_space<hbm>>) dst(%arg5 : memref<2048xi32, #tpu.memory_space<vmem>>)
        tpu.yield
      }) : () -> ()
      %dma_start3A = arith.constant 0 : i32
      %dma_start3A_12 = arith.constant 0 : i32
      %dma_start3A_13 = tpu.memref_slice %arg2[%dma_start3A, %dma_start3A_12] : memref<16384x16xf32, #tpu.memory_space<hbm>> -> memref<16384x16xf32, #tpu.memory_space<hbm>>
      tpu.enqueue_indirect_dma source(%dma_start3A_13 : memref<16384x16xf32, #tpu.memory_space<hbm>>) target(%arg6 : memref<2048x16xf32, #tpu.memory_space<vmem>>) offsets(%arg5 : memref<2048xi32, #tpu.memory_space<vmem>>) semaphore(%arg7 : memref<!tpu.dma_semaphore, #tpu.memory_space<semaphore_mem>>)
      %dma_wait3A = arith.constant 0 : i32
      %dma_wait3A_14 = arith.constant 0 : i32
      %dma_wait3A_15 = tpu.memref_slice %arg2[%dma_wait3A, %dma_wait3A_14] : memref<16384x16xf32, #tpu.memory_space<hbm>> -> memref<16384x16xf32, #tpu.memory_space<hbm>>
      tpu.wait_indirect_dma semaphore(%arg7 : memref<!tpu.dma_semaphore, #tpu.memory_space<semaphore_mem>>) src(%dma_wait3A_15 : memref<16384x16xf32, #tpu.memory_space<hbm>>) dst(%arg6 : memref<2048x16xf32, #tpu.memory_space<vmem>>)
      "tpu.region"() ({
        %run_scoped3A = tpu.sem_alloc : memref<!tpu.dma_semaphore, #tpu.memory_space<semaphore_mem>>
        %dma_start3A_16 = arith.constant 0 : i32
        %dma_start3A_17 = tpu.memref_slice %arg4[%add3A_11, %dma_start3A_16] : memref<262144x16xf32, #tpu.memory_space<hbm>> -> memref<2048x16xf32, #tpu.memory_space<hbm>>
        %dma_start3A_18 = arith.constant 0 : i32
        %dma_start3A_19 = tpu.memref_slice %arg4[%add3A_11, %dma_start3A_18] : memref<262144x16xf32, #tpu.memory_space<hbm>> -> memref<2048x16xf32, #tpu.memory_space<hbm>>
        tpu.enqueue_dma source(%arg6 : memref<2048x16xf32, #tpu.memory_space<vmem>>) target(%dma_start3A_19 : memref<2048x16xf32, #tpu.memory_space<hbm>>) target_semaphore(%run_scoped3A : memref<!tpu.dma_semaphore, #tpu.memory_space<semaphore_mem>>)
        %dma_wait3A_20 = arith.constant 0 : i32
        %dma_wait3A_21 = tpu.memref_slice %arg4[%add3A_11, %dma_wait3A_20] : memref<262144x16xf32, #tpu.memory_space<hbm>> -> memref<2048x16xf32, #tpu.memory_space<hbm>>
        %dma_wait3A_22 = arith.constant 0 : i32
        %dma_wait3A_23 = tpu.memref_slice %arg4[%add3A_11, %dma_wait3A_22] : memref<262144x16xf32, #tpu.memory_space<hbm>> -> memref<2048x16xf32, #tpu.memory_space<hbm>>
        tpu.wait_dma2 semaphore(%run_scoped3A : memref<!tpu.dma_semaphore, #tpu.memory_space<semaphore_mem>>) src(%arg6 : memref<2048x16xf32, #tpu.memory_space<vmem>>) dst(%dma_wait3A_23 : memref<2048x16xf32, #tpu.memory_space<hbm>>)
        tpu.yield
      }) : () -> ()
    }
    %scan3A_7 = arith.constant 4 : i32
    return
  }
}

#map = affine_map<(d0, d1) -> (0, 0)>
#map1 = affine_map<(d0, d1) -> (0)>
module attributes {stable_mosaic.version = 14 : i64} {
  func.func @k(%arg0: i32, %arg1: i32, %arg2: memref<16384x16xf32, #tpu.memory_space<hbm>>, %arg3: memref<262144xi32, #tpu.memory_space<hbm>>, %arg4: memref<262144x16xf32, #tpu.memory_space<hbm>>, %arg5: memref<2048xi32, #tpu.memory_space<vmem>>, %arg6: memref<2048x16xf32, #tpu.memory_space<vmem>>, %arg7: memref<!tpu.dma_semaphore, #tpu.memory_space<semaphore_mem>>) attributes {dimension_semantics = [#tpu.dimension_semantics<core_parallel>, #tpu.dimension_semantics<subcore_parallel>], iteration_bounds = array<i64: 2, 16>, scalar_prefetch = 0 : i64, scratch_operands = 3 : i64, tpu.core_type = #tpu.core_type<sc_vector_subcore>, window_params = [{transform_indices = #map}, {transform_indices = #map1}, {transform_indices = #map}]} {
    %mul3A = arith.constant 2 : i32
    %mul3A_0 = arith.muli %arg1, %mul3A : i32
    %add3A = arith.addi %mul3A_0, %arg0 : i32
    %mul3A_1 = arith.constant 8192 : i32
    %mul3A_2 = arith.muli %add3A, %mul3A_1 : i32
    %scan3A = arith.constant 0 : i32
    %scan3A_3 = arith.constant 0 : i32
    %scan3A_4 = arith.constant 4 : i32
    %scan3A_5 = arith.addi %scan3A_3, %scan3A_4 : i32
    %scan3A_6 = arith.constant 1 : i32
    scf.for %scan3A_8 = %scan3A_3 to %scan3A_5 step %scan3A_6  : i32 {
      %mul3A_9 = arith.constant 2048 : i32
      %mul3A_10 = arith.muli %scan3A_8, %mul3A_9 : i32
      %add3A_11 = arith.addi %mul3A_2, %mul3A_10 : i32
      "tpu.region"() ({
        %run_scoped3A = tpu.sem_alloc : memref<!tpu.dma_semaphore, #tpu.memory_space<semaphore_mem>>
        %dma_start3A_16 = tpu.memref_slice %arg3[%add3A_11] : memref<262144xi32, #tpu.memory_space<hbm>> -> memref<2048xi32, #tpu.memory_space<hbm>>
        %dma_start3A_17 = tpu.memref_slice %arg3[%add3A_11] : memref<262144xi32, #tpu.memory_space<hbm>> -> memref<2048xi32, #tpu.memory_space<hbm>>
        tpu.enqueue_dma source(%dma_start3A_17 : memref<2048xi32, #tpu.memory_space<hbm>>) target(%arg5 : memref<2048xi32, #tpu.memory_space<vmem>>) target_semaphore(%run_scoped3A : memref<!tpu.dma_semaphore, #tpu.memory_space<semaphore_mem>>)
        %dma_wait3A_18 = tpu.memref_slice %arg3[%add3A_11] : memref<262144xi32, #tpu.memory_space<hbm>> -> memref<2048xi32, #tpu.memory_space<hbm>>
        %dma_wait3A_19 = tpu.memref_slice %arg3[%add3A_11] : memref<262144xi32, #tpu.memory_space<hbm>> -> memref<2048xi32, #tpu.memory_space<hbm>>
        tpu.wait_dma2 semaphore(%run_scoped3A : memref<!tpu.dma_semaphore, #tpu.memory_space<semaphore_mem>>) src(%dma_wait3A_19 : memref<2048xi32, #tpu.memory_space<hbm>>) dst(%arg5 : memref<2048xi32, #tpu.memory_space<vmem>>)
        tpu.yield
      }) : () -> ()
      %dma_start3A = arith.constant 0 : i32
      %dma_start3A_12 = arith.constant 0 : i32
      %dma_start3A_13 = tpu.memref_slice %arg2[%dma_start3A, %dma_start3A_12] : memref<16384x16xf32, #tpu.memory_space<hbm>> -> memref<16384x16xf32, #tpu.memory_space<hbm>>
      tpu.enqueue_indirect_dma source(%dma_start3A_13 : memref<16384x16xf32, #tpu.memory_space<hbm>>) target(%arg6 : memref<2048x16xf32, #tpu.memory_space<vmem>>) offsets(%arg5 : memref<2048xi32, #tpu.memory_space<vmem>>) semaphore(%arg7 : memref<!tpu.dma_semaphore, #tpu.memory_space<semaphore_mem>>)
      %dma_wait3A = arith.constant 0 : i32
      %dma_wait3A_14 = arith.constant 0 : i32
      %dma_wait3A_15 = tpu.memref_slice %arg2[%dma_wait3A, %dma_wait3A_14] : memref<16384x16xf32, #tpu.memory_space<hbm>> -> memref<16384x16xf32, #tpu.memory_space<hbm>>
      tpu.wait_indirect_dma semaphore(%arg7 : memref<!tpu.dma_semaphore, #tpu.memory_space<semaphore_mem>>) src(%dma_wait3A_15 : memref<16384x16xf32, #tpu.memory_space<hbm>>) dst(%arg6 : memref<2048x16xf32, #tpu.memory_space<vmem>>)
      "tpu.region"() ({
        %run_scoped3A = tpu.sem_alloc : memref<!tpu.dma_semaphore, #tpu.memory_space<semaphore_mem>>
        %dma_start3A_16 = arith.constant 0 : i32
        %dma_start3A_17 = tpu.memref_slice %arg4[%add3A_11, %dma_start3A_16] : memref<262144x16xf32, #tpu.memory_space<hbm>> -> memref<2048x16xf32, #tpu.memory_space<hbm>>
        %dma_start3A_18 = arith.constant 0 : i32
        %dma_start3A_19 = tpu.memref_slice %arg4[%add3A_11, %dma_start3A_18] : memref<262144x16xf32, #tpu.memory_space<hbm>> -> memref<2048x16xf32, #tpu.memory_space<hbm>>
        tpu.enqueue_dma source(%arg6 : memref<2048x16xf32, #tpu.memory_space<vmem>>) target(%dma_start3A_19 : memref<2048x16xf32, #tpu.memory_space<hbm>>) target_semaphore(%run_scoped3A : memref<!tpu.dma_semaphore, #tpu.memory_space<semaphore_mem>>)
        %dma_wait3A_20 = arith.constant 0 : i32
        %dma_wait3A_21 = tpu.memref_slice %arg4[%add3A_11, %dma_wait3A_20] : memref<262144x16xf32, #tpu.memory_space<hbm>> -> memref<2048x16xf32, #tpu.memory_space<hbm>>
        %dma_wait3A_22 = arith.constant 0 : i32
        %dma_wait3A_23 = tpu.memref_slice %arg4[%add3A_11, %dma_wait3A_22] : memref<262144x16xf32, #tpu.memory_space<hbm>> -> memref<2048x16xf32, #tpu.memory_space<hbm>>
        tpu.wait_dma2 semaphore(%run_scoped3A : memref<!tpu.dma_semaphore, #tpu.memory_space<semaphore_mem>>) src(%arg6 : memref<2048x16xf32, #tpu.memory_space<vmem>>) dst(%dma_wait3A_23 : memref<2048x16xf32, #tpu.memory_space<hbm>>)
        tpu.yield
      }) : () -> ()
    }
    %scan3A_7 = arith.constant 4 : i32
    return
  }
}

module attributes {stable_mosaic.version = 14 : i64} {
  func.func @_dense_body(%arg0: i32, %arg1: memref<16x64x3xf32, #tpu.memory_space<vmem>>, %arg2: memref<64x32xf32, #tpu.memory_space<vmem>>, %arg3: memref<1024x1024xf32, #tpu.memory_space<vmem>>, %arg4: memref<24x3xf32, #tpu.memory_space<vmem>>, %arg5: memref<1x24xf32, #tpu.memory_space<vmem>>, %arg6: memref<32x24xf32, #tpu.memory_space<vmem>>, %arg7: memref<1x32xf32, #tpu.memory_space<vmem>>, %arg8: memref<96x32xf32, #tpu.memory_space<vmem>>, %arg9: memref<1x96xf32, #tpu.memory_space<vmem>>, %arg10: memref<32x32xf32, #tpu.memory_space<vmem>>, %arg11: memref<1x32xf32, #tpu.memory_space<vmem>>, %arg12: memref<2048x32xf32, #tpu.memory_space<vmem>>, %arg13: memref<1x2048xf32, #tpu.memory_space<vmem>>, %arg14: memref<32x2048xf32, #tpu.memory_space<vmem>>, %arg15: memref<1x32xf32, #tpu.memory_space<vmem>>, %arg16: memref<1x32xf32, #tpu.memory_space<vmem>>, %arg17: memref<1x32xf32, #tpu.memory_space<vmem>>, %arg18: memref<1x32xf32, #tpu.memory_space<vmem>>, %arg19: memref<1x32xf32, #tpu.memory_space<vmem>>, %arg20: memref<16x32xf32, #tpu.memory_space<vmem>>, %arg21: memref<1x16xf32, #tpu.memory_space<vmem>>, %arg22: memref<1x16xf32, #tpu.memory_space<vmem>>, %arg23: memref<1x1xf32, #tpu.memory_space<vmem>>, %arg24: memref<24x32xf32, #tpu.memory_space<vmem>>, %arg25: memref<1x24xf32, #tpu.memory_space<vmem>>, %arg26: memref<24x16xf32, #tpu.memory_space<vmem>>, %arg27: memref<16x64x24xf32, #tpu.memory_space<vmem>>, %arg28: memref<16x64x16xf32, #tpu.memory_space<vmem>>) attributes {dimension_semantics = [#tpu.dimension_semantics<arbitrary>], iteration_bounds = array<i64: 16>, scalar_prefetch = 0 : i64, scratch_operands = 0 : i64, tpu.core_type = #tpu.core_type<tc>, window_params = [{transform_indices = @transform_0, window_bounds = array<i64: 16, 64, 3>}, {transform_indices = @transform_1, window_bounds = array<i64: 64, 32>}, {pipeline_mode = #tpu.pipeline_mode<synchronous>, transform_indices = @transform_2, window_bounds = array<i64: 1024, 1024>}, {pipeline_mode = #tpu.pipeline_mode<synchronous>, transform_indices = @transform_3, window_bounds = array<i64: 24, 3>}, {pipeline_mode = #tpu.pipeline_mode<synchronous>, transform_indices = @transform_4, window_bounds = array<i64: 1, 24>}, {pipeline_mode = #tpu.pipeline_mode<synchronous>, transform_indices = @transform_5, window_bounds = array<i64: 32, 24>}, {pipeline_mode = #tpu.pipeline_mode<synchronous>, transform_indices = @transform_6, window_bounds = array<i64: 1, 32>}, {pipeline_mode = #tpu.pipeline_mode<synchronous>, transform_indices = @transform_7, window_bounds = array<i64: 96, 32>}, {pipeline_mode = #tpu.pipeline_mode<synchronous>, transform_indices = @transform_8, window_bounds = array<i64: 1, 96>}, {pipeline_mode = #tpu.pipeline_mode<synchronous>, transform_indices = @transform_9, window_bounds = array<i64: 32, 32>}, {pipeline_mode = #tpu.pipeline_mode<synchronous>, transform_indices = @transform_10, window_bounds = array<i64: 1, 32>}, {pipeline_mode = #tpu.pipeline_mode<synchronous>, transform_indices = @transform_11, window_bounds = array<i64: 2048, 32>}, {pipeline_mode = #tpu.pipeline_mode<synchronous>, transform_indices = @transform_12, window_bounds = array<i64: 1, 2048>}, {pipeline_mode = #tpu.pipeline_mode<synchronous>, transform_indices = @transform_13, window_bounds = array<i64: 32, 2048>}, {pipeline_mode = #tpu.pipeline_mode<synchronous>, transform_indices = @transform_14, window_bounds = array<i64: 1, 32>}, {pipeline_mode = #tpu.pipeline_mode<synchronous>, transform_indices = @transform_15, window_bounds = array<i64: 1, 32>}, {pipeline_mode = #tpu.pipeline_mode<synchronous>, transform_indices = @transform_16, window_bounds = array<i64: 1, 32>}, {pipeline_mode = #tpu.pipeline_mode<synchronous>, transform_indices = @transform_17, window_bounds = array<i64: 1, 32>}, {pipeline_mode = #tpu.pipeline_mode<synchronous>, transform_indices = @transform_18, window_bounds = array<i64: 1, 32>}, {pipeline_mode = #tpu.pipeline_mode<synchronous>, transform_indices = @transform_19, window_bounds = array<i64: 16, 32>}, {pipeline_mode = #tpu.pipeline_mode<synchronous>, transform_indices = @transform_20, window_bounds = array<i64: 1, 16>}, {pipeline_mode = #tpu.pipeline_mode<synchronous>, transform_indices = @transform_21, window_bounds = array<i64: 1, 16>}, {pipeline_mode = #tpu.pipeline_mode<synchronous>, transform_indices = @transform_22, window_bounds = array<i64: 1, 1>}, {pipeline_mode = #tpu.pipeline_mode<synchronous>, transform_indices = @transform_23, window_bounds = array<i64: 24, 32>}, {pipeline_mode = #tpu.pipeline_mode<synchronous>, transform_indices = @transform_24, window_bounds = array<i64: 1, 24>}, {pipeline_mode = #tpu.pipeline_mode<synchronous>, transform_indices = @transform_25, window_bounds = array<i64: 24, 16>}, {transform_indices = @transform_26, window_bounds = array<i64: 16, 64, 24>}, {transform_indices = @transform_27, window_bounds = array<i64: 16, 64, 16>}]} {
    %get3A = arith.constant 0 : index
    %get3A_0 = arith.constant 0 : index
    %get3A_1 = arith.constant 0 : index
    %get3A_2 = vector.load %arg1[%get3A, %get3A_0, %get3A_1] : memref<16x64x3xf32, #tpu.memory_space<vmem>>, vector<16x64x3xf32>
    %reshape3A = vector.shape_cast %get3A_2 : vector<16x64x3xf32> to vector<1024x3xf32>
    %get3A_3 = arith.constant 0 : index
    %get3A_4 = arith.constant 0 : index
    %get3A_5 = vector.load %arg4[%get3A_3, %get3A_4] : memref<24x3xf32, #tpu.memory_space<vmem>>, vector<24x3xf32>
    %convert_element_type3A = arith.truncf %reshape3A : vector<1024x3xf32> to vector<1024x3xbf16>
    %convert_element_type3A_6 = arith.truncf %get3A_5 : vector<24x3xf32> to vector<24x3xbf16>
    %dot_general3A = arith.constant dense<0.000000e+00> : vector<1024x24xf32>
    %dot_general3A_7 = tpu.matmul %convert_element_type3A, %convert_element_type3A_6, %dot_general3A {dimension_numbers = #tpu.dot_dimension_numbers<[1], [1], [0], [0], [0, 0, 1, 0], [], []>, transpose_lhs_hint = false} : vector<1024x3xbf16>, vector<24x3xbf16>, vector<1024x24xf32> -> vector<1024x24xf32>
    %get3A_8 = arith.constant 0 : index
    %get3A_9 = arith.constant 0 : index
    %get3A_10 = vector.load %arg5[%get3A_8, %get3A_9] : memref<1x24xf32, #tpu.memory_space<vmem>>, vector<1x24xf32>
    %add3A = vector.broadcast %get3A_10 : vector<1x24xf32> to vector<1024x24xf32>
    %add3A_11 = arith.addf %dot_general3A_7, %add3A : vector<1024x24xf32>
    %get3A_12 = arith.constant 0 : index
    %get3A_13 = arith.constant 0 : index
    %get3A_14 = vector.load %arg6[%get3A_12, %get3A_13] : memref<32x24xf32, #tpu.memory_space<vmem>>, vector<32x24xf32>
    %convert_element_type3A_15 = arith.truncf %add3A_11 : vector<1024x24xf32> to vector<1024x24xbf16>
    %convert_element_type3A_16 = arith.truncf %get3A_14 : vector<32x24xf32> to vector<32x24xbf16>
    %dot_general3A_17 = arith.constant dense<0.000000e+00> : vector<1024x32xf32>
    %dot_general3A_18 = tpu.matmul %convert_element_type3A_15, %convert_element_type3A_16, %dot_general3A_17 {dimension_numbers = #tpu.dot_dimension_numbers<[1], [1], [0], [0], [0, 0, 1, 0], [], []>, transpose_lhs_hint = false} : vector<1024x24xbf16>, vector<32x24xbf16>, vector<1024x32xf32> -> vector<1024x32xf32>
    %get3A_19 = arith.constant 0 : index
    %get3A_20 = arith.constant 0 : index
    %get3A_21 = vector.load %arg7[%get3A_19, %get3A_20] : memref<1x32xf32, #tpu.memory_space<vmem>>, vector<1x32xf32>
    %add3A_22 = vector.broadcast %get3A_21 : vector<1x32xf32> to vector<1024x32xf32>
    %add3A_23 = arith.addf %dot_general3A_18, %add3A_22 : vector<1024x32xf32>
    %reshape3A_24 = vector.shape_cast %add3A_23 : vector<1024x32xf32> to vector<16x64x32xf32>
    %get3A_25 = arith.constant 0 : index
    %get3A_26 = arith.constant 0 : index
    %get3A_27 = vector.load %arg2[%get3A_25, %get3A_26] : memref<64x32xf32, #tpu.memory_space<vmem>>, vector<64x32xf32>
    %broadcast_in_dim3A = vector.shape_cast %get3A_27 : vector<64x32xf32> to vector<1x64x32xf32>
    %add3A_28 = vector.broadcast %broadcast_in_dim3A : vector<1x64x32xf32> to vector<16x64x32xf32>
    %add3A_29 = arith.addf %reshape3A_24, %add3A_28 : vector<16x64x32xf32>
    %reshape3A_30 = vector.shape_cast %add3A_29 : vector<16x64x32xf32> to vector<1024x32xf32>
    %get3A_31 = arith.constant 0 : index
    %get3A_32 = arith.constant 0 : index
    %get3A_33 = vector.load %arg8[%get3A_31, %get3A_32] : memref<96x32xf32, #tpu.memory_space<vmem>>, vector<96x32xf32>
    %convert_element_type3A_34 = arith.truncf %reshape3A_30 : vector<1024x32xf32> to vector<1024x32xbf16>
    %convert_element_type3A_35 = arith.truncf %get3A_33 : vector<96x32xf32> to vector<96x32xbf16>
    %dot_general3A_36 = arith.constant dense<0.000000e+00> : vector<1024x96xf32>
    %dot_general3A_37 = tpu.matmul %convert_element_type3A_34, %convert_element_type3A_35, %dot_general3A_36 {dimension_numbers = #tpu.dot_dimension_numbers<[1], [1], [0], [0], [0, 0, 1, 0], [], []>, transpose_lhs_hint = false} : vector<1024x32xbf16>, vector<96x32xbf16>, vector<1024x96xf32> -> vector<1024x96xf32>
    %get3A_38 = arith.constant 0 : index
    %get3A_39 = arith.constant 0 : index
    %get3A_40 = vector.load %arg9[%get3A_38, %get3A_39] : memref<1x96xf32, #tpu.memory_space<vmem>>, vector<1x96xf32>
    %add3A_41 = vector.broadcast %get3A_40 : vector<1x96xf32> to vector<1024x96xf32>
    %add3A_42 = arith.addf %dot_general3A_37, %add3A_41 : vector<1024x96xf32>
    %get3A_43 = arith.constant 0 : index
    %get3A_44 = arith.constant 0 : index
    %get3A_45 = vector.load %arg3[%get3A_43, %get3A_44] : memref<1024x1024xf32, #tpu.memory_space<vmem>>, vector<1024x1024xf32>
    %slice3A = vector.extract_strided_slice %add3A_42 {offsets = [0, 0], sizes = [1024, 16], strides = [1, 1]} : vector<1024x96xf32> to vector<1024x16xf32>
    %slice3A_46 = vector.extract_strided_slice %add3A_42 {offsets = [0, 32], sizes = [1024, 16], strides = [1, 1]} : vector<1024x96xf32> to vector<1024x16xf32>
    %slice3A_47 = vector.extract_strided_slice %add3A_42 {offsets = [0, 64], sizes = [1024, 16], strides = [1, 1]} : vector<1024x96xf32> to vector<1024x16xf32>
    %convert_element_type3A_48 = arith.truncf %slice3A : vector<1024x16xf32> to vector<1024x16xbf16>
    %convert_element_type3A_49 = arith.truncf %slice3A_46 : vector<1024x16xf32> to vector<1024x16xbf16>
    %dot_general3A_50 = arith.constant dense<0.000000e+00> : vector<1024x1024xf32>
    %dot_general3A_51 = tpu.matmul %convert_element_type3A_48, %convert_element_type3A_49, %dot_general3A_50 {dimension_numbers = #tpu.dot_dimension_numbers<[1], [1], [0], [0], [0, 0, 1, 0], [], []>, transpose_lhs_hint = false} : vector<1024x16xbf16>, vector<1024x16xbf16>, vector<1024x1024xf32> -> vector<1024x1024xf32>
    %mul3A = arith.constant 2.500000e-01 : f32
    %mul3A_52 = vector.broadcast %mul3A : f32 to vector<1024x1024xf32>
    %mul3A_53 = arith.mulf %dot_general3A_51, %mul3A_52 : vector<1024x1024xf32>
    %add3A_54 = arith.addf %mul3A_53, %get3A_45 : vector<1024x1024xf32>
    %reduce_max3A = arith.constant dense<0xFF800000> : vector<1024xf32>
    %reduce_max3A_55 = vector.multi_reduction <maximumf>, %add3A_54, %reduce_max3A [1] : vector<1024x1024xf32> to vector<1024xf32>
    %broadcast_in_dim3A_56 = vector.shape_cast %reduce_max3A_55 : vector<1024xf32> to vector<1024x1xf32>
    %sub3A = vector.broadcast %broadcast_in_dim3A_56 : vector<1024x1xf32> to vector<1024x1024xf32>
    %sub3A_57 = arith.subf %add3A_54, %sub3A : vector<1024x1024xf32>
    %exp3A = math.exp %sub3A_57 : vector<1024x1024xf32>
    %reduce_sum3A = arith.constant dense<0.000000e+00> : vector<1024xf32>
    %reduce_sum3A_58 = vector.multi_reduction <add>, %exp3A, %reduce_sum3A [1] : vector<1024x1024xf32> to vector<1024xf32>
    %broadcast_in_dim3A_59 = vector.shape_cast %reduce_sum3A_58 : vector<1024xf32> to vector<1024x1xf32>
    %div3A = vector.broadcast %broadcast_in_dim3A_59 : vector<1024x1xf32> to vector<1024x1024xf32>
    %div3A_60 = arith.divf %exp3A, %div3A : vector<1024x1024xf32>
    %convert_element_type3A_61 = arith.truncf %div3A_60 : vector<1024x1024xf32> to vector<1024x1024xbf16>
    %convert_element_type3A_62 = arith.truncf %slice3A_47 : vector<1024x16xf32> to vector<1024x16xbf16>
    %dot_general3A_63 = arith.constant dense<0.000000e+00> : vector<1024x16xf32>
    %dot_general3A_64 = tpu.matmul %convert_element_type3A_61, %convert_element_type3A_62, %dot_general3A_63 {dimension_numbers = #tpu.dot_dimension_numbers<[1], [0], [0], [1], [0, 0, 1, 1], [], []>, transpose_lhs_hint = false} : vector<1024x1024xbf16>, vector<1024x16xbf16>, vector<1024x16xf32> -> vector<1024x16xf32>
    %slice3A_65 = vector.extract_strided_slice %add3A_42 {offsets = [0, 16], sizes = [1024, 16], strides = [1, 1]} : vector<1024x96xf32> to vector<1024x16xf32>
    %slice3A_66 = vector.extract_strided_slice %add3A_42 {offsets = [0, 48], sizes = [1024, 16], strides = [1, 1]} : vector<1024x96xf32> to vector<1024x16xf32>
    %slice3A_67 = vector.extract_strided_slice %add3A_42 {offsets = [0, 80], sizes = [1024, 16], strides = [1, 1]} : vector<1024x96xf32> to vector<1024x16xf32>
    %convert_element_type3A_68 = arith.truncf %slice3A_65 : vector<1024x16xf32> to vector<1024x16xbf16>
    %convert_element_type3A_69 = arith.truncf %slice3A_66 : vector<1024x16xf32> to vector<1024x16xbf16>
    %dot_general3A_70 = arith.constant dense<0.000000e+00> : vector<1024x1024xf32>
    %dot_general3A_71 = tpu.matmul %convert_element_type3A_68, %convert_element_type3A_69, %dot_general3A_70 {dimension_numbers = #tpu.dot_dimension_numbers<[1], [1], [0], [0], [0, 0, 1, 0], [], []>, transpose_lhs_hint = false} : vector<1024x16xbf16>, vector<1024x16xbf16>, vector<1024x1024xf32> -> vector<1024x1024xf32>
    %mul3A_72 = arith.constant 2.500000e-01 : f32
    %mul3A_73 = vector.broadcast %mul3A_72 : f32 to vector<1024x1024xf32>
    %mul3A_74 = arith.mulf %dot_general3A_71, %mul3A_73 : vector<1024x1024xf32>
    %add3A_75 = arith.addf %mul3A_74, %get3A_45 : vector<1024x1024xf32>
    %reduce_max3A_76 = arith.constant dense<0xFF800000> : vector<1024xf32>
    %reduce_max3A_77 = vector.multi_reduction <maximumf>, %add3A_75, %reduce_max3A_76 [1] : vector<1024x1024xf32> to vector<1024xf32>
    %broadcast_in_dim3A_78 = vector.shape_cast %reduce_max3A_77 : vector<1024xf32> to vector<1024x1xf32>
    %sub3A_79 = vector.broadcast %broadcast_in_dim3A_78 : vector<1024x1xf32> to vector<1024x1024xf32>
    %sub3A_80 = arith.subf %add3A_75, %sub3A_79 : vector<1024x1024xf32>
    %exp3A_81 = math.exp %sub3A_80 : vector<1024x1024xf32>
    %reduce_sum3A_82 = arith.constant dense<0.000000e+00> : vector<1024xf32>
    %reduce_sum3A_83 = vector.multi_reduction <add>, %exp3A_81, %reduce_sum3A_82 [1] : vector<1024x1024xf32> to vector<1024xf32>
    %broadcast_in_dim3A_84 = vector.shape_cast %reduce_sum3A_83 : vector<1024xf32> to vector<1024x1xf32>
    %div3A_85 = vector.broadcast %broadcast_in_dim3A_84 : vector<1024x1xf32> to vector<1024x1024xf32>
    %div3A_86 = arith.divf %exp3A_81, %div3A_85 : vector<1024x1024xf32>
    %convert_element_type3A_87 = arith.truncf %div3A_86 : vector<1024x1024xf32> to vector<1024x1024xbf16>
    %convert_element_type3A_88 = arith.truncf %slice3A_67 : vector<1024x16xf32> to vector<1024x16xbf16>
    %dot_general3A_89 = arith.constant dense<0.000000e+00> : vector<1024x16xf32>
    %dot_general3A_90 = tpu.matmul %convert_element_type3A_87, %convert_element_type3A_88, %dot_general3A_89 {dimension_numbers = #tpu.dot_dimension_numbers<[1], [0], [0], [1], [0, 0, 1, 1], [], []>, transpose_lhs_hint = false} : vector<1024x1024xbf16>, vector<1024x16xbf16>, vector<1024x16xf32> -> vector<1024x16xf32>
    %concatenate3A = tpu.concatenate %dot_general3A_64, %dot_general3A_90 in 1 : vector<1024x16xf32>, vector<1024x16xf32> -> vector<1024x32xf32>
    %get3A_91 = arith.constant 0 : index
    %get3A_92 = arith.constant 0 : index
    %get3A_93 = vector.load %arg10[%get3A_91, %get3A_92] : memref<32x32xf32, #tpu.memory_space<vmem>>, vector<32x32xf32>
    %convert_element_type3A_94 = arith.truncf %concatenate3A : vector<1024x32xf32> to vector<1024x32xbf16>
    %convert_element_type3A_95 = arith.truncf %get3A_93 : vector<32x32xf32> to vector<32x32xbf16>
    %dot_general3A_96 = arith.constant dense<0.000000e+00> : vector<1024x32xf32>
    %dot_general3A_97 = tpu.matmul %convert_element_type3A_94, %convert_element_type3A_95, %dot_general3A_96 {dimension_numbers = #tpu.dot_dimension_numbers<[1], [1], [0], [0], [0, 0, 1, 0], [], []>, transpose_lhs_hint = false} : vector<1024x32xbf16>, vector<32x32xbf16>, vector<1024x32xf32> -> vector<1024x32xf32>
    %add3A_98 = arith.addf %reshape3A_30, %dot_general3A_97 : vector<1024x32xf32>
    %get3A_99 = arith.constant 0 : index
    %get3A_100 = arith.constant 0 : index
    %get3A_101 = vector.load %arg11[%get3A_99, %get3A_100] : memref<1x32xf32, #tpu.memory_space<vmem>>, vector<1x32xf32>
    %add3A_102 = vector.broadcast %get3A_101 : vector<1x32xf32> to vector<1024x32xf32>
    %add3A_103 = arith.addf %add3A_98, %add3A_102 : vector<1024x32xf32>
    %get3A_104 = arith.constant 0 : index
    %get3A_105 = arith.constant 0 : index
    %get3A_106 = vector.load %arg16[%get3A_104, %get3A_105] : memref<1x32xf32, #tpu.memory_space<vmem>>, vector<1x32xf32>
    %get3A_107 = arith.constant 0 : index
    %get3A_108 = arith.constant 0 : index
    %get3A_109 = vector.load %arg17[%get3A_107, %get3A_108] : memref<1x32xf32, #tpu.memory_space<vmem>>, vector<1x32xf32>
    %reduce_sum3A_110 = arith.constant dense<0.000000e+00> : vector<1024xf32>
    %reduce_sum3A_111 = vector.multi_reduction <add>, %add3A_103, %reduce_sum3A_110 [1] : vector<1024x32xf32> to vector<1024xf32>
    %broadcast_in_dim3A_112 = vector.shape_cast %reduce_sum3A_111 : vector<1024xf32> to vector<1024x1xf32>
    %div3A_113 = arith.constant 3.200000e+01 : f32
    %div3A_114 = vector.broadcast %div3A_113 : f32 to vector<1024x1xf32>
    %div3A_115 = arith.divf %broadcast_in_dim3A_112, %div3A_114 : vector<1024x1xf32>
    %sub3A_116 = vector.broadcast %div3A_115 : vector<1024x1xf32> to vector<1024x32xf32>
    %sub3A_117 = arith.subf %add3A_103, %sub3A_116 : vector<1024x32xf32>
    %integer_pow3A = arith.mulf %sub3A_117, %sub3A_117 : vector<1024x32xf32>
    %reduce_sum3A_118 = arith.constant dense<0.000000e+00> : vector<1024xf32>
    %reduce_sum3A_119 = vector.multi_reduction <add>, %integer_pow3A, %reduce_sum3A_118 [1] : vector<1024x32xf32> to vector<1024xf32>
    %broadcast_in_dim3A_120 = vector.shape_cast %reduce_sum3A_119 : vector<1024xf32> to vector<1024x1xf32>
    %div3A_121 = arith.constant 3.200000e+01 : f32
    %div3A_122 = vector.broadcast %div3A_121 : f32 to vector<1024x1xf32>
    %div3A_123 = arith.divf %broadcast_in_dim3A_120, %div3A_122 : vector<1024x1xf32>
    %sub3A_124 = vector.broadcast %div3A_115 : vector<1024x1xf32> to vector<1024x32xf32>
    %sub3A_125 = arith.subf %add3A_103, %sub3A_124 : vector<1024x32xf32>
    %add3A_126 = arith.constant 9.99999974E-6 : f32
    %add3A_127 = vector.broadcast %add3A_126 : f32 to vector<1024x1xf32>
    %add3A_128 = arith.addf %div3A_123, %add3A_127 : vector<1024x1xf32>
    %sqrt3A = math.sqrt %add3A_128 : vector<1024x1xf32>
    %div3A_129 = vector.broadcast %sqrt3A : vector<1024x1xf32> to vector<1024x32xf32>
    %div3A_130 = arith.divf %sub3A_125, %div3A_129 : vector<1024x32xf32>
    %mul3A_131 = vector.broadcast %get3A_106 : vector<1x32xf32> to vector<1024x32xf32>
    %mul3A_132 = arith.mulf %div3A_130, %mul3A_131 : vector<1024x32xf32>
    %add3A_133 = vector.broadcast %get3A_109 : vector<1x32xf32> to vector<1024x32xf32>
    %add3A_134 = arith.addf %mul3A_132, %add3A_133 : vector<1024x32xf32>
    %broadcast_in_dim3A_135 = arith.constant 0.000000e+00 : f32
    %broadcast_in_dim3A_136 = vector.broadcast %broadcast_in_dim3A_135 : f32 to vector<1024x32xf32>
    %get3A_137 = arith.constant 0 : index
    %get3A_138 = arith.constant 0 : index
    %get3A_139 = vector.load %arg12[%get3A_137, %get3A_138] : memref<2048x32xf32, #tpu.memory_space<vmem>>, vector<512x32xf32>
    %get3A_140 = arith.constant 0 : index
    %get3A_141 = arith.constant 0 : index
    %get3A_142 = vector.load %arg13[%get3A_140, %get3A_141] : memref<1x2048xf32, #tpu.memory_space<vmem>>, vector<1x512xf32>
    %convert_element_type3A_143 = arith.truncf %add3A_134 : vector<1024x32xf32> to vector<1024x32xbf16>
    %convert_element_type3A_144 = arith.truncf %get3A_139 : vector<512x32xf32> to vector<512x32xbf16>
    %dot_general3A_145 = arith.constant dense<0.000000e+00> : vector<1024x512xf32>
    %dot_general3A_146 = tpu.matmul %convert_element_type3A_143, %convert_element_type3A_144, %dot_general3A_145 {dimension_numbers = #tpu.dot_dimension_numbers<[1], [1], [0], [0], [0, 0, 1, 0], [], []>, transpose_lhs_hint = false} : vector<1024x32xbf16>, vector<512x32xbf16>, vector<1024x512xf32> -> vector<1024x512xf32>
    %add3A_147 = vector.broadcast %get3A_142 : vector<1x512xf32> to vector<1024x512xf32>
    %add3A_148 = arith.addf %dot_general3A_146, %add3A_147 : vector<1024x512xf32>
    %max3A = arith.constant 0.000000e+00 : f32
    %max3A_149 = vector.broadcast %max3A : f32 to vector<1024x512xf32>
    %max3A_150 = arith.maximumf %add3A_148, %max3A_149 : vector<1024x512xf32>
    %get3A_151 = arith.constant 0 : index
    %get3A_152 = arith.constant 0 : index
    %get3A_153 = vector.load %arg14[%get3A_151, %get3A_152] : memref<32x2048xf32, #tpu.memory_space<vmem>>, vector<32x512xf32>
    %convert_element_type3A_154 = arith.truncf %max3A_150 : vector<1024x512xf32> to vector<1024x512xbf16>
    %convert_element_type3A_155 = arith.truncf %get3A_153 : vector<32x512xf32> to vector<32x512xbf16>
    %dot_general3A_156 = arith.constant dense<0.000000e+00> : vector<1024x32xf32>
    %dot_general3A_157 = tpu.matmul %convert_element_type3A_154, %convert_element_type3A_155, %dot_general3A_156 {dimension_numbers = #tpu.dot_dimension_numbers<[1], [1], [0], [0], [0, 0, 1, 0], [], []>, transpose_lhs_hint = false} : vector<1024x512xbf16>, vector<32x512xbf16>, vector<1024x32xf32> -> vector<1024x32xf32>
    %add3A_158 = arith.addf %broadcast_in_dim3A_136, %dot_general3A_157 : vector<1024x32xf32>
    %get3A_159 = arith.constant 512 : index
    %get3A_160 = arith.constant 0 : index
    %get3A_161 = vector.load %arg12[%get3A_159, %get3A_160] : memref<2048x32xf32, #tpu.memory_space<vmem>>, vector<512x32xf32>
    %get3A_162 = arith.constant 0 : index
    %get3A_163 = arith.constant 512 : index
    %get3A_164 = vector.load %arg13[%get3A_162, %get3A_163] : memref<1x2048xf32, #tpu.memory_space<vmem>>, vector<1x512xf32>
    %convert_element_type3A_165 = arith.truncf %add3A_134 : vector<1024x32xf32> to vector<1024x32xbf16>
    %convert_element_type3A_166 = arith.truncf %get3A_161 : vector<512x32xf32> to vector<512x32xbf16>
    %dot_general3A_167 = arith.constant dense<0.000000e+00> : vector<1024x512xf32>
    %dot_general3A_168 = tpu.matmul %convert_element_type3A_165, %convert_element_type3A_166, %dot_general3A_167 {dimension_numbers = #tpu.dot_dimension_numbers<[1], [1], [0], [0], [0, 0, 1, 0], [], []>, transpose_lhs_hint = false} : vector<1024x32xbf16>, vector<512x32xbf16>, vector<1024x512xf32> -> vector<1024x512xf32>
    %add3A_169 = vector.broadcast %get3A_164 : vector<1x512xf32> to vector<1024x512xf32>
    %add3A_170 = arith.addf %dot_general3A_168, %add3A_169 : vector<1024x512xf32>
    %max3A_171 = arith.constant 0.000000e+00 : f32
    %max3A_172 = vector.broadcast %max3A_171 : f32 to vector<1024x512xf32>
    %max3A_173 = arith.maximumf %add3A_170, %max3A_172 : vector<1024x512xf32>
    %get3A_174 = arith.constant 0 : index
    %get3A_175 = arith.constant 512 : index
    %get3A_176 = vector.load %arg14[%get3A_174, %get3A_175] : memref<32x2048xf32, #tpu.memory_space<vmem>>, vector<32x512xf32>
    %convert_element_type3A_177 = arith.truncf %max3A_173 : vector<1024x512xf32> to vector<1024x512xbf16>
    %convert_element_type3A_178 = arith.truncf %get3A_176 : vector<32x512xf32> to vector<32x512xbf16>
    %dot_general3A_179 = arith.constant dense<0.000000e+00> : vector<1024x32xf32>
    %dot_general3A_180 = tpu.matmul %convert_element_type3A_177, %convert_element_type3A_178, %dot_general3A_179 {dimension_numbers = #tpu.dot_dimension_numbers<[1], [1], [0], [0], [0, 0, 1, 0], [], []>, transpose_lhs_hint = false} : vector<1024x512xbf16>, vector<32x512xbf16>, vector<1024x32xf32> -> vector<1024x32xf32>
    %add3A_181 = arith.addf %add3A_158, %dot_general3A_180 : vector<1024x32xf32>
    %get3A_182 = arith.constant 1024 : index
    %get3A_183 = arith.constant 0 : index
    %get3A_184 = vector.load %arg12[%get3A_182, %get3A_183] : memref<2048x32xf32, #tpu.memory_space<vmem>>, vector<512x32xf32>
    %get3A_185 = arith.constant 0 : index
    %get3A_186 = arith.constant 1024 : index
    %get3A_187 = vector.load %arg13[%get3A_185, %get3A_186] : memref<1x2048xf32, #tpu.memory_space<vmem>>, vector<1x512xf32>
    %convert_element_type3A_188 = arith.truncf %add3A_134 : vector<1024x32xf32> to vector<1024x32xbf16>
    %convert_element_type3A_189 = arith.truncf %get3A_184 : vector<512x32xf32> to vector<512x32xbf16>
    %dot_general3A_190 = arith.constant dense<0.000000e+00> : vector<1024x512xf32>
    %dot_general3A_191 = tpu.matmul %convert_element_type3A_188, %convert_element_type3A_189, %dot_general3A_190 {dimension_numbers = #tpu.dot_dimension_numbers<[1], [1], [0], [0], [0, 0, 1, 0], [], []>, transpose_lhs_hint = false} : vector<1024x32xbf16>, vector<512x32xbf16>, vector<1024x512xf32> -> vector<1024x512xf32>
    %add3A_192 = vector.broadcast %get3A_187 : vector<1x512xf32> to vector<1024x512xf32>
    %add3A_193 = arith.addf %dot_general3A_191, %add3A_192 : vector<1024x512xf32>
    %max3A_194 = arith.constant 0.000000e+00 : f32
    %max3A_195 = vector.broadcast %max3A_194 : f32 to vector<1024x512xf32>
    %max3A_196 = arith.maximumf %add3A_193, %max3A_195 : vector<1024x512xf32>
    %get3A_197 = arith.constant 0 : index
    %get3A_198 = arith.constant 1024 : index
    %get3A_199 = vector.load %arg14[%get3A_197, %get3A_198] : memref<32x2048xf32, #tpu.memory_space<vmem>>, vector<32x512xf32>
    %convert_element_type3A_200 = arith.truncf %max3A_196 : vector<1024x512xf32> to vector<1024x512xbf16>
    %convert_element_type3A_201 = arith.truncf %get3A_199 : vector<32x512xf32> to vector<32x512xbf16>
    %dot_general3A_202 = arith.constant dense<0.000000e+00> : vector<1024x32xf32>
    %dot_general3A_203 = tpu.matmul %convert_element_type3A_200, %convert_element_type3A_201, %dot_general3A_202 {dimension_numbers = #tpu.dot_dimension_numbers<[1], [1], [0], [0], [0, 0, 1, 0], [], []>, transpose_lhs_hint = false} : vector<1024x512xbf16>, vector<32x512xbf16>, vector<1024x32xf32> -> vector<1024x32xf32>
    %add3A_204 = arith.addf %add3A_181, %dot_general3A_203 : vector<1024x32xf32>
    %get3A_205 = arith.constant 1536 : index
    %get3A_206 = arith.constant 0 : index
    %get3A_207 = vector.load %arg12[%get3A_205, %get3A_206] : memref<2048x32xf32, #tpu.memory_space<vmem>>, vector<512x32xf32>
    %get3A_208 = arith.constant 0 : index
    %get3A_209 = arith.constant 1536 : index
    %get3A_210 = vector.load %arg13[%get3A_208, %get3A_209] : memref<1x2048xf32, #tpu.memory_space<vmem>>, vector<1x512xf32>
    %convert_element_type3A_211 = arith.truncf %add3A_134 : vector<1024x32xf32> to vector<1024x32xbf16>
    %convert_element_type3A_212 = arith.truncf %get3A_207 : vector<512x32xf32> to vector<512x32xbf16>
    %dot_general3A_213 = arith.constant dense<0.000000e+00> : vector<1024x512xf32>
    %dot_general3A_214 = tpu.matmul %convert_element_type3A_211, %convert_element_type3A_212, %dot_general3A_213 {dimension_numbers = #tpu.dot_dimension_numbers<[1], [1], [0], [0], [0, 0, 1, 0], [], []>, transpose_lhs_hint = false} : vector<1024x32xbf16>, vector<512x32xbf16>, vector<1024x512xf32> -> vector<1024x512xf32>
    %add3A_215 = vector.broadcast %get3A_210 : vector<1x512xf32> to vector<1024x512xf32>
    %add3A_216 = arith.addf %dot_general3A_214, %add3A_215 : vector<1024x512xf32>
    %max3A_217 = arith.constant 0.000000e+00 : f32
    %max3A_218 = vector.broadcast %max3A_217 : f32 to vector<1024x512xf32>
    %max3A_219 = arith.maximumf %add3A_216, %max3A_218 : vector<1024x512xf32>
    %get3A_220 = arith.constant 0 : index
    %get3A_221 = arith.constant 1536 : index
    %get3A_222 = vector.load %arg14[%get3A_220, %get3A_221] : memref<32x2048xf32, #tpu.memory_space<vmem>>, vector<32x512xf32>
    %convert_element_type3A_223 = arith.truncf %max3A_219 : vector<1024x512xf32> to vector<1024x512xbf16>
    %convert_element_type3A_224 = arith.truncf %get3A_222 : vector<32x512xf32> to vector<32x512xbf16>
    %dot_general3A_225 = arith.constant dense<0.000000e+00> : vector<1024x32xf32>
    %dot_general3A_226 = tpu.matmul %convert_element_type3A_223, %convert_element_type3A_224, %dot_general3A_225 {dimension_numbers = #tpu.dot_dimension_numbers<[1], [1], [0], [0], [0, 0, 1, 0], [], []>, transpose_lhs_hint = false} : vector<1024x512xbf16>, vector<32x512xbf16>, vector<1024x32xf32> -> vector<1024x32xf32>
    %add3A_227 = arith.addf %add3A_204, %dot_general3A_226 : vector<1024x32xf32>
    %add3A_228 = arith.addf %add3A_134, %add3A_227 : vector<1024x32xf32>
    %get3A_229 = arith.constant 0 : index
    %get3A_230 = arith.constant 0 : index
    %get3A_231 = vector.load %arg15[%get3A_229, %get3A_230] : memref<1x32xf32, #tpu.memory_space<vmem>>, vector<1x32xf32>
    %add3A_232 = vector.broadcast %get3A_231 : vector<1x32xf32> to vector<1024x32xf32>
    %add3A_233 = arith.addf %add3A_228, %add3A_232 : vector<1024x32xf32>
    %get3A_234 = arith.constant 0 : index
    %get3A_235 = arith.constant 0 : index
    %get3A_236 = vector.load %arg18[%get3A_234, %get3A_235] : memref<1x32xf32, #tpu.memory_space<vmem>>, vector<1x32xf32>
    %get3A_237 = arith.constant 0 : index
    %get3A_238 = arith.constant 0 : index
    %get3A_239 = vector.load %arg19[%get3A_237, %get3A_238] : memref<1x32xf32, #tpu.memory_space<vmem>>, vector<1x32xf32>
    %reduce_sum3A_240 = arith.constant dense<0.000000e+00> : vector<1024xf32>
    %reduce_sum3A_241 = vector.multi_reduction <add>, %add3A_233, %reduce_sum3A_240 [1] : vector<1024x32xf32> to vector<1024xf32>
    %broadcast_in_dim3A_242 = vector.shape_cast %reduce_sum3A_241 : vector<1024xf32> to vector<1024x1xf32>
    %div3A_243 = arith.constant 3.200000e+01 : f32
    %div3A_244 = vector.broadcast %div3A_243 : f32 to vector<1024x1xf32>
    %div3A_245 = arith.divf %broadcast_in_dim3A_242, %div3A_244 : vector<1024x1xf32>
    %sub3A_246 = vector.broadcast %div3A_245 : vector<1024x1xf32> to vector<1024x32xf32>
    %sub3A_247 = arith.subf %add3A_233, %sub3A_246 : vector<1024x32xf32>
    %integer_pow3A_248 = arith.mulf %sub3A_247, %sub3A_247 : vector<1024x32xf32>
    %reduce_sum3A_249 = arith.constant dense<0.000000e+00> : vector<1024xf32>
    %reduce_sum3A_250 = vector.multi_reduction <add>, %integer_pow3A_248, %reduce_sum3A_249 [1] : vector<1024x32xf32> to vector<1024xf32>
    %broadcast_in_dim3A_251 = vector.shape_cast %reduce_sum3A_250 : vector<1024xf32> to vector<1024x1xf32>
    %div3A_252 = arith.constant 3.200000e+01 : f32
    %div3A_253 = vector.broadcast %div3A_252 : f32 to vector<1024x1xf32>
    %div3A_254 = arith.divf %broadcast_in_dim3A_251, %div3A_253 : vector<1024x1xf32>
    %sub3A_255 = vector.broadcast %div3A_245 : vector<1024x1xf32> to vector<1024x32xf32>
    %sub3A_256 = arith.subf %add3A_233, %sub3A_255 : vector<1024x32xf32>
    %add3A_257 = arith.constant 9.99999974E-6 : f32
    %add3A_258 = vector.broadcast %add3A_257 : f32 to vector<1024x1xf32>
    %add3A_259 = arith.addf %div3A_254, %add3A_258 : vector<1024x1xf32>
    %sqrt3A_260 = math.sqrt %add3A_259 : vector<1024x1xf32>
    %div3A_261 = vector.broadcast %sqrt3A_260 : vector<1024x1xf32> to vector<1024x32xf32>
    %div3A_262 = arith.divf %sub3A_256, %div3A_261 : vector<1024x32xf32>
    %mul3A_263 = vector.broadcast %get3A_236 : vector<1x32xf32> to vector<1024x32xf32>
    %mul3A_264 = arith.mulf %div3A_262, %mul3A_263 : vector<1024x32xf32>
    %add3A_265 = vector.broadcast %get3A_239 : vector<1x32xf32> to vector<1024x32xf32>
    %add3A_266 = arith.addf %mul3A_264, %add3A_265 : vector<1024x32xf32>
    %get3A_267 = arith.constant 0 : index
    %get3A_268 = arith.constant 0 : index
    %get3A_269 = vector.load %arg20[%get3A_267, %get3A_268] : memref<16x32xf32, #tpu.memory_space<vmem>>, vector<16x32xf32>
    %convert_element_type3A_270 = arith.truncf %add3A_266 : vector<1024x32xf32> to vector<1024x32xbf16>
    %convert_element_type3A_271 = arith.truncf %get3A_269 : vector<16x32xf32> to vector<16x32xbf16>
    %dot_general3A_272 = arith.constant dense<0.000000e+00> : vector<1024x16xf32>
    %dot_general3A_273 = tpu.matmul %convert_element_type3A_270, %convert_element_type3A_271, %dot_general3A_272 {dimension_numbers = #tpu.dot_dimension_numbers<[1], [1], [0], [0], [0, 0, 1, 0], [], []>, transpose_lhs_hint = false} : vector<1024x32xbf16>, vector<16x32xbf16>, vector<1024x16xf32> -> vector<1024x16xf32>
    %get3A_274 = arith.constant 0 : index
    %get3A_275 = arith.constant 0 : index
    %get3A_276 = vector.load %arg21[%get3A_274, %get3A_275] : memref<1x16xf32, #tpu.memory_space<vmem>>, vector<1x16xf32>
    %add3A_277 = vector.broadcast %get3A_276 : vector<1x16xf32> to vector<1024x16xf32>
    %add3A_278 = arith.addf %dot_general3A_273, %add3A_277 : vector<1024x16xf32>
    %max3A_279 = arith.constant 0.000000e+00 : f32
    %max3A_280 = vector.broadcast %max3A_279 : f32 to vector<1024x16xf32>
    %max3A_281 = arith.maximumf %add3A_278, %max3A_280 : vector<1024x16xf32>
    %convert_element_type3A_282 = arith.truncf %max3A_281 : vector<1024x16xf32> to vector<1024x16xbf16>
    %convert_element_type3A_283 = arith.extf %convert_element_type3A_282 : vector<1024x16xbf16> to vector<1024x16xf32>
    %get3A_284 = arith.constant 0 : index
    %get3A_285 = arith.constant 0 : index
    %get3A_286 = vector.load %arg22[%get3A_284, %get3A_285] : memref<1x16xf32, #tpu.memory_space<vmem>>, vector<1x16xf32>
    %convert_element_type3A_287 = arith.truncf %get3A_286 : vector<1x16xf32> to vector<1x16xbf16>
    %convert_element_type3A_288 = arith.extf %convert_element_type3A_287 : vector<1x16xbf16> to vector<1x16xf32>
    %mul3A_289 = vector.broadcast %convert_element_type3A_288 : vector<1x16xf32> to vector<1024x16xf32>
    %mul3A_290 = arith.mulf %convert_element_type3A_283, %mul3A_289 : vector<1024x16xf32>
    %reduce_sum3A_291 = arith.constant dense<0.000000e+00> : vector<1024xf32>
    %reduce_sum3A_292 = vector.multi_reduction <add>, %mul3A_290, %reduce_sum3A_291 [1] : vector<1024x16xf32> to vector<1024xf32>
    %broadcast_in_dim3A_293 = vector.shape_cast %reduce_sum3A_292 : vector<1024xf32> to vector<1024x1xf32>
    %get3A_294 = arith.constant 0 : index
    %get3A_295 = arith.constant 0 : index
    %get3A_296 = vector.load %arg23[%get3A_294, %get3A_295] : memref<1x1xf32, #tpu.memory_space<vmem>>, vector<1x1xf32>
    %add3A_297 = vector.broadcast %get3A_296 : vector<1x1xf32> to vector<1024x1xf32>
    %add3A_298 = arith.addf %broadcast_in_dim3A_293, %add3A_297 : vector<1024x1xf32>
    %neg3A = arith.constant 0.000000e+00 : f32
    %neg3A_299 = vector.broadcast %neg3A : f32 to vector<1024x1xf32>
    %neg3A_300 = arith.subf %neg3A_299, %add3A_298 : vector<1024x1xf32>
    %exp3A_301 = math.exp %neg3A_300 : vector<1024x1xf32>
    %add3A_302 = arith.constant 1.000000e+00 : f32
    %add3A_303 = vector.broadcast %add3A_302 : f32 to vector<1024x1xf32>
    %add3A_304 = arith.addf %add3A_303, %exp3A_301 : vector<1024x1xf32>
    %div3A_305 = arith.constant 1.000000e+00 : f32
    %div3A_306 = vector.broadcast %div3A_305 : f32 to vector<1024x1xf32>
    %div3A_307 = arith.divf %div3A_306, %add3A_304 : vector<1024x1xf32>
    %mul3A_308 = vector.broadcast %div3A_307 : vector<1024x1xf32> to vector<1024x32xf32>
    %mul3A_309 = arith.mulf %add3A_266, %mul3A_308 : vector<1024x32xf32>
    %get3A_310 = arith.constant 0 : index
    %get3A_311 = arith.constant 0 : index
    %get3A_312 = vector.load %arg24[%get3A_310, %get3A_311] : memref<24x32xf32, #tpu.memory_space<vmem>>, vector<24x32xf32>
    %convert_element_type3A_313 = arith.truncf %mul3A_309 : vector<1024x32xf32> to vector<1024x32xbf16>
    %convert_element_type3A_314 = arith.truncf %get3A_312 : vector<24x32xf32> to vector<24x32xbf16>
    %dot_general3A_315 = arith.constant dense<0.000000e+00> : vector<1024x24xf32>
    %dot_general3A_316 = tpu.matmul %convert_element_type3A_313, %convert_element_type3A_314, %dot_general3A_315 {dimension_numbers = #tpu.dot_dimension_numbers<[1], [1], [0], [0], [0, 0, 1, 0], [], []>, transpose_lhs_hint = false} : vector<1024x32xbf16>, vector<24x32xbf16>, vector<1024x24xf32> -> vector<1024x24xf32>
    %get3A_317 = arith.constant 0 : index
    %get3A_318 = arith.constant 0 : index
    %get3A_319 = vector.load %arg25[%get3A_317, %get3A_318] : memref<1x24xf32, #tpu.memory_space<vmem>>, vector<1x24xf32>
    %add3A_320 = vector.broadcast %get3A_319 : vector<1x24xf32> to vector<1024x24xf32>
    %add3A_321 = arith.addf %dot_general3A_316, %add3A_320 : vector<1024x24xf32>
    %reshape3A_322 = vector.shape_cast %add3A_321 : vector<1024x24xf32> to vector<16x64x24xf32>
    %swap3A = arith.constant 0 : index
    %swap3A_323 = arith.constant 0 : index
    %swap3A_324 = arith.constant 0 : index
    %swap3A_325 = vector.load %arg27[%swap3A, %swap3A_323, %swap3A_324] : memref<16x64x24xf32, #tpu.memory_space<vmem>>, vector<16x64x24xf32>
    tpu.vector_store %arg27[%swap3A, %swap3A_323, %swap3A_324], %reshape3A_322 {strides = array<i32>} : memref<16x64x24xf32, #tpu.memory_space<vmem>>, vector<16x64x24xf32>,
    %get3A_326 = arith.constant 0 : index
    %get3A_327 = arith.constant 0 : index
    %get3A_328 = vector.load %arg26[%get3A_326, %get3A_327] : memref<24x16xf32, #tpu.memory_space<vmem>>, vector<24x16xf32>
    %convert_element_type3A_329 = arith.truncf %add3A_321 : vector<1024x24xf32> to vector<1024x24xbf16>
    %convert_element_type3A_330 = arith.truncf %get3A_328 : vector<24x16xf32> to vector<24x16xbf16>
    %dot_general3A_331 = arith.constant dense<0.000000e+00> : vector<1024x16xf32>
    %dot_general3A_332 = tpu.matmul %convert_element_type3A_329, %convert_element_type3A_330, %dot_general3A_331 {dimension_numbers = #tpu.dot_dimension_numbers<[1], [0], [0], [1], [0, 0, 1, 1], [], []>, transpose_lhs_hint = false} : vector<1024x24xbf16>, vector<24x16xbf16>, vector<1024x16xf32> -> vector<1024x16xf32>
    %reshape3A_333 = vector.shape_cast %dot_general3A_332 : vector<1024x16xf32> to vector<16x64x16xf32>
    %swap3A_334 = arith.constant 0 : index
    %swap3A_335 = arith.constant 0 : index
    %swap3A_336 = arith.constant 0 : index
    %swap3A_337 = vector.load %arg28[%swap3A_334, %swap3A_335, %swap3A_336] : memref<16x64x16xf32, #tpu.memory_space<vmem>>, vector<16x64x16xf32>
    tpu.vector_store %arg28[%swap3A_334, %swap3A_335, %swap3A_336], %reshape3A_333 {strides = array<i32>} : memref<16x64x16xf32, #tpu.memory_space<vmem>>, vector<16x64x16xf32>,
    return
  }
  func.func @transform_0(%arg0: i32) -> (i32, i32, i32) {
    %c0_i32 = arith.constant 0 : i32
    %c0_i32_0 = arith.constant 0 : i32
    %c0_i32_1 = arith.constant 0 : i32
    return %c0_i32, %arg0, %c0_i32_0 : i32, i32, i32
  }
  func.func @transform_1(%arg0: i32) -> (i32, i32) {
    %c0_i32 = arith.constant 0 : i32
    %c0_i32_0 = arith.constant 0 : i32
    return %arg0, %c0_i32 : i32, i32
  }
  func.func @transform_2(%arg0: i32) -> (i32, i32) {
    %c0_i32 = arith.constant 0 : i32
    %c0_i32_0 = arith.constant 0 : i32
    %c0_i32_1 = arith.constant 0 : i32
    return %c0_i32, %c0_i32_0 : i32, i32
  }
  func.func @transform_3(%arg0: i32) -> (i32, i32) {
    %c0_i32 = arith.constant 0 : i32
    %c0_i32_0 = arith.constant 0 : i32
    %c0_i32_1 = arith.constant 0 : i32
    return %c0_i32, %c0_i32_0 : i32, i32
  }
  func.func @transform_4(%arg0: i32) -> (i32, i32) {
    %c0_i32 = arith.constant 0 : i32
    %c0_i32_0 = arith.constant 0 : i32
    %c0_i32_1 = arith.constant 0 : i32
    return %c0_i32, %c0_i32_0 : i32, i32
  }
  func.func @transform_5(%arg0: i32) -> (i32, i32) {
    %c0_i32 = arith.constant 0 : i32
    %c0_i32_0 = arith.constant 0 : i32
    %c0_i32_1 = arith.constant 0 : i32
    return %c0_i32, %c0_i32_0 : i32, i32
  }
  func.func @transform_6(%arg0: i32) -> (i32, i32) {
    %c0_i32 = arith.constant 0 : i32
    %c0_i32_0 = arith.constant 0 : i32
    %c0_i32_1 = arith.constant 0 : i32
    return %c0_i32, %c0_i32_0 : i32, i32
  }
  func.func @transform_7(%arg0: i32) -> (i32, i32) {
    %c0_i32 = arith.constant 0 : i32
    %c0_i32_0 = arith.constant 0 : i32
    %c0_i32_1 = arith.constant 0 : i32
    return %c0_i32, %c0_i32_0 : i32, i32
  }
  func.func @transform_8(%arg0: i32) -> (i32, i32) {
    %c0_i32 = arith.constant 0 : i32
    %c0_i32_0 = arith.constant 0 : i32
    %c0_i32_1 = arith.constant 0 : i32
    return %c0_i32, %c0_i32_0 : i32, i32
  }
  func.func @transform_9(%arg0: i32) -> (i32, i32) {
    %c0_i32 = arith.constant 0 : i32
    %c0_i32_0 = arith.constant 0 : i32
    %c0_i32_1 = arith.constant 0 : i32
    return %c0_i32, %c0_i32_0 : i32, i32
  }
  func.func @transform_10(%arg0: i32) -> (i32, i32) {
    %c0_i32 = arith.constant 0 : i32
    %c0_i32_0 = arith.constant 0 : i32
    %c0_i32_1 = arith.constant 0 : i32
    return %c0_i32, %c0_i32_0 : i32, i32
  }
  func.func @transform_11(%arg0: i32) -> (i32, i32) {
    %c0_i32 = arith.constant 0 : i32
    %c0_i32_0 = arith.constant 0 : i32
    %c0_i32_1 = arith.constant 0 : i32
    return %c0_i32, %c0_i32_0 : i32, i32
  }
  func.func @transform_12(%arg0: i32) -> (i32, i32) {
    %c0_i32 = arith.constant 0 : i32
    %c0_i32_0 = arith.constant 0 : i32
    %c0_i32_1 = arith.constant 0 : i32
    return %c0_i32, %c0_i32_0 : i32, i32
  }
  func.func @transform_13(%arg0: i32) -> (i32, i32) {
    %c0_i32 = arith.constant 0 : i32
    %c0_i32_0 = arith.constant 0 : i32
    %c0_i32_1 = arith.constant 0 : i32
    return %c0_i32, %c0_i32_0 : i32, i32
  }
  func.func @transform_14(%arg0: i32) -> (i32, i32) {
    %c0_i32 = arith.constant 0 : i32
    %c0_i32_0 = arith.constant 0 : i32
    %c0_i32_1 = arith.constant 0 : i32
    return %c0_i32, %c0_i32_0 : i32, i32
  }
  func.func @transform_15(%arg0: i32) -> (i32, i32) {
    %c0_i32 = arith.constant 0 : i32
    %c0_i32_0 = arith.constant 0 : i32
    %c0_i32_1 = arith.constant 0 : i32
    return %c0_i32, %c0_i32_0 : i32, i32
  }
  func.func @transform_16(%arg0: i32) -> (i32, i32) {
    %c0_i32 = arith.constant 0 : i32
    %c0_i32_0 = arith.constant 0 : i32
    %c0_i32_1 = arith.constant 0 : i32
    return %c0_i32, %c0_i32_0 : i32, i32
  }
  func.func @transform_17(%arg0: i32) -> (i32, i32) {
    %c0_i32 = arith.constant 0 : i32
    %c0_i32_0 = arith.constant 0 : i32
    %c0_i32_1 = arith.constant 0 : i32
    return %c0_i32, %c0_i32_0 : i32, i32
  }
  func.func @transform_18(%arg0: i32) -> (i32, i32) {
    %c0_i32 = arith.constant 0 : i32
    %c0_i32_0 = arith.constant 0 : i32
    %c0_i32_1 = arith.constant 0 : i32
    return %c0_i32, %c0_i32_0 : i32, i32
  }
  func.func @transform_19(%arg0: i32) -> (i32, i32) {
    %c0_i32 = arith.constant 0 : i32
    %c0_i32_0 = arith.constant 0 : i32
    %c0_i32_1 = arith.constant 0 : i32
    return %c0_i32, %c0_i32_0 : i32, i32
  }
  func.func @transform_20(%arg0: i32) -> (i32, i32) {
    %c0_i32 = arith.constant 0 : i32
    %c0_i32_0 = arith.constant 0 : i32
    %c0_i32_1 = arith.constant 0 : i32
    return %c0_i32, %c0_i32_0 : i32, i32
  }
  func.func @transform_21(%arg0: i32) -> (i32, i32) {
    %c0_i32 = arith.constant 0 : i32
    %c0_i32_0 = arith.constant 0 : i32
    %c0_i32_1 = arith.constant 0 : i32
    return %c0_i32, %c0_i32_0 : i32, i32
  }
  func.func @transform_22(%arg0: i32) -> (i32, i32) {
    %c0_i32 = arith.constant 0 : i32
    %c0_i32_0 = arith.constant 0 : i32
    %c0_i32_1 = arith.constant 0 : i32
    return %c0_i32, %c0_i32_0 : i32, i32
  }
  func.func @transform_23(%arg0: i32) -> (i32, i32) {
    %c0_i32 = arith.constant 0 : i32
    %c0_i32_0 = arith.constant 0 : i32
    %c0_i32_1 = arith.constant 0 : i32
    return %c0_i32, %c0_i32_0 : i32, i32
  }
  func.func @transform_24(%arg0: i32) -> (i32, i32) {
    %c0_i32 = arith.constant 0 : i32
    %c0_i32_0 = arith.constant 0 : i32
    %c0_i32_1 = arith.constant 0 : i32
    return %c0_i32, %c0_i32_0 : i32, i32
  }
  func.func @transform_25(%arg0: i32) -> (i32, i32) {
    %c0_i32 = arith.constant 0 : i32
    %c0_i32_0 = arith.constant 0 : i32
    %c0_i32_1 = arith.constant 0 : i32
    return %c0_i32, %c0_i32_0 : i32, i32
  }
  func.func @transform_26(%arg0: i32) -> (i32, i32, i32) {
    %c0_i32 = arith.constant 0 : i32
    %c0_i32_0 = arith.constant 0 : i32
    %c0_i32_1 = arith.constant 0 : i32
    return %c0_i32, %arg0, %c0_i32_0 : i32, i32, i32
  }
  func.func @transform_27(%arg0: i32) -> (i32, i32, i32) {
    %c0_i32 = arith.constant 0 : i32
    %c0_i32_0 = arith.constant 0 : i32
    %c0_i32_1 = arith.constant 0 : i32
    return %c0_i32, %arg0, %c0_i32_0 : i32, i32, i32
  }
}

module attributes {stable_mosaic.version = 14 : i64} {
  func.func @_topk_body(%arg0: i32, %arg1: i32, %arg2: memref<1x1024x24xf32, #tpu.memory_space<vmem>>, %arg3: memref<1x1024x24xf32, #tpu.memory_space<vmem>>, %arg4: memref<1x1024x16xi32, #tpu.memory_space<vmem>>) attributes {dimension_semantics = [#tpu.dimension_semantics<arbitrary>, #tpu.dimension_semantics<arbitrary>], iteration_bounds = array<i64: 16, 1>, scalar_prefetch = 0 : i64, scratch_operands = 0 : i64, tpu.core_type = #tpu.core_type<tc>, window_params = [{transform_indices = @transform_0, window_bounds = array<i64: 1, 1024, 24>}, {transform_indices = @transform_1, window_bounds = array<i64: 1, 1024, 24>}, {transform_indices = @transform_2, window_bounds = array<i64: 1, 1024, 16>}]} {
    %get3A = arith.constant 0 : index
    %get3A_0 = arith.constant 0 : index
    %get3A_1 = arith.constant 0 : index
    %get3A_2 = vector.load %arg2[%get3A, %get3A_0, %get3A_1] : memref<1x1024x24xf32, #tpu.memory_space<vmem>>, vector<1x1024x24xf32>
    %get3A_3 = vector.shape_cast %get3A_2 : vector<1x1024x24xf32> to vector<1024x24xf32>
    %get3A_4 = arith.constant 0 : index
    %get3A_5 = arith.constant 0 : index
    %get3A_6 = arith.constant 0 : index
    %get3A_7 = vector.load %arg3[%get3A_4, %get3A_5, %get3A_6] : memref<1x1024x24xf32, #tpu.memory_space<vmem>>, vector<1x1024x24xf32>
    %get3A_8 = vector.shape_cast %get3A_7 : vector<1x1024x24xf32> to vector<1024x24xf32>
    %mul3A = arith.mulf %get3A_3, %get3A_3 : vector<1024x24xf32>
    %reduce_sum3A = arith.constant dense<0.000000e+00> : vector<1024xf32>
    %reduce_sum3A_9 = vector.multi_reduction <add>, %mul3A, %reduce_sum3A [1] : vector<1024x24xf32> to vector<1024xf32>
    %broadcast_in_dim3A = vector.shape_cast %reduce_sum3A_9 : vector<1024xf32> to vector<1024x1xf32>
    %mul3A_10 = arith.mulf %get3A_8, %get3A_8 : vector<1024x24xf32>
    %broadcast_in_dim3A_11 = arith.constant 1.000000e+00 : f32
    %broadcast_in_dim3A_12 = vector.broadcast %broadcast_in_dim3A_11 : f32 to vector<8x24xf32>
    %dot_general3A = arith.constant dense<0.000000e+00> : vector<8x1024xf32>
    %dot_general3A_13 = tpu.matmul %broadcast_in_dim3A_12, %mul3A_10, %dot_general3A {dimension_numbers = #tpu.dot_dimension_numbers<[1], [1], [0], [0], [0, 0, 1, 0], [], []>, precision = #tpu.contract_precision<fp32>, transpose_lhs_hint = false} : vector<8x24xf32>, vector<1024x24xf32>, vector<8x1024xf32> -> vector<8x1024xf32>
    %slice3A = vector.extract_strided_slice %dot_general3A_13 {offsets = [0, 0], sizes = [1, 1024], strides = [1, 1]} : vector<8x1024xf32> to vector<1x1024xf32>
    %convert_element_type3A = arith.truncf %get3A_3 : vector<1024x24xf32> to vector<1024x24xbf16>
    %convert_element_type3A_14 = arith.truncf %get3A_8 : vector<1024x24xf32> to vector<1024x24xbf16>
    %dot_general3A_15 = arith.constant dense<0.000000e+00> : vector<1024x1024xf32>
    %dot_general3A_16 = tpu.matmul %convert_element_type3A, %convert_element_type3A_14, %dot_general3A_15 {dimension_numbers = #tpu.dot_dimension_numbers<[1], [1], [0], [0], [0, 0, 1, 0], [], []>, transpose_lhs_hint = false} : vector<1024x24xbf16>, vector<1024x24xbf16>, vector<1024x1024xf32> -> vector<1024x1024xf32>
    %add3A = vector.broadcast %broadcast_in_dim3A : vector<1024x1xf32> to vector<1024x1024xf32>
    %add3A_17 = vector.broadcast %slice3A : vector<1x1024xf32> to vector<1024x1024xf32>
    %add3A_18 = arith.addf %add3A, %add3A_17 : vector<1024x1024xf32>
    %mul3A_19 = arith.constant 2.000000e+00 : f32
    %mul3A_20 = vector.broadcast %mul3A_19 : f32 to vector<1024x1024xf32>
    %mul3A_21 = arith.mulf %mul3A_20, %dot_general3A_16 : vector<1024x1024xf32>
    %sub3A = arith.subf %add3A_18, %mul3A_21 : vector<1024x1024xf32>
    %iota3A = tpu.iota {dimensions = array<i32: 1>} : vector<1024x1024xi32>
    %reduce_min3A = arith.constant dense<0x7F800000> : vector<1024xf32>
    %reduce_min3A_22 = vector.multi_reduction <minimumf>, %sub3A, %reduce_min3A [1] : vector<1024x1024xf32> to vector<1024xf32>
    %broadcast_in_dim3A_23 = vector.shape_cast %reduce_min3A_22 : vector<1024xf32> to vector<1024x1xf32>
    %le3A = vector.broadcast %broadcast_in_dim3A_23 : vector<1024x1xf32> to vector<1024x1024xf32>
    %le3A_24 = arith.cmpf ole, %sub3A, %le3A : vector<1024x1024xf32>
    %jit3A = arith.constant 1073741824 : i32
    %broadcast_in_dim3A_25 = vector.broadcast %jit3A : i32 to vector<1024x1024xi32>
    %select_n3A = arith.select %le3A_24, %iota3A, %broadcast_in_dim3A_25 : vector<1024x1024xi1>, vector<1024x1024xi32>
    %reduce_min3A_26 = arith.constant dense<2147483647> : vector<1024xi32>
    %reduce_min3A_27 = vector.multi_reduction <minsi>, %select_n3A, %reduce_min3A_26 [1] : vector<1024x1024xi32> to vector<1024xi32>
    %broadcast_in_dim3A_28 = vector.shape_cast %reduce_min3A_27 : vector<1024xi32> to vector<1024x1xi32>
    %eq3A = vector.broadcast %broadcast_in_dim3A_28 : vector<1024x1xi32> to vector<1024x1024xi32>
    %eq3A_29 = arith.cmpi eq, %iota3A, %eq3A : vector<1024x1024xi32>
    %jit3A_30 = arith.constant 0x7F800000 : f32
    %broadcast_in_dim3A_31 = vector.broadcast %jit3A_30 : f32 to vector<1024x1024xf32>
    %select_n3A_32 = arith.select %eq3A_29, %broadcast_in_dim3A_31, %sub3A : vector<1024x1024xi1>, vector<1024x1024xf32>
    %reduce_min3A_33 = arith.constant dense<0x7F800000> : vector<1024xf32>
    %reduce_min3A_34 = vector.multi_reduction <minimumf>, %select_n3A_32, %reduce_min3A_33 [1] : vector<1024x1024xf32> to vector<1024xf32>
    %broadcast_in_dim3A_35 = vector.shape_cast %reduce_min3A_34 : vector<1024xf32> to vector<1024x1xf32>
    %le3A_36 = vector.broadcast %broadcast_in_dim3A_35 : vector<1024x1xf32> to vector<1024x1024xf32>
    %le3A_37 = arith.cmpf ole, %select_n3A_32, %le3A_36 : vector<1024x1024xf32>
    %jit3A_38 = arith.constant 1073741824 : i32
    %broadcast_in_dim3A_39 = vector.broadcast %jit3A_38 : i32 to vector<1024x1024xi32>
    %select_n3A_40 = arith.select %le3A_37, %iota3A, %broadcast_in_dim3A_39 : vector<1024x1024xi1>, vector<1024x1024xi32>
    %reduce_min3A_41 = arith.constant dense<2147483647> : vector<1024xi32>
    %reduce_min3A_42 = vector.multi_reduction <minsi>, %select_n3A_40, %reduce_min3A_41 [1] : vector<1024x1024xi32> to vector<1024xi32>
    %broadcast_in_dim3A_43 = vector.shape_cast %reduce_min3A_42 : vector<1024xi32> to vector<1024x1xi32>
    %eq3A_44 = vector.broadcast %broadcast_in_dim3A_43 : vector<1024x1xi32> to vector<1024x1024xi32>
    %eq3A_45 = arith.cmpi eq, %iota3A, %eq3A_44 : vector<1024x1024xi32>
    %jit3A_46 = arith.constant 0x7F800000 : f32
    %broadcast_in_dim3A_47 = vector.broadcast %jit3A_46 : f32 to vector<1024x1024xf32>
    %select_n3A_48 = arith.select %eq3A_45, %broadcast_in_dim3A_47, %select_n3A_32 : vector<1024x1024xi1>, vector<1024x1024xf32>
    %reduce_min3A_49 = arith.constant dense<0x7F800000> : vector<1024xf32>
    %reduce_min3A_50 = vector.multi_reduction <minimumf>, %select_n3A_48, %reduce_min3A_49 [1] : vector<1024x1024xf32> to vector<1024xf32>
    %broadcast_in_dim3A_51 = vector.shape_cast %reduce_min3A_50 : vector<1024xf32> to vector<1024x1xf32>
    %le3A_52 = vector.broadcast %broadcast_in_dim3A_51 : vector<1024x1xf32> to vector<1024x1024xf32>
    %le3A_53 = arith.cmpf ole, %select_n3A_48, %le3A_52 : vector<1024x1024xf32>
    %jit3A_54 = arith.constant 1073741824 : i32
    %broadcast_in_dim3A_55 = vector.broadcast %jit3A_54 : i32 to vector<1024x1024xi32>
    %select_n3A_56 = arith.select %le3A_53, %iota3A, %broadcast_in_dim3A_55 : vector<1024x1024xi1>, vector<1024x1024xi32>
    %reduce_min3A_57 = arith.constant dense<2147483647> : vector<1024xi32>
    %reduce_min3A_58 = vector.multi_reduction <minsi>, %select_n3A_56, %reduce_min3A_57 [1] : vector<1024x1024xi32> to vector<1024xi32>
    %broadcast_in_dim3A_59 = vector.shape_cast %reduce_min3A_58 : vector<1024xi32> to vector<1024x1xi32>
    %eq3A_60 = vector.broadcast %broadcast_in_dim3A_59 : vector<1024x1xi32> to vector<1024x1024xi32>
    %eq3A_61 = arith.cmpi eq, %iota3A, %eq3A_60 : vector<1024x1024xi32>
    %jit3A_62 = arith.constant 0x7F800000 : f32
    %broadcast_in_dim3A_63 = vector.broadcast %jit3A_62 : f32 to vector<1024x1024xf32>
    %select_n3A_64 = arith.select %eq3A_61, %broadcast_in_dim3A_63, %select_n3A_48 : vector<1024x1024xi1>, vector<1024x1024xf32>
    %reduce_min3A_65 = arith.constant dense<0x7F800000> : vector<1024xf32>
    %reduce_min3A_66 = vector.multi_reduction <minimumf>, %select_n3A_64, %reduce_min3A_65 [1] : vector<1024x1024xf32> to vector<1024xf32>
    %broadcast_in_dim3A_67 = vector.shape_cast %reduce_min3A_66 : vector<1024xf32> to vector<1024x1xf32>
    %le3A_68 = vector.broadcast %broadcast_in_dim3A_67 : vector<1024x1xf32> to vector<1024x1024xf32>
    %le3A_69 = arith.cmpf ole, %select_n3A_64, %le3A_68 : vector<1024x1024xf32>
    %jit3A_70 = arith.constant 1073741824 : i32
    %broadcast_in_dim3A_71 = vector.broadcast %jit3A_70 : i32 to vector<1024x1024xi32>
    %select_n3A_72 = arith.select %le3A_69, %iota3A, %broadcast_in_dim3A_71 : vector<1024x1024xi1>, vector<1024x1024xi32>
    %reduce_min3A_73 = arith.constant dense<2147483647> : vector<1024xi32>
    %reduce_min3A_74 = vector.multi_reduction <minsi>, %select_n3A_72, %reduce_min3A_73 [1] : vector<1024x1024xi32> to vector<1024xi32>
    %broadcast_in_dim3A_75 = vector.shape_cast %reduce_min3A_74 : vector<1024xi32> to vector<1024x1xi32>
    %eq3A_76 = vector.broadcast %broadcast_in_dim3A_75 : vector<1024x1xi32> to vector<1024x1024xi32>
    %eq3A_77 = arith.cmpi eq, %iota3A, %eq3A_76 : vector<1024x1024xi32>
    %jit3A_78 = arith.constant 0x7F800000 : f32
    %broadcast_in_dim3A_79 = vector.broadcast %jit3A_78 : f32 to vector<1024x1024xf32>
    %select_n3A_80 = arith.select %eq3A_77, %broadcast_in_dim3A_79, %select_n3A_64 : vector<1024x1024xi1>, vector<1024x1024xf32>
    %reduce_min3A_81 = arith.constant dense<0x7F800000> : vector<1024xf32>
    %reduce_min3A_82 = vector.multi_reduction <minimumf>, %select_n3A_80, %reduce_min3A_81 [1] : vector<1024x1024xf32> to vector<1024xf32>
    %broadcast_in_dim3A_83 = vector.shape_cast %reduce_min3A_82 : vector<1024xf32> to vector<1024x1xf32>
    %le3A_84 = vector.broadcast %broadcast_in_dim3A_83 : vector<1024x1xf32> to vector<1024x1024xf32>
    %le3A_85 = arith.cmpf ole, %select_n3A_80, %le3A_84 : vector<1024x1024xf32>
    %jit3A_86 = arith.constant 1073741824 : i32
    %broadcast_in_dim3A_87 = vector.broadcast %jit3A_86 : i32 to vector<1024x1024xi32>
    %select_n3A_88 = arith.select %le3A_85, %iota3A, %broadcast_in_dim3A_87 : vector<1024x1024xi1>, vector<1024x1024xi32>
    %reduce_min3A_89 = arith.constant dense<2147483647> : vector<1024xi32>
    %reduce_min3A_90 = vector.multi_reduction <minsi>, %select_n3A_88, %reduce_min3A_89 [1] : vector<1024x1024xi32> to vector<1024xi32>
    %broadcast_in_dim3A_91 = vector.shape_cast %reduce_min3A_90 : vector<1024xi32> to vector<1024x1xi32>
    %eq3A_92 = vector.broadcast %broadcast_in_dim3A_91 : vector<1024x1xi32> to vector<1024x1024xi32>
    %eq3A_93 = arith.cmpi eq, %iota3A, %eq3A_92 : vector<1024x1024xi32>
    %jit3A_94 = arith.constant 0x7F800000 : f32
    %broadcast_in_dim3A_95 = vector.broadcast %jit3A_94 : f32 to vector<1024x1024xf32>
    %select_n3A_96 = arith.select %eq3A_93, %broadcast_in_dim3A_95, %select_n3A_80 : vector<1024x1024xi1>, vector<1024x1024xf32>
    %reduce_min3A_97 = arith.constant dense<0x7F800000> : vector<1024xf32>
    %reduce_min3A_98 = vector.multi_reduction <minimumf>, %select_n3A_96, %reduce_min3A_97 [1] : vector<1024x1024xf32> to vector<1024xf32>
    %broadcast_in_dim3A_99 = vector.shape_cast %reduce_min3A_98 : vector<1024xf32> to vector<1024x1xf32>
    %le3A_100 = vector.broadcast %broadcast_in_dim3A_99 : vector<1024x1xf32> to vector<1024x1024xf32>
    %le3A_101 = arith.cmpf ole, %select_n3A_96, %le3A_100 : vector<1024x1024xf32>
    %jit3A_102 = arith.constant 1073741824 : i32
    %broadcast_in_dim3A_103 = vector.broadcast %jit3A_102 : i32 to vector<1024x1024xi32>
    %select_n3A_104 = arith.select %le3A_101, %iota3A, %broadcast_in_dim3A_103 : vector<1024x1024xi1>, vector<1024x1024xi32>
    %reduce_min3A_105 = arith.constant dense<2147483647> : vector<1024xi32>
    %reduce_min3A_106 = vector.multi_reduction <minsi>, %select_n3A_104, %reduce_min3A_105 [1] : vector<1024x1024xi32> to vector<1024xi32>
    %broadcast_in_dim3A_107 = vector.shape_cast %reduce_min3A_106 : vector<1024xi32> to vector<1024x1xi32>
    %eq3A_108 = vector.broadcast %broadcast_in_dim3A_107 : vector<1024x1xi32> to vector<1024x1024xi32>
    %eq3A_109 = arith.cmpi eq, %iota3A, %eq3A_108 : vector<1024x1024xi32>
    %jit3A_110 = arith.constant 0x7F800000 : f32
    %broadcast_in_dim3A_111 = vector.broadcast %jit3A_110 : f32 to vector<1024x1024xf32>
    %select_n3A_112 = arith.select %eq3A_109, %broadcast_in_dim3A_111, %select_n3A_96 : vector<1024x1024xi1>, vector<1024x1024xf32>
    %reduce_min3A_113 = arith.constant dense<0x7F800000> : vector<1024xf32>
    %reduce_min3A_114 = vector.multi_reduction <minimumf>, %select_n3A_112, %reduce_min3A_113 [1] : vector<1024x1024xf32> to vector<1024xf32>
    %broadcast_in_dim3A_115 = vector.shape_cast %reduce_min3A_114 : vector<1024xf32> to vector<1024x1xf32>
    %le3A_116 = vector.broadcast %broadcast_in_dim3A_115 : vector<1024x1xf32> to vector<1024x1024xf32>
    %le3A_117 = arith.cmpf ole, %select_n3A_112, %le3A_116 : vector<1024x1024xf32>
    %jit3A_118 = arith.constant 1073741824 : i32
    %broadcast_in_dim3A_119 = vector.broadcast %jit3A_118 : i32 to vector<1024x1024xi32>
    %select_n3A_120 = arith.select %le3A_117, %iota3A, %broadcast_in_dim3A_119 : vector<1024x1024xi1>, vector<1024x1024xi32>
    %reduce_min3A_121 = arith.constant dense<2147483647> : vector<1024xi32>
    %reduce_min3A_122 = vector.multi_reduction <minsi>, %select_n3A_120, %reduce_min3A_121 [1] : vector<1024x1024xi32> to vector<1024xi32>
    %broadcast_in_dim3A_123 = vector.shape_cast %reduce_min3A_122 : vector<1024xi32> to vector<1024x1xi32>
    %eq3A_124 = vector.broadcast %broadcast_in_dim3A_123 : vector<1024x1xi32> to vector<1024x1024xi32>
    %eq3A_125 = arith.cmpi eq, %iota3A, %eq3A_124 : vector<1024x1024xi32>
    %jit3A_126 = arith.constant 0x7F800000 : f32
    %broadcast_in_dim3A_127 = vector.broadcast %jit3A_126 : f32 to vector<1024x1024xf32>
    %select_n3A_128 = arith.select %eq3A_125, %broadcast_in_dim3A_127, %select_n3A_112 : vector<1024x1024xi1>, vector<1024x1024xf32>
    %reduce_min3A_129 = arith.constant dense<0x7F800000> : vector<1024xf32>
    %reduce_min3A_130 = vector.multi_reduction <minimumf>, %select_n3A_128, %reduce_min3A_129 [1] : vector<1024x1024xf32> to vector<1024xf32>
    %broadcast_in_dim3A_131 = vector.shape_cast %reduce_min3A_130 : vector<1024xf32> to vector<1024x1xf32>
    %le3A_132 = vector.broadcast %broadcast_in_dim3A_131 : vector<1024x1xf32> to vector<1024x1024xf32>
    %le3A_133 = arith.cmpf ole, %select_n3A_128, %le3A_132 : vector<1024x1024xf32>
    %jit3A_134 = arith.constant 1073741824 : i32
    %broadcast_in_dim3A_135 = vector.broadcast %jit3A_134 : i32 to vector<1024x1024xi32>
    %select_n3A_136 = arith.select %le3A_133, %iota3A, %broadcast_in_dim3A_135 : vector<1024x1024xi1>, vector<1024x1024xi32>
    %reduce_min3A_137 = arith.constant dense<2147483647> : vector<1024xi32>
    %reduce_min3A_138 = vector.multi_reduction <minsi>, %select_n3A_136, %reduce_min3A_137 [1] : vector<1024x1024xi32> to vector<1024xi32>
    %broadcast_in_dim3A_139 = vector.shape_cast %reduce_min3A_138 : vector<1024xi32> to vector<1024x1xi32>
    %eq3A_140 = vector.broadcast %broadcast_in_dim3A_139 : vector<1024x1xi32> to vector<1024x1024xi32>
    %eq3A_141 = arith.cmpi eq, %iota3A, %eq3A_140 : vector<1024x1024xi32>
    %jit3A_142 = arith.constant 0x7F800000 : f32
    %broadcast_in_dim3A_143 = vector.broadcast %jit3A_142 : f32 to vector<1024x1024xf32>
    %select_n3A_144 = arith.select %eq3A_141, %broadcast_in_dim3A_143, %select_n3A_128 : vector<1024x1024xi1>, vector<1024x1024xf32>
    %reduce_min3A_145 = arith.constant dense<0x7F800000> : vector<1024xf32>
    %reduce_min3A_146 = vector.multi_reduction <minimumf>, %select_n3A_144, %reduce_min3A_145 [1] : vector<1024x1024xf32> to vector<1024xf32>
    %broadcast_in_dim3A_147 = vector.shape_cast %reduce_min3A_146 : vector<1024xf32> to vector<1024x1xf32>
    %le3A_148 = vector.broadcast %broadcast_in_dim3A_147 : vector<1024x1xf32> to vector<1024x1024xf32>
    %le3A_149 = arith.cmpf ole, %select_n3A_144, %le3A_148 : vector<1024x1024xf32>
    %jit3A_150 = arith.constant 1073741824 : i32
    %broadcast_in_dim3A_151 = vector.broadcast %jit3A_150 : i32 to vector<1024x1024xi32>
    %select_n3A_152 = arith.select %le3A_149, %iota3A, %broadcast_in_dim3A_151 : vector<1024x1024xi1>, vector<1024x1024xi32>
    %reduce_min3A_153 = arith.constant dense<2147483647> : vector<1024xi32>
    %reduce_min3A_154 = vector.multi_reduction <minsi>, %select_n3A_152, %reduce_min3A_153 [1] : vector<1024x1024xi32> to vector<1024xi32>
    %broadcast_in_dim3A_155 = vector.shape_cast %reduce_min3A_154 : vector<1024xi32> to vector<1024x1xi32>
    %eq3A_156 = vector.broadcast %broadcast_in_dim3A_155 : vector<1024x1xi32> to vector<1024x1024xi32>
    %eq3A_157 = arith.cmpi eq, %iota3A, %eq3A_156 : vector<1024x1024xi32>
    %jit3A_158 = arith.constant 0x7F800000 : f32
    %broadcast_in_dim3A_159 = vector.broadcast %jit3A_158 : f32 to vector<1024x1024xf32>
    %select_n3A_160 = arith.select %eq3A_157, %broadcast_in_dim3A_159, %select_n3A_144 : vector<1024x1024xi1>, vector<1024x1024xf32>
    %reduce_min3A_161 = arith.constant dense<0x7F800000> : vector<1024xf32>
    %reduce_min3A_162 = vector.multi_reduction <minimumf>, %select_n3A_160, %reduce_min3A_161 [1] : vector<1024x1024xf32> to vector<1024xf32>
    %broadcast_in_dim3A_163 = vector.shape_cast %reduce_min3A_162 : vector<1024xf32> to vector<1024x1xf32>
    %le3A_164 = vector.broadcast %broadcast_in_dim3A_163 : vector<1024x1xf32> to vector<1024x1024xf32>
    %le3A_165 = arith.cmpf ole, %select_n3A_160, %le3A_164 : vector<1024x1024xf32>
    %jit3A_166 = arith.constant 1073741824 : i32
    %broadcast_in_dim3A_167 = vector.broadcast %jit3A_166 : i32 to vector<1024x1024xi32>
    %select_n3A_168 = arith.select %le3A_165, %iota3A, %broadcast_in_dim3A_167 : vector<1024x1024xi1>, vector<1024x1024xi32>
    %reduce_min3A_169 = arith.constant dense<2147483647> : vector<1024xi32>
    %reduce_min3A_170 = vector.multi_reduction <minsi>, %select_n3A_168, %reduce_min3A_169 [1] : vector<1024x1024xi32> to vector<1024xi32>
    %broadcast_in_dim3A_171 = vector.shape_cast %reduce_min3A_170 : vector<1024xi32> to vector<1024x1xi32>
    %eq3A_172 = vector.broadcast %broadcast_in_dim3A_171 : vector<1024x1xi32> to vector<1024x1024xi32>
    %eq3A_173 = arith.cmpi eq, %iota3A, %eq3A_172 : vector<1024x1024xi32>
    %jit3A_174 = arith.constant 0x7F800000 : f32
    %broadcast_in_dim3A_175 = vector.broadcast %jit3A_174 : f32 to vector<1024x1024xf32>
    %select_n3A_176 = arith.select %eq3A_173, %broadcast_in_dim3A_175, %select_n3A_160 : vector<1024x1024xi1>, vector<1024x1024xf32>
    %reduce_min3A_177 = arith.constant dense<0x7F800000> : vector<1024xf32>
    %reduce_min3A_178 = vector.multi_reduction <minimumf>, %select_n3A_176, %reduce_min3A_177 [1] : vector<1024x1024xf32> to vector<1024xf32>
    %broadcast_in_dim3A_179 = vector.shape_cast %reduce_min3A_178 : vector<1024xf32> to vector<1024x1xf32>
    %le3A_180 = vector.broadcast %broadcast_in_dim3A_179 : vector<1024x1xf32> to vector<1024x1024xf32>
    %le3A_181 = arith.cmpf ole, %select_n3A_176, %le3A_180 : vector<1024x1024xf32>
    %jit3A_182 = arith.constant 1073741824 : i32
    %broadcast_in_dim3A_183 = vector.broadcast %jit3A_182 : i32 to vector<1024x1024xi32>
    %select_n3A_184 = arith.select %le3A_181, %iota3A, %broadcast_in_dim3A_183 : vector<1024x1024xi1>, vector<1024x1024xi32>
    %reduce_min3A_185 = arith.constant dense<2147483647> : vector<1024xi32>
    %reduce_min3A_186 = vector.multi_reduction <minsi>, %select_n3A_184, %reduce_min3A_185 [1] : vector<1024x1024xi32> to vector<1024xi32>
    %broadcast_in_dim3A_187 = vector.shape_cast %reduce_min3A_186 : vector<1024xi32> to vector<1024x1xi32>
    %eq3A_188 = vector.broadcast %broadcast_in_dim3A_187 : vector<1024x1xi32> to vector<1024x1024xi32>
    %eq3A_189 = arith.cmpi eq, %iota3A, %eq3A_188 : vector<1024x1024xi32>
    %jit3A_190 = arith.constant 0x7F800000 : f32
    %broadcast_in_dim3A_191 = vector.broadcast %jit3A_190 : f32 to vector<1024x1024xf32>
    %select_n3A_192 = arith.select %eq3A_189, %broadcast_in_dim3A_191, %select_n3A_176 : vector<1024x1024xi1>, vector<1024x1024xf32>
    %reduce_min3A_193 = arith.constant dense<0x7F800000> : vector<1024xf32>
    %reduce_min3A_194 = vector.multi_reduction <minimumf>, %select_n3A_192, %reduce_min3A_193 [1] : vector<1024x1024xf32> to vector<1024xf32>
    %broadcast_in_dim3A_195 = vector.shape_cast %reduce_min3A_194 : vector<1024xf32> to vector<1024x1xf32>
    %le3A_196 = vector.broadcast %broadcast_in_dim3A_195 : vector<1024x1xf32> to vector<1024x1024xf32>
    %le3A_197 = arith.cmpf ole, %select_n3A_192, %le3A_196 : vector<1024x1024xf32>
    %jit3A_198 = arith.constant 1073741824 : i32
    %broadcast_in_dim3A_199 = vector.broadcast %jit3A_198 : i32 to vector<1024x1024xi32>
    %select_n3A_200 = arith.select %le3A_197, %iota3A, %broadcast_in_dim3A_199 : vector<1024x1024xi1>, vector<1024x1024xi32>
    %reduce_min3A_201 = arith.constant dense<2147483647> : vector<1024xi32>
    %reduce_min3A_202 = vector.multi_reduction <minsi>, %select_n3A_200, %reduce_min3A_201 [1] : vector<1024x1024xi32> to vector<1024xi32>
    %broadcast_in_dim3A_203 = vector.shape_cast %reduce_min3A_202 : vector<1024xi32> to vector<1024x1xi32>
    %eq3A_204 = vector.broadcast %broadcast_in_dim3A_203 : vector<1024x1xi32> to vector<1024x1024xi32>
    %eq3A_205 = arith.cmpi eq, %iota3A, %eq3A_204 : vector<1024x1024xi32>
    %jit3A_206 = arith.constant 0x7F800000 : f32
    %broadcast_in_dim3A_207 = vector.broadcast %jit3A_206 : f32 to vector<1024x1024xf32>
    %select_n3A_208 = arith.select %eq3A_205, %broadcast_in_dim3A_207, %select_n3A_192 : vector<1024x1024xi1>, vector<1024x1024xf32>
    %reduce_min3A_209 = arith.constant dense<0x7F800000> : vector<1024xf32>
    %reduce_min3A_210 = vector.multi_reduction <minimumf>, %select_n3A_208, %reduce_min3A_209 [1] : vector<1024x1024xf32> to vector<1024xf32>
    %broadcast_in_dim3A_211 = vector.shape_cast %reduce_min3A_210 : vector<1024xf32> to vector<1024x1xf32>
    %le3A_212 = vector.broadcast %broadcast_in_dim3A_211 : vector<1024x1xf32> to vector<1024x1024xf32>
    %le3A_213 = arith.cmpf ole, %select_n3A_208, %le3A_212 : vector<1024x1024xf32>
    %jit3A_214 = arith.constant 1073741824 : i32
    %broadcast_in_dim3A_215 = vector.broadcast %jit3A_214 : i32 to vector<1024x1024xi32>
    %select_n3A_216 = arith.select %le3A_213, %iota3A, %broadcast_in_dim3A_215 : vector<1024x1024xi1>, vector<1024x1024xi32>
    %reduce_min3A_217 = arith.constant dense<2147483647> : vector<1024xi32>
    %reduce_min3A_218 = vector.multi_reduction <minsi>, %select_n3A_216, %reduce_min3A_217 [1] : vector<1024x1024xi32> to vector<1024xi32>
    %broadcast_in_dim3A_219 = vector.shape_cast %reduce_min3A_218 : vector<1024xi32> to vector<1024x1xi32>
    %eq3A_220 = vector.broadcast %broadcast_in_dim3A_219 : vector<1024x1xi32> to vector<1024x1024xi32>
    %eq3A_221 = arith.cmpi eq, %iota3A, %eq3A_220 : vector<1024x1024xi32>
    %jit3A_222 = arith.constant 0x7F800000 : f32
    %broadcast_in_dim3A_223 = vector.broadcast %jit3A_222 : f32 to vector<1024x1024xf32>
    %select_n3A_224 = arith.select %eq3A_221, %broadcast_in_dim3A_223, %select_n3A_208 : vector<1024x1024xi1>, vector<1024x1024xf32>
    %reduce_min3A_225 = arith.constant dense<0x7F800000> : vector<1024xf32>
    %reduce_min3A_226 = vector.multi_reduction <minimumf>, %select_n3A_224, %reduce_min3A_225 [1] : vector<1024x1024xf32> to vector<1024xf32>
    %broadcast_in_dim3A_227 = vector.shape_cast %reduce_min3A_226 : vector<1024xf32> to vector<1024x1xf32>
    %le3A_228 = vector.broadcast %broadcast_in_dim3A_227 : vector<1024x1xf32> to vector<1024x1024xf32>
    %le3A_229 = arith.cmpf ole, %select_n3A_224, %le3A_228 : vector<1024x1024xf32>
    %jit3A_230 = arith.constant 1073741824 : i32
    %broadcast_in_dim3A_231 = vector.broadcast %jit3A_230 : i32 to vector<1024x1024xi32>
    %select_n3A_232 = arith.select %le3A_229, %iota3A, %broadcast_in_dim3A_231 : vector<1024x1024xi1>, vector<1024x1024xi32>
    %reduce_min3A_233 = arith.constant dense<2147483647> : vector<1024xi32>
    %reduce_min3A_234 = vector.multi_reduction <minsi>, %select_n3A_232, %reduce_min3A_233 [1] : vector<1024x1024xi32> to vector<1024xi32>
    %broadcast_in_dim3A_235 = vector.shape_cast %reduce_min3A_234 : vector<1024xi32> to vector<1024x1xi32>
    %eq3A_236 = vector.broadcast %broadcast_in_dim3A_235 : vector<1024x1xi32> to vector<1024x1024xi32>
    %eq3A_237 = arith.cmpi eq, %iota3A, %eq3A_236 : vector<1024x1024xi32>
    %jit3A_238 = arith.constant 0x7F800000 : f32
    %broadcast_in_dim3A_239 = vector.broadcast %jit3A_238 : f32 to vector<1024x1024xf32>
    %select_n3A_240 = arith.select %eq3A_237, %broadcast_in_dim3A_239, %select_n3A_224 : vector<1024x1024xi1>, vector<1024x1024xf32>
    %reduce_min3A_241 = arith.constant dense<0x7F800000> : vector<1024xf32>
    %reduce_min3A_242 = vector.multi_reduction <minimumf>, %select_n3A_240, %reduce_min3A_241 [1] : vector<1024x1024xf32> to vector<1024xf32>
    %broadcast_in_dim3A_243 = vector.shape_cast %reduce_min3A_242 : vector<1024xf32> to vector<1024x1xf32>
    %le3A_244 = vector.broadcast %broadcast_in_dim3A_243 : vector<1024x1xf32> to vector<1024x1024xf32>
    %le3A_245 = arith.cmpf ole, %select_n3A_240, %le3A_244 : vector<1024x1024xf32>
    %jit3A_246 = arith.constant 1073741824 : i32
    %broadcast_in_dim3A_247 = vector.broadcast %jit3A_246 : i32 to vector<1024x1024xi32>
    %select_n3A_248 = arith.select %le3A_245, %iota3A, %broadcast_in_dim3A_247 : vector<1024x1024xi1>, vector<1024x1024xi32>
    %reduce_min3A_249 = arith.constant dense<2147483647> : vector<1024xi32>
    %reduce_min3A_250 = vector.multi_reduction <minsi>, %select_n3A_248, %reduce_min3A_249 [1] : vector<1024x1024xi32> to vector<1024xi32>
    %broadcast_in_dim3A_251 = vector.shape_cast %reduce_min3A_250 : vector<1024xi32> to vector<1024x1xi32>
    %eq3A_252 = vector.broadcast %broadcast_in_dim3A_251 : vector<1024x1xi32> to vector<1024x1024xi32>
    %eq3A_253 = arith.cmpi eq, %iota3A, %eq3A_252 : vector<1024x1024xi32>
    %jit3A_254 = arith.constant 0x7F800000 : f32
    %broadcast_in_dim3A_255 = vector.broadcast %jit3A_254 : f32 to vector<1024x1024xf32>
    %select_n3A_256 = arith.select %eq3A_253, %broadcast_in_dim3A_255, %select_n3A_240 : vector<1024x1024xi1>, vector<1024x1024xf32>
    %reduce_min3A_257 = arith.constant dense<0x7F800000> : vector<1024xf32>
    %reduce_min3A_258 = vector.multi_reduction <minimumf>, %select_n3A_256, %reduce_min3A_257 [1] : vector<1024x1024xf32> to vector<1024xf32>
    %broadcast_in_dim3A_259 = vector.shape_cast %reduce_min3A_258 : vector<1024xf32> to vector<1024x1xf32>
    %le3A_260 = vector.broadcast %broadcast_in_dim3A_259 : vector<1024x1xf32> to vector<1024x1024xf32>
    %le3A_261 = arith.cmpf ole, %select_n3A_256, %le3A_260 : vector<1024x1024xf32>
    %jit3A_262 = arith.constant 1073741824 : i32
    %broadcast_in_dim3A_263 = vector.broadcast %jit3A_262 : i32 to vector<1024x1024xi32>
    %select_n3A_264 = arith.select %le3A_261, %iota3A, %broadcast_in_dim3A_263 : vector<1024x1024xi1>, vector<1024x1024xi32>
    %reduce_min3A_265 = arith.constant dense<2147483647> : vector<1024xi32>
    %reduce_min3A_266 = vector.multi_reduction <minsi>, %select_n3A_264, %reduce_min3A_265 [1] : vector<1024x1024xi32> to vector<1024xi32>
    %broadcast_in_dim3A_267 = vector.shape_cast %reduce_min3A_266 : vector<1024xi32> to vector<1024x1xi32>
    %eq3A_268 = vector.broadcast %broadcast_in_dim3A_267 : vector<1024x1xi32> to vector<1024x1024xi32>
    %eq3A_269 = arith.cmpi eq, %iota3A, %eq3A_268 : vector<1024x1024xi32>
    %jit3A_270 = arith.constant 0x7F800000 : f32
    %broadcast_in_dim3A_271 = vector.broadcast %jit3A_270 : f32 to vector<1024x1024xf32>
    %select_n3A_272 = arith.select %eq3A_269, %broadcast_in_dim3A_271, %select_n3A_256 : vector<1024x1024xi1>, vector<1024x1024xf32>
    %reduce_min3A_273 = arith.constant dense<0x7F800000> : vector<1024xf32>
    %reduce_min3A_274 = vector.multi_reduction <minimumf>, %select_n3A_272, %reduce_min3A_273 [1] : vector<1024x1024xf32> to vector<1024xf32>
    %broadcast_in_dim3A_275 = vector.shape_cast %reduce_min3A_274 : vector<1024xf32> to vector<1024x1xf32>
    %le3A_276 = vector.broadcast %broadcast_in_dim3A_275 : vector<1024x1xf32> to vector<1024x1024xf32>
    %le3A_277 = arith.cmpf ole, %select_n3A_272, %le3A_276 : vector<1024x1024xf32>
    %jit3A_278 = arith.constant 1073741824 : i32
    %broadcast_in_dim3A_279 = vector.broadcast %jit3A_278 : i32 to vector<1024x1024xi32>
    %select_n3A_280 = arith.select %le3A_277, %iota3A, %broadcast_in_dim3A_279 : vector<1024x1024xi1>, vector<1024x1024xi32>
    %reduce_min3A_281 = arith.constant dense<2147483647> : vector<1024xi32>
    %reduce_min3A_282 = vector.multi_reduction <minsi>, %select_n3A_280, %reduce_min3A_281 [1] : vector<1024x1024xi32> to vector<1024xi32>
    %broadcast_in_dim3A_283 = vector.shape_cast %reduce_min3A_282 : vector<1024xi32> to vector<1024x1xi32>
    %concatenate3A = tpu.concatenate %broadcast_in_dim3A_43, %broadcast_in_dim3A_59, %broadcast_in_dim3A_75, %broadcast_in_dim3A_91, %broadcast_in_dim3A_107, %broadcast_in_dim3A_123, %broadcast_in_dim3A_139, %broadcast_in_dim3A_155, %broadcast_in_dim3A_171, %broadcast_in_dim3A_187, %broadcast_in_dim3A_203, %broadcast_in_dim3A_219, %broadcast_in_dim3A_235, %broadcast_in_dim3A_251, %broadcast_in_dim3A_267, %broadcast_in_dim3A_283 in 1 : vector<1024x1xi32>, vector<1024x1xi32>, vector<1024x1xi32>, vector<1024x1xi32>, vector<1024x1xi32>, vector<1024x1xi32>, vector<1024x1xi32>, vector<1024x1xi32>, vector<1024x1xi32>, vector<1024x1xi32>, vector<1024x1xi32>, vector<1024x1xi32>, vector<1024x1xi32>, vector<1024x1xi32>, vector<1024x1xi32>, vector<1024x1xi32> -> vector<1024x16xi32>
    %mul3A_284 = arith.constant 1024 : i32
    %mul3A_285 = arith.muli %arg0, %mul3A_284 : i32
    %add3A_286 = vector.broadcast %mul3A_285 : i32 to vector<1024x16xi32>
    %add3A_287 = arith.addi %concatenate3A, %add3A_286 : vector<1024x16xi32>
    %swap3A = arith.constant 0 : index
    %swap3A_288 = arith.constant 0 : index
    %swap3A_289 = arith.constant 0 : index
    %swap3A_290 = vector.load %arg4[%swap3A, %swap3A_288, %swap3A_289] : memref<1x1024x16xi32, #tpu.memory_space<vmem>>, vector<1x1024x16xi32>
    %swap3A_291 = vector.shape_cast %swap3A_290 : vector<1x1024x16xi32> to vector<1024x16xi32>
    %swap3A_292 = vector.shape_cast %add3A_287 : vector<1024x16xi32> to vector<1x1024x16xi32>
    tpu.vector_store %arg4[%swap3A, %swap3A_288, %swap3A_289], %swap3A_292 {strides = array<i32>} : memref<1x1024x16xi32, #tpu.memory_space<vmem>>, vector<1x1024x16xi32>,
    return
  }
  func.func @transform_0(%arg0: i32, %arg1: i32) -> (i32, i32, i32) {
    %c0_i32 = arith.constant 0 : i32
    %c0_i32_0 = arith.constant 0 : i32
    return %arg0, %arg1, %c0_i32 : i32, i32, i32
  }
  func.func @transform_1(%arg0: i32, %arg1: i32) -> (i32, i32, i32) {
    %c0_i32 = arith.constant 0 : i32
    %c0_i32_0 = arith.constant 0 : i32
    %c0_i32_1 = arith.constant 0 : i32
    return %arg0, %c0_i32, %c0_i32_0 : i32, i32, i32
  }
  func.func @transform_2(%arg0: i32, %arg1: i32) -> (i32, i32, i32) {
    %c0_i32 = arith.constant 0 : i32
    %c0_i32_0 = arith.constant 0 : i32
    return %arg0, %arg1, %c0_i32 : i32, i32, i32
  }
}

module attributes {stable_mosaic.version = 14 : i64} {
  func.func @_edge_body(%arg0: i32, %arg1: i32, %arg2: memref<1x1024x24xf32, #tpu.memory_space<vmem>>, %arg3: memref<1x1024x256xf32, #tpu.memory_space<vmem>>, %arg4: memref<24x12xf32, #tpu.memory_space<vmem>>, %arg5: memref<1x12xf32, #tpu.memory_space<vmem>>, %arg6: memref<12x12xf32, #tpu.memory_space<vmem>>, %arg7: memref<24x12xf32, #tpu.memory_space<vmem>>, %arg8: memref<1x12xf32, #tpu.memory_space<vmem>>, %arg9: memref<12x12xf32, #tpu.memory_space<vmem>>, %arg10: memref<12x12xf32, #tpu.memory_space<vmem>>, %arg11: memref<24x12xf32, #tpu.memory_space<vmem>>, %arg12: memref<1x12xf32, #tpu.memory_space<vmem>>, %arg13: memref<1x1024x60xf32, #tpu.memory_space<vmem>>) attributes {dimension_semantics = [#tpu.dimension_semantics<arbitrary>, #tpu.dimension_semantics<arbitrary>], iteration_bounds = array<i64: 16, 1>, scalar_prefetch = 0 : i64, scratch_operands = 0 : i64, tpu.core_type = #tpu.core_type<tc>, window_params = [{transform_indices = @transform_0, window_bounds = array<i64: 1, 1024, 24>}, {transform_indices = @transform_1, window_bounds = array<i64: 1, 1024, 256>}, {pipeline_mode = #tpu.pipeline_mode<synchronous>, transform_indices = @transform_2, window_bounds = array<i64: 24, 12>}, {pipeline_mode = #tpu.pipeline_mode<synchronous>, transform_indices = @transform_3, window_bounds = array<i64: 1, 12>}, {pipeline_mode = #tpu.pipeline_mode<synchronous>, transform_indices = @transform_4, window_bounds = array<i64: 12, 12>}, {pipeline_mode = #tpu.pipeline_mode<synchronous>, transform_indices = @transform_5, window_bounds = array<i64: 24, 12>}, {pipeline_mode = #tpu.pipeline_mode<synchronous>, transform_indices = @transform_6, window_bounds = array<i64: 1, 12>}, {pipeline_mode = #tpu.pipeline_mode<synchronous>, transform_indices = @transform_7, window_bounds = array<i64: 12, 12>}, {pipeline_mode = #tpu.pipeline_mode<synchronous>, transform_indices = @transform_8, window_bounds = array<i64: 12, 12>}, {pipeline_mode = #tpu.pipeline_mode<synchronous>, transform_indices = @transform_9, window_bounds = array<i64: 24, 12>}, {pipeline_mode = #tpu.pipeline_mode<synchronous>, transform_indices = @transform_10, window_bounds = array<i64: 1, 12>}, {transform_indices = @transform_11, window_bounds = array<i64: 1, 1024, 60>}]} {
    %get3A = arith.constant 0 : index
    %get3A_0 = arith.constant 0 : index
    %get3A_1 = arith.constant 0 : index
    %get3A_2 = vector.load %arg2[%get3A, %get3A_0, %get3A_1] : memref<1x1024x24xf32, #tpu.memory_space<vmem>>, vector<1x1024x24xf32>
    %get3A_3 = vector.shape_cast %get3A_2 : vector<1x1024x24xf32> to vector<1024x24xf32>
    %get3A_4 = arith.constant 0 : index
    %get3A_5 = arith.constant 0 : index
    %get3A_6 = vector.load %arg4[%get3A_4, %get3A_5] : memref<24x12xf32, #tpu.memory_space<vmem>>, vector<24x12xf32>
    %convert_element_type3A = arith.truncf %get3A_3 : vector<1024x24xf32> to vector<1024x24xbf16>
    %convert_element_type3A_7 = arith.truncf %get3A_6 : vector<24x12xf32> to vector<24x12xbf16>
    %dot_general3A = arith.constant dense<0.000000e+00> : vector<1024x12xf32>
    %dot_general3A_8 = tpu.matmul %convert_element_type3A, %convert_element_type3A_7, %dot_general3A {dimension_numbers = #tpu.dot_dimension_numbers<[1], [0], [0], [1], [0, 0, 1, 1], [], []>, transpose_lhs_hint = false} : vector<1024x24xbf16>, vector<24x12xbf16>, vector<1024x12xf32> -> vector<1024x12xf32>
    %get3A_9 = arith.constant 0 : index
    %get3A_10 = arith.constant 0 : index
    %get3A_11 = vector.load %arg5[%get3A_9, %get3A_10] : memref<1x12xf32, #tpu.memory_space<vmem>>, vector<1x12xf32>
    %add3A = vector.broadcast %get3A_11 : vector<1x12xf32> to vector<1024x12xf32>
    %add3A_12 = arith.addf %dot_general3A_8, %add3A : vector<1024x12xf32>
    %get3A_13 = arith.constant 0 : index
    %get3A_14 = arith.constant 0 : index
    %get3A_15 = vector.load %arg7[%get3A_13, %get3A_14] : memref<24x12xf32, #tpu.memory_space<vmem>>, vector<24x12xf32>
    %convert_element_type3A_16 = arith.truncf %get3A_3 : vector<1024x24xf32> to vector<1024x24xbf16>
    %convert_element_type3A_17 = arith.truncf %get3A_15 : vector<24x12xf32> to vector<24x12xbf16>
    %dot_general3A_18 = arith.constant dense<0.000000e+00> : vector<1024x12xf32>
    %dot_general3A_19 = tpu.matmul %convert_element_type3A_16, %convert_element_type3A_17, %dot_general3A_18 {dimension_numbers = #tpu.dot_dimension_numbers<[1], [0], [0], [1], [0, 0, 1, 1], [], []>, transpose_lhs_hint = false} : vector<1024x24xbf16>, vector<24x12xbf16>, vector<1024x12xf32> -> vector<1024x12xf32>
    %get3A_20 = arith.constant 0 : index
    %get3A_21 = arith.constant 0 : index
    %get3A_22 = vector.load %arg8[%get3A_20, %get3A_21] : memref<1x12xf32, #tpu.memory_space<vmem>>, vector<1x12xf32>
    %add3A_23 = vector.broadcast %get3A_22 : vector<1x12xf32> to vector<1024x12xf32>
    %add3A_24 = arith.addf %dot_general3A_19, %add3A_23 : vector<1024x12xf32>
    %get3A_25 = arith.constant 0 : index
    %get3A_26 = arith.constant 0 : index
    %get3A_27 = vector.load %arg11[%get3A_25, %get3A_26] : memref<24x12xf32, #tpu.memory_space<vmem>>, vector<24x12xf32>
    %convert_element_type3A_28 = arith.truncf %get3A_3 : vector<1024x24xf32> to vector<1024x24xbf16>
    %convert_element_type3A_29 = arith.truncf %get3A_27 : vector<24x12xf32> to vector<24x12xbf16>
    %dot_general3A_30 = arith.constant dense<0.000000e+00> : vector<1024x12xf32>
    %dot_general3A_31 = tpu.matmul %convert_element_type3A_28, %convert_element_type3A_29, %dot_general3A_30 {dimension_numbers = #tpu.dot_dimension_numbers<[1], [0], [0], [1], [0, 0, 1, 1], [], []>, transpose_lhs_hint = false} : vector<1024x24xbf16>, vector<24x12xbf16>, vector<1024x12xf32> -> vector<1024x12xf32>
    %get3A_32 = arith.constant 0 : index
    %get3A_33 = arith.constant 0 : index
    %get3A_34 = vector.load %arg12[%get3A_32, %get3A_33] : memref<1x12xf32, #tpu.memory_space<vmem>>, vector<1x12xf32>
    %add3A_35 = vector.broadcast %get3A_34 : vector<1x12xf32> to vector<1024x12xf32>
    %add3A_36 = arith.addf %dot_general3A_31, %add3A_35 : vector<1024x12xf32>
    %broadcast_in_dim3A = arith.constant 0xFF800000 : f32
    %broadcast_in_dim3A_37 = vector.broadcast %broadcast_in_dim3A : f32 to vector<1024x12xf32>
    %broadcast_in_dim3A_38 = arith.constant 0xFF800000 : f32
    %broadcast_in_dim3A_39 = vector.broadcast %broadcast_in_dim3A_38 : f32 to vector<1024x12xf32>
    %broadcast_in_dim3A_40 = arith.constant 0xFF800000 : f32
    %broadcast_in_dim3A_41 = vector.broadcast %broadcast_in_dim3A_40 : f32 to vector<1024x12xf32>
    %get3A_42 = arith.constant 0 : index
    %get3A_43 = arith.constant 0 : index
    %get3A_44 = arith.constant 0 : index
    %get3A_45 = vector.load %arg3[%get3A_42, %get3A_43, %get3A_44] : memref<1x1024x256xf32, #tpu.memory_space<vmem>>, vector<1x1024x256xf32>
    %get3A_46 = vector.shape_cast %get3A_45 : vector<1x1024x256xf32> to vector<1024x256xf32>
    %slice3A = vector.extract_strided_slice %get3A_46 {offsets = [0, 0], sizes = [1024, 12], strides = [1, 1]} : vector<1024x256xf32> to vector<1024x12xf32>
    %add3A_47 = arith.addf %slice3A, %add3A_12 : vector<1024x12xf32>
    %max3A = arith.constant 0.000000e+00 : f32
    %max3A_48 = vector.broadcast %max3A : f32 to vector<1024x12xf32>
    %max3A_49 = arith.maximumf %add3A_47, %max3A_48 : vector<1024x12xf32>
    %get3A_50 = arith.constant 0 : index
    %get3A_51 = arith.constant 0 : index
    %get3A_52 = vector.load %arg6[%get3A_50, %get3A_51] : memref<12x12xf32, #tpu.memory_space<vmem>>, vector<12x12xf32>
    %convert_element_type3A_53 = arith.truncf %max3A_49 : vector<1024x12xf32> to vector<1024x12xbf16>
    %convert_element_type3A_54 = arith.truncf %get3A_52 : vector<12x12xf32> to vector<12x12xbf16>
    %dot_general3A_55 = arith.constant dense<0.000000e+00> : vector<1024x12xf32>
    %dot_general3A_56 = tpu.matmul %convert_element_type3A_53, %convert_element_type3A_54, %dot_general3A_55 {dimension_numbers = #tpu.dot_dimension_numbers<[1], [0], [0], [1], [0, 0, 1, 1], [], []>, transpose_lhs_hint = false} : vector<1024x12xbf16>, vector<12x12xbf16>, vector<1024x12xf32> -> vector<1024x12xf32>
    %add3A_57 = arith.addf %dot_general3A_56, %add3A_24 : vector<1024x12xf32>
    %max3A_58 = arith.constant 0.000000e+00 : f32
    %max3A_59 = vector.broadcast %max3A_58 : f32 to vector<1024x12xf32>
    %max3A_60 = arith.maximumf %add3A_57, %max3A_59 : vector<1024x12xf32>
    %get3A_61 = arith.constant 0 : index
    %get3A_62 = arith.constant 0 : index
    %get3A_63 = vector.load %arg9[%get3A_61, %get3A_62] : memref<12x12xf32, #tpu.memory_space<vmem>>, vector<12x12xf32>
    %convert_element_type3A_64 = arith.truncf %max3A_60 : vector<1024x12xf32> to vector<1024x12xbf16>
    %convert_element_type3A_65 = arith.truncf %get3A_63 : vector<12x12xf32> to vector<12x12xbf16>
    %dot_general3A_66 = arith.constant dense<0.000000e+00> : vector<1024x12xf32>
    %dot_general3A_67 = tpu.matmul %convert_element_type3A_64, %convert_element_type3A_65, %dot_general3A_66 {dimension_numbers = #tpu.dot_dimension_numbers<[1], [0], [0], [1], [0, 0, 1, 1], [], []>, transpose_lhs_hint = false} : vector<1024x12xbf16>, vector<12x12xbf16>, vector<1024x12xf32> -> vector<1024x12xf32>
    %get3A_68 = arith.constant 0 : index
    %get3A_69 = arith.constant 0 : index
    %get3A_70 = vector.load %arg10[%get3A_68, %get3A_69] : memref<12x12xf32, #tpu.memory_space<vmem>>, vector<12x12xf32>
    %convert_element_type3A_71 = arith.truncf %max3A_49 : vector<1024x12xf32> to vector<1024x12xbf16>
    %convert_element_type3A_72 = arith.truncf %get3A_70 : vector<12x12xf32> to vector<12x12xbf16>
    %dot_general3A_73 = arith.constant dense<0.000000e+00> : vector<1024x12xf32>
    %dot_general3A_74 = tpu.matmul %convert_element_type3A_71, %convert_element_type3A_72, %dot_general3A_73 {dimension_numbers = #tpu.dot_dimension_numbers<[1], [0], [0], [1], [0, 0, 1, 1], [], []>, transpose_lhs_hint = false} : vector<1024x12xbf16>, vector<12x12xbf16>, vector<1024x12xf32> -> vector<1024x12xf32>
    %add3A_75 = arith.addf %dot_general3A_67, %dot_general3A_74 : vector<1024x12xf32>
    %add3A_76 = arith.addf %add3A_75, %add3A_36 : vector<1024x12xf32>
    %max3A_77 = arith.maximumf %broadcast_in_dim3A_37, %add3A_76 : vector<1024x12xf32>
    %max3A_78 = arith.maximumf %broadcast_in_dim3A_39, %max3A_60 : vector<1024x12xf32>
    %max3A_79 = arith.maximumf %broadcast_in_dim3A_41, %max3A_49 : vector<1024x12xf32>
    %get3A_80 = arith.constant 0 : index
    %get3A_81 = arith.constant 0 : index
    %get3A_82 = arith.constant 0 : index
    %get3A_83 = vector.load %arg3[%get3A_80, %get3A_81, %get3A_82] : memref<1x1024x256xf32, #tpu.memory_space<vmem>>, vector<1x1024x256xf32>
    %get3A_84 = vector.shape_cast %get3A_83 : vector<1x1024x256xf32> to vector<1024x256xf32>
    %slice3A_85 = vector.extract_strided_slice %get3A_84 {offsets = [0, 16], sizes = [1024, 12], strides = [1, 1]} : vector<1024x256xf32> to vector<1024x12xf32>
    %add3A_86 = arith.addf %slice3A_85, %add3A_12 : vector<1024x12xf32>
    %max3A_87 = arith.constant 0.000000e+00 : f32
    %max3A_88 = vector.broadcast %max3A_87 : f32 to vector<1024x12xf32>
    %max3A_89 = arith.maximumf %add3A_86, %max3A_88 : vector<1024x12xf32>
    %get3A_90 = arith.constant 0 : index
    %get3A_91 = arith.constant 0 : index
    %get3A_92 = vector.load %arg6[%get3A_90, %get3A_91] : memref<12x12xf32, #tpu.memory_space<vmem>>, vector<12x12xf32>
    %convert_element_type3A_93 = arith.truncf %max3A_89 : vector<1024x12xf32> to vector<1024x12xbf16>
    %convert_element_type3A_94 = arith.truncf %get3A_92 : vector<12x12xf32> to vector<12x12xbf16>
    %dot_general3A_95 = arith.constant dense<0.000000e+00> : vector<1024x12xf32>
    %dot_general3A_96 = tpu.matmul %convert_element_type3A_93, %convert_element_type3A_94, %dot_general3A_95 {dimension_numbers = #tpu.dot_dimension_numbers<[1], [0], [0], [1], [0, 0, 1, 1], [], []>, transpose_lhs_hint = false} : vector<1024x12xbf16>, vector<12x12xbf16>, vector<1024x12xf32> -> vector<1024x12xf32>
    %add3A_97 = arith.addf %dot_general3A_96, %add3A_24 : vector<1024x12xf32>
    %max3A_98 = arith.constant 0.000000e+00 : f32
    %max3A_99 = vector.broadcast %max3A_98 : f32 to vector<1024x12xf32>
    %max3A_100 = arith.maximumf %add3A_97, %max3A_99 : vector<1024x12xf32>
    %get3A_101 = arith.constant 0 : index
    %get3A_102 = arith.constant 0 : index
    %get3A_103 = vector.load %arg9[%get3A_101, %get3A_102] : memref<12x12xf32, #tpu.memory_space<vmem>>, vector<12x12xf32>
    %convert_element_type3A_104 = arith.truncf %max3A_100 : vector<1024x12xf32> to vector<1024x12xbf16>
    %convert_element_type3A_105 = arith.truncf %get3A_103 : vector<12x12xf32> to vector<12x12xbf16>
    %dot_general3A_106 = arith.constant dense<0.000000e+00> : vector<1024x12xf32>
    %dot_general3A_107 = tpu.matmul %convert_element_type3A_104, %convert_element_type3A_105, %dot_general3A_106 {dimension_numbers = #tpu.dot_dimension_numbers<[1], [0], [0], [1], [0, 0, 1, 1], [], []>, transpose_lhs_hint = false} : vector<1024x12xbf16>, vector<12x12xbf16>, vector<1024x12xf32> -> vector<1024x12xf32>
    %get3A_108 = arith.constant 0 : index
    %get3A_109 = arith.constant 0 : index
    %get3A_110 = vector.load %arg10[%get3A_108, %get3A_109] : memref<12x12xf32, #tpu.memory_space<vmem>>, vector<12x12xf32>
    %convert_element_type3A_111 = arith.truncf %max3A_89 : vector<1024x12xf32> to vector<1024x12xbf16>
    %convert_element_type3A_112 = arith.truncf %get3A_110 : vector<12x12xf32> to vector<12x12xbf16>
    %dot_general3A_113 = arith.constant dense<0.000000e+00> : vector<1024x12xf32>
    %dot_general3A_114 = tpu.matmul %convert_element_type3A_111, %convert_element_type3A_112, %dot_general3A_113 {dimension_numbers = #tpu.dot_dimension_numbers<[1], [0], [0], [1], [0, 0, 1, 1], [], []>, transpose_lhs_hint = false} : vector<1024x12xbf16>, vector<12x12xbf16>, vector<1024x12xf32> -> vector<1024x12xf32>
    %add3A_115 = arith.addf %dot_general3A_107, %dot_general3A_114 : vector<1024x12xf32>
    %add3A_116 = arith.addf %add3A_115, %add3A_36 : vector<1024x12xf32>
    %max3A_117 = arith.maximumf %max3A_77, %add3A_116 : vector<1024x12xf32>
    %max3A_118 = arith.maximumf %max3A_78, %max3A_100 : vector<1024x12xf32>
    %max3A_119 = arith.maximumf %max3A_79, %max3A_89 : vector<1024x12xf32>
    %get3A_120 = arith.constant 0 : index
    %get3A_121 = arith.constant 0 : index
    %get3A_122 = arith.constant 0 : index
    %get3A_123 = vector.load %arg3[%get3A_120, %get3A_121, %get3A_122] : memref<1x1024x256xf32, #tpu.memory_space<vmem>>, vector<1x1024x256xf32>
    %get3A_124 = vector.shape_cast %get3A_123 : vector<1x1024x256xf32> to vector<1024x256xf32>
    %slice3A_125 = vector.extract_strided_slice %get3A_124 {offsets = [0, 32], sizes = [1024, 12], strides = [1, 1]} : vector<1024x256xf32> to vector<1024x12xf32>
    %add3A_126 = arith.addf %slice3A_125, %add3A_12 : vector<1024x12xf32>
    %max3A_127 = arith.constant 0.000000e+00 : f32
    %max3A_128 = vector.broadcast %max3A_127 : f32 to vector<1024x12xf32>
    %max3A_129 = arith.maximumf %add3A_126, %max3A_128 : vector<1024x12xf32>
    %get3A_130 = arith.constant 0 : index
    %get3A_131 = arith.constant 0 : index
    %get3A_132 = vector.load %arg6[%get3A_130, %get3A_131] : memref<12x12xf32, #tpu.memory_space<vmem>>, vector<12x12xf32>
    %convert_element_type3A_133 = arith.truncf %max3A_129 : vector<1024x12xf32> to vector<1024x12xbf16>
    %convert_element_type3A_134 = arith.truncf %get3A_132 : vector<12x12xf32> to vector<12x12xbf16>
    %dot_general3A_135 = arith.constant dense<0.000000e+00> : vector<1024x12xf32>
    %dot_general3A_136 = tpu.matmul %convert_element_type3A_133, %convert_element_type3A_134, %dot_general3A_135 {dimension_numbers = #tpu.dot_dimension_numbers<[1], [0], [0], [1], [0, 0, 1, 1], [], []>, transpose_lhs_hint = false} : vector<1024x12xbf16>, vector<12x12xbf16>, vector<1024x12xf32> -> vector<1024x12xf32>
    %add3A_137 = arith.addf %dot_general3A_136, %add3A_24 : vector<1024x12xf32>
    %max3A_138 = arith.constant 0.000000e+00 : f32
    %max3A_139 = vector.broadcast %max3A_138 : f32 to vector<1024x12xf32>
    %max3A_140 = arith.maximumf %add3A_137, %max3A_139 : vector<1024x12xf32>
    %get3A_141 = arith.constant 0 : index
    %get3A_142 = arith.constant 0 : index
    %get3A_143 = vector.load %arg9[%get3A_141, %get3A_142] : memref<12x12xf32, #tpu.memory_space<vmem>>, vector<12x12xf32>
    %convert_element_type3A_144 = arith.truncf %max3A_140 : vector<1024x12xf32> to vector<1024x12xbf16>
    %convert_element_type3A_145 = arith.truncf %get3A_143 : vector<12x12xf32> to vector<12x12xbf16>
    %dot_general3A_146 = arith.constant dense<0.000000e+00> : vector<1024x12xf32>
    %dot_general3A_147 = tpu.matmul %convert_element_type3A_144, %convert_element_type3A_145, %dot_general3A_146 {dimension_numbers = #tpu.dot_dimension_numbers<[1], [0], [0], [1], [0, 0, 1, 1], [], []>, transpose_lhs_hint = false} : vector<1024x12xbf16>, vector<12x12xbf16>, vector<1024x12xf32> -> vector<1024x12xf32>
    %get3A_148 = arith.constant 0 : index
    %get3A_149 = arith.constant 0 : index
    %get3A_150 = vector.load %arg10[%get3A_148, %get3A_149] : memref<12x12xf32, #tpu.memory_space<vmem>>, vector<12x12xf32>
    %convert_element_type3A_151 = arith.truncf %max3A_129 : vector<1024x12xf32> to vector<1024x12xbf16>
    %convert_element_type3A_152 = arith.truncf %get3A_150 : vector<12x12xf32> to vector<12x12xbf16>
    %dot_general3A_153 = arith.constant dense<0.000000e+00> : vector<1024x12xf32>
    %dot_general3A_154 = tpu.matmul %convert_element_type3A_151, %convert_element_type3A_152, %dot_general3A_153 {dimension_numbers = #tpu.dot_dimension_numbers<[1], [0], [0], [1], [0, 0, 1, 1], [], []>, transpose_lhs_hint = false} : vector<1024x12xbf16>, vector<12x12xbf16>, vector<1024x12xf32> -> vector<1024x12xf32>
    %add3A_155 = arith.addf %dot_general3A_147, %dot_general3A_154 : vector<1024x12xf32>
    %add3A_156 = arith.addf %add3A_155, %add3A_36 : vector<1024x12xf32>
    %max3A_157 = arith.maximumf %max3A_117, %add3A_156 : vector<1024x12xf32>
    %max3A_158 = arith.maximumf %max3A_118, %max3A_140 : vector<1024x12xf32>
    %max3A_159 = arith.maximumf %max3A_119, %max3A_129 : vector<1024x12xf32>
    %get3A_160 = arith.constant 0 : index
    %get3A_161 = arith.constant 0 : index
    %get3A_162 = arith.constant 0 : index
    %get3A_163 = vector.load %arg3[%get3A_160, %get3A_161, %get3A_162] : memref<1x1024x256xf32, #tpu.memory_space<vmem>>, vector<1x1024x256xf32>
    %get3A_164 = vector.shape_cast %get3A_163 : vector<1x1024x256xf32> to vector<1024x256xf32>
    %slice3A_165 = vector.extract_strided_slice %get3A_164 {offsets = [0, 48], sizes = [1024, 12], strides = [1, 1]} : vector<1024x256xf32> to vector<1024x12xf32>
    %add3A_166 = arith.addf %slice3A_165, %add3A_12 : vector<1024x12xf32>
    %max3A_167 = arith.constant 0.000000e+00 : f32
    %max3A_168 = vector.broadcast %max3A_167 : f32 to vector<1024x12xf32>
    %max3A_169 = arith.maximumf %add3A_166, %max3A_168 : vector<1024x12xf32>
    %get3A_170 = arith.constant 0 : index
    %get3A_171 = arith.constant 0 : index
    %get3A_172 = vector.load %arg6[%get3A_170, %get3A_171] : memref<12x12xf32, #tpu.memory_space<vmem>>, vector<12x12xf32>
    %convert_element_type3A_173 = arith.truncf %max3A_169 : vector<1024x12xf32> to vector<1024x12xbf16>
    %convert_element_type3A_174 = arith.truncf %get3A_172 : vector<12x12xf32> to vector<12x12xbf16>
    %dot_general3A_175 = arith.constant dense<0.000000e+00> : vector<1024x12xf32>
    %dot_general3A_176 = tpu.matmul %convert_element_type3A_173, %convert_element_type3A_174, %dot_general3A_175 {dimension_numbers = #tpu.dot_dimension_numbers<[1], [0], [0], [1], [0, 0, 1, 1], [], []>, transpose_lhs_hint = false} : vector<1024x12xbf16>, vector<12x12xbf16>, vector<1024x12xf32> -> vector<1024x12xf32>
    %add3A_177 = arith.addf %dot_general3A_176, %add3A_24 : vector<1024x12xf32>
    %max3A_178 = arith.constant 0.000000e+00 : f32
    %max3A_179 = vector.broadcast %max3A_178 : f32 to vector<1024x12xf32>
    %max3A_180 = arith.maximumf %add3A_177, %max3A_179 : vector<1024x12xf32>
    %get3A_181 = arith.constant 0 : index
    %get3A_182 = arith.constant 0 : index
    %get3A_183 = vector.load %arg9[%get3A_181, %get3A_182] : memref<12x12xf32, #tpu.memory_space<vmem>>, vector<12x12xf32>
    %convert_element_type3A_184 = arith.truncf %max3A_180 : vector<1024x12xf32> to vector<1024x12xbf16>
    %convert_element_type3A_185 = arith.truncf %get3A_183 : vector<12x12xf32> to vector<12x12xbf16>
    %dot_general3A_186 = arith.constant dense<0.000000e+00> : vector<1024x12xf32>
    %dot_general3A_187 = tpu.matmul %convert_element_type3A_184, %convert_element_type3A_185, %dot_general3A_186 {dimension_numbers = #tpu.dot_dimension_numbers<[1], [0], [0], [1], [0, 0, 1, 1], [], []>, transpose_lhs_hint = false} : vector<1024x12xbf16>, vector<12x12xbf16>, vector<1024x12xf32> -> vector<1024x12xf32>
    %get3A_188 = arith.constant 0 : index
    %get3A_189 = arith.constant 0 : index
    %get3A_190 = vector.load %arg10[%get3A_188, %get3A_189] : memref<12x12xf32, #tpu.memory_space<vmem>>, vector<12x12xf32>
    %convert_element_type3A_191 = arith.truncf %max3A_169 : vector<1024x12xf32> to vector<1024x12xbf16>
    %convert_element_type3A_192 = arith.truncf %get3A_190 : vector<12x12xf32> to vector<12x12xbf16>
    %dot_general3A_193 = arith.constant dense<0.000000e+00> : vector<1024x12xf32>
    %dot_general3A_194 = tpu.matmul %convert_element_type3A_191, %convert_element_type3A_192, %dot_general3A_193 {dimension_numbers = #tpu.dot_dimension_numbers<[1], [0], [0], [1], [0, 0, 1, 1], [], []>, transpose_lhs_hint = false} : vector<1024x12xbf16>, vector<12x12xbf16>, vector<1024x12xf32> -> vector<1024x12xf32>
    %add3A_195 = arith.addf %dot_general3A_187, %dot_general3A_194 : vector<1024x12xf32>
    %add3A_196 = arith.addf %add3A_195, %add3A_36 : vector<1024x12xf32>
    %max3A_197 = arith.maximumf %max3A_157, %add3A_196 : vector<1024x12xf32>
    %max3A_198 = arith.maximumf %max3A_158, %max3A_180 : vector<1024x12xf32>
    %max3A_199 = arith.maximumf %max3A_159, %max3A_169 : vector<1024x12xf32>
    %get3A_200 = arith.constant 0 : index
    %get3A_201 = arith.constant 0 : index
    %get3A_202 = arith.constant 0 : index
    %get3A_203 = vector.load %arg3[%get3A_200, %get3A_201, %get3A_202] : memref<1x1024x256xf32, #tpu.memory_space<vmem>>, vector<1x1024x256xf32>
    %get3A_204 = vector.shape_cast %get3A_203 : vector<1x1024x256xf32> to vector<1024x256xf32>
    %slice3A_205 = vector.extract_strided_slice %get3A_204 {offsets = [0, 64], sizes = [1024, 12], strides = [1, 1]} : vector<1024x256xf32> to vector<1024x12xf32>
    %add3A_206 = arith.addf %slice3A_205, %add3A_12 : vector<1024x12xf32>
    %max3A_207 = arith.constant 0.000000e+00 : f32
    %max3A_208 = vector.broadcast %max3A_207 : f32 to vector<1024x12xf32>
    %max3A_209 = arith.maximumf %add3A_206, %max3A_208 : vector<1024x12xf32>
    %get3A_210 = arith.constant 0 : index
    %get3A_211 = arith.constant 0 : index
    %get3A_212 = vector.load %arg6[%get3A_210, %get3A_211] : memref<12x12xf32, #tpu.memory_space<vmem>>, vector<12x12xf32>
    %convert_element_type3A_213 = arith.truncf %max3A_209 : vector<1024x12xf32> to vector<1024x12xbf16>
    %convert_element_type3A_214 = arith.truncf %get3A_212 : vector<12x12xf32> to vector<12x12xbf16>
    %dot_general3A_215 = arith.constant dense<0.000000e+00> : vector<1024x12xf32>
    %dot_general3A_216 = tpu.matmul %convert_element_type3A_213, %convert_element_type3A_214, %dot_general3A_215 {dimension_numbers = #tpu.dot_dimension_numbers<[1], [0], [0], [1], [0, 0, 1, 1], [], []>, transpose_lhs_hint = false} : vector<1024x12xbf16>, vector<12x12xbf16>, vector<1024x12xf32> -> vector<1024x12xf32>
    %add3A_217 = arith.addf %dot_general3A_216, %add3A_24 : vector<1024x12xf32>
    %max3A_218 = arith.constant 0.000000e+00 : f32
    %max3A_219 = vector.broadcast %max3A_218 : f32 to vector<1024x12xf32>
    %max3A_220 = arith.maximumf %add3A_217, %max3A_219 : vector<1024x12xf32>
    %get3A_221 = arith.constant 0 : index
    %get3A_222 = arith.constant 0 : index
    %get3A_223 = vector.load %arg9[%get3A_221, %get3A_222] : memref<12x12xf32, #tpu.memory_space<vmem>>, vector<12x12xf32>
    %convert_element_type3A_224 = arith.truncf %max3A_220 : vector<1024x12xf32> to vector<1024x12xbf16>
    %convert_element_type3A_225 = arith.truncf %get3A_223 : vector<12x12xf32> to vector<12x12xbf16>
    %dot_general3A_226 = arith.constant dense<0.000000e+00> : vector<1024x12xf32>
    %dot_general3A_227 = tpu.matmul %convert_element_type3A_224, %convert_element_type3A_225, %dot_general3A_226 {dimension_numbers = #tpu.dot_dimension_numbers<[1], [0], [0], [1], [0, 0, 1, 1], [], []>, transpose_lhs_hint = false} : vector<1024x12xbf16>, vector<12x12xbf16>, vector<1024x12xf32> -> vector<1024x12xf32>
    %get3A_228 = arith.constant 0 : index
    %get3A_229 = arith.constant 0 : index
    %get3A_230 = vector.load %arg10[%get3A_228, %get3A_229] : memref<12x12xf32, #tpu.memory_space<vmem>>, vector<12x12xf32>
    %convert_element_type3A_231 = arith.truncf %max3A_209 : vector<1024x12xf32> to vector<1024x12xbf16>
    %convert_element_type3A_232 = arith.truncf %get3A_230 : vector<12x12xf32> to vector<12x12xbf16>
    %dot_general3A_233 = arith.constant dense<0.000000e+00> : vector<1024x12xf32>
    %dot_general3A_234 = tpu.matmul %convert_element_type3A_231, %convert_element_type3A_232, %dot_general3A_233 {dimension_numbers = #tpu.dot_dimension_numbers<[1], [0], [0], [1], [0, 0, 1, 1], [], []>, transpose_lhs_hint = false} : vector<1024x12xbf16>, vector<12x12xbf16>, vector<1024x12xf32> -> vector<1024x12xf32>
    %add3A_235 = arith.addf %dot_general3A_227, %dot_general3A_234 : vector<1024x12xf32>
    %add3A_236 = arith.addf %add3A_235, %add3A_36 : vector<1024x12xf32>
    %max3A_237 = arith.maximumf %max3A_197, %add3A_236 : vector<1024x12xf32>
    %max3A_238 = arith.maximumf %max3A_198, %max3A_220 : vector<1024x12xf32>
    %max3A_239 = arith.maximumf %max3A_199, %max3A_209 : vector<1024x12xf32>
    %get3A_240 = arith.constant 0 : index
    %get3A_241 = arith.constant 0 : index
    %get3A_242 = arith.constant 0 : index
    %get3A_243 = vector.load %arg3[%get3A_240, %get3A_241, %get3A_242] : memref<1x1024x256xf32, #tpu.memory_space<vmem>>, vector<1x1024x256xf32>
    %get3A_244 = vector.shape_cast %get3A_243 : vector<1x1024x256xf32> to vector<1024x256xf32>
    %slice3A_245 = vector.extract_strided_slice %get3A_244 {offsets = [0, 80], sizes = [1024, 12], strides = [1, 1]} : vector<1024x256xf32> to vector<1024x12xf32>
    %add3A_246 = arith.addf %slice3A_245, %add3A_12 : vector<1024x12xf32>
    %max3A_247 = arith.constant 0.000000e+00 : f32
    %max3A_248 = vector.broadcast %max3A_247 : f32 to vector<1024x12xf32>
    %max3A_249 = arith.maximumf %add3A_246, %max3A_248 : vector<1024x12xf32>
    %get3A_250 = arith.constant 0 : index
    %get3A_251 = arith.constant 0 : index
    %get3A_252 = vector.load %arg6[%get3A_250, %get3A_251] : memref<12x12xf32, #tpu.memory_space<vmem>>, vector<12x12xf32>
    %convert_element_type3A_253 = arith.truncf %max3A_249 : vector<1024x12xf32> to vector<1024x12xbf16>
    %convert_element_type3A_254 = arith.truncf %get3A_252 : vector<12x12xf32> to vector<12x12xbf16>
    %dot_general3A_255 = arith.constant dense<0.000000e+00> : vector<1024x12xf32>
    %dot_general3A_256 = tpu.matmul %convert_element_type3A_253, %convert_element_type3A_254, %dot_general3A_255 {dimension_numbers = #tpu.dot_dimension_numbers<[1], [0], [0], [1], [0, 0, 1, 1], [], []>, transpose_lhs_hint = false} : vector<1024x12xbf16>, vector<12x12xbf16>, vector<1024x12xf32> -> vector<1024x12xf32>
    %add3A_257 = arith.addf %dot_general3A_256, %add3A_24 : vector<1024x12xf32>
    %max3A_258 = arith.constant 0.000000e+00 : f32
    %max3A_259 = vector.broadcast %max3A_258 : f32 to vector<1024x12xf32>
    %max3A_260 = arith.maximumf %add3A_257, %max3A_259 : vector<1024x12xf32>
    %get3A_261 = arith.constant 0 : index
    %get3A_262 = arith.constant 0 : index
    %get3A_263 = vector.load %arg9[%get3A_261, %get3A_262] : memref<12x12xf32, #tpu.memory_space<vmem>>, vector<12x12xf32>
    %convert_element_type3A_264 = arith.truncf %max3A_260 : vector<1024x12xf32> to vector<1024x12xbf16>
    %convert_element_type3A_265 = arith.truncf %get3A_263 : vector<12x12xf32> to vector<12x12xbf16>
    %dot_general3A_266 = arith.constant dense<0.000000e+00> : vector<1024x12xf32>
    %dot_general3A_267 = tpu.matmul %convert_element_type3A_264, %convert_element_type3A_265, %dot_general3A_266 {dimension_numbers = #tpu.dot_dimension_numbers<[1], [0], [0], [1], [0, 0, 1, 1], [], []>, transpose_lhs_hint = false} : vector<1024x12xbf16>, vector<12x12xbf16>, vector<1024x12xf32> -> vector<1024x12xf32>
    %get3A_268 = arith.constant 0 : index
    %get3A_269 = arith.constant 0 : index
    %get3A_270 = vector.load %arg10[%get3A_268, %get3A_269] : memref<12x12xf32, #tpu.memory_space<vmem>>, vector<12x12xf32>
    %convert_element_type3A_271 = arith.truncf %max3A_249 : vector<1024x12xf32> to vector<1024x12xbf16>
    %convert_element_type3A_272 = arith.truncf %get3A_270 : vector<12x12xf32> to vector<12x12xbf16>
    %dot_general3A_273 = arith.constant dense<0.000000e+00> : vector<1024x12xf32>
    %dot_general3A_274 = tpu.matmul %convert_element_type3A_271, %convert_element_type3A_272, %dot_general3A_273 {dimension_numbers = #tpu.dot_dimension_numbers<[1], [0], [0], [1], [0, 0, 1, 1], [], []>, transpose_lhs_hint = false} : vector<1024x12xbf16>, vector<12x12xbf16>, vector<1024x12xf32> -> vector<1024x12xf32>
    %add3A_275 = arith.addf %dot_general3A_267, %dot_general3A_274 : vector<1024x12xf32>
    %add3A_276 = arith.addf %add3A_275, %add3A_36 : vector<1024x12xf32>
    %max3A_277 = arith.maximumf %max3A_237, %add3A_276 : vector<1024x12xf32>
    %max3A_278 = arith.maximumf %max3A_238, %max3A_260 : vector<1024x12xf32>
    %max3A_279 = arith.maximumf %max3A_239, %max3A_249 : vector<1024x12xf32>
    %get3A_280 = arith.constant 0 : index
    %get3A_281 = arith.constant 0 : index
    %get3A_282 = arith.constant 0 : index
    %get3A_283 = vector.load %arg3[%get3A_280, %get3A_281, %get3A_282] : memref<1x1024x256xf32, #tpu.memory_space<vmem>>, vector<1x1024x256xf32>
    %get3A_284 = vector.shape_cast %get3A_283 : vector<1x1024x256xf32> to vector<1024x256xf32>
    %slice3A_285 = vector.extract_strided_slice %get3A_284 {offsets = [0, 96], sizes = [1024, 12], strides = [1, 1]} : vector<1024x256xf32> to vector<1024x12xf32>
    %add3A_286 = arith.addf %slice3A_285, %add3A_12 : vector<1024x12xf32>
    %max3A_287 = arith.constant 0.000000e+00 : f32
    %max3A_288 = vector.broadcast %max3A_287 : f32 to vector<1024x12xf32>
    %max3A_289 = arith.maximumf %add3A_286, %max3A_288 : vector<1024x12xf32>
    %get3A_290 = arith.constant 0 : index
    %get3A_291 = arith.constant 0 : index
    %get3A_292 = vector.load %arg6[%get3A_290, %get3A_291] : memref<12x12xf32, #tpu.memory_space<vmem>>, vector<12x12xf32>
    %convert_element_type3A_293 = arith.truncf %max3A_289 : vector<1024x12xf32> to vector<1024x12xbf16>
    %convert_element_type3A_294 = arith.truncf %get3A_292 : vector<12x12xf32> to vector<12x12xbf16>
    %dot_general3A_295 = arith.constant dense<0.000000e+00> : vector<1024x12xf32>
    %dot_general3A_296 = tpu.matmul %convert_element_type3A_293, %convert_element_type3A_294, %dot_general3A_295 {dimension_numbers = #tpu.dot_dimension_numbers<[1], [0], [0], [1], [0, 0, 1, 1], [], []>, transpose_lhs_hint = false} : vector<1024x12xbf16>, vector<12x12xbf16>, vector<1024x12xf32> -> vector<1024x12xf32>
    %add3A_297 = arith.addf %dot_general3A_296, %add3A_24 : vector<1024x12xf32>
    %max3A_298 = arith.constant 0.000000e+00 : f32
    %max3A_299 = vector.broadcast %max3A_298 : f32 to vector<1024x12xf32>
    %max3A_300 = arith.maximumf %add3A_297, %max3A_299 : vector<1024x12xf32>
    %get3A_301 = arith.constant 0 : index
    %get3A_302 = arith.constant 0 : index
    %get3A_303 = vector.load %arg9[%get3A_301, %get3A_302] : memref<12x12xf32, #tpu.memory_space<vmem>>, vector<12x12xf32>
    %convert_element_type3A_304 = arith.truncf %max3A_300 : vector<1024x12xf32> to vector<1024x12xbf16>
    %convert_element_type3A_305 = arith.truncf %get3A_303 : vector<12x12xf32> to vector<12x12xbf16>
    %dot_general3A_306 = arith.constant dense<0.000000e+00> : vector<1024x12xf32>
    %dot_general3A_307 = tpu.matmul %convert_element_type3A_304, %convert_element_type3A_305, %dot_general3A_306 {dimension_numbers = #tpu.dot_dimension_numbers<[1], [0], [0], [1], [0, 0, 1, 1], [], []>, transpose_lhs_hint = false} : vector<1024x12xbf16>, vector<12x12xbf16>, vector<1024x12xf32> -> vector<1024x12xf32>
    %get3A_308 = arith.constant 0 : index
    %get3A_309 = arith.constant 0 : index
    %get3A_310 = vector.load %arg10[%get3A_308, %get3A_309] : memref<12x12xf32, #tpu.memory_space<vmem>>, vector<12x12xf32>
    %convert_element_type3A_311 = arith.truncf %max3A_289 : vector<1024x12xf32> to vector<1024x12xbf16>
    %convert_element_type3A_312 = arith.truncf %get3A_310 : vector<12x12xf32> to vector<12x12xbf16>
    %dot_general3A_313 = arith.constant dense<0.000000e+00> : vector<1024x12xf32>
    %dot_general3A_314 = tpu.matmul %convert_element_type3A_311, %convert_element_type3A_312, %dot_general3A_313 {dimension_numbers = #tpu.dot_dimension_numbers<[1], [0], [0], [1], [0, 0, 1, 1], [], []>, transpose_lhs_hint = false} : vector<1024x12xbf16>, vector<12x12xbf16>, vector<1024x12xf32> -> vector<1024x12xf32>
    %add3A_315 = arith.addf %dot_general3A_307, %dot_general3A_314 : vector<1024x12xf32>
    %add3A_316 = arith.addf %add3A_315, %add3A_36 : vector<1024x12xf32>
    %max3A_317 = arith.maximumf %max3A_277, %add3A_316 : vector<1024x12xf32>
    %max3A_318 = arith.maximumf %max3A_278, %max3A_300 : vector<1024x12xf32>
    %max3A_319 = arith.maximumf %max3A_279, %max3A_289 : vector<1024x12xf32>
    %get3A_320 = arith.constant 0 : index
    %get3A_321 = arith.constant 0 : index
    %get3A_322 = arith.constant 0 : index
    %get3A_323 = vector.load %arg3[%get3A_320, %get3A_321, %get3A_322] : memref<1x1024x256xf32, #tpu.memory_space<vmem>>, vector<1x1024x256xf32>
    %get3A_324 = vector.shape_cast %get3A_323 : vector<1x1024x256xf32> to vector<1024x256xf32>
    %slice3A_325 = vector.extract_strided_slice %get3A_324 {offsets = [0, 112], sizes = [1024, 12], strides = [1, 1]} : vector<1024x256xf32> to vector<1024x12xf32>
    %add3A_326 = arith.addf %slice3A_325, %add3A_12 : vector<1024x12xf32>
    %max3A_327 = arith.constant 0.000000e+00 : f32
    %max3A_328 = vector.broadcast %max3A_327 : f32 to vector<1024x12xf32>
    %max3A_329 = arith.maximumf %add3A_326, %max3A_328 : vector<1024x12xf32>
    %get3A_330 = arith.constant 0 : index
    %get3A_331 = arith.constant 0 : index
    %get3A_332 = vector.load %arg6[%get3A_330, %get3A_331] : memref<12x12xf32, #tpu.memory_space<vmem>>, vector<12x12xf32>
    %convert_element_type3A_333 = arith.truncf %max3A_329 : vector<1024x12xf32> to vector<1024x12xbf16>
    %convert_element_type3A_334 = arith.truncf %get3A_332 : vector<12x12xf32> to vector<12x12xbf16>
    %dot_general3A_335 = arith.constant dense<0.000000e+00> : vector<1024x12xf32>
    %dot_general3A_336 = tpu.matmul %convert_element_type3A_333, %convert_element_type3A_334, %dot_general3A_335 {dimension_numbers = #tpu.dot_dimension_numbers<[1], [0], [0], [1], [0, 0, 1, 1], [], []>, transpose_lhs_hint = false} : vector<1024x12xbf16>, vector<12x12xbf16>, vector<1024x12xf32> -> vector<1024x12xf32>
    %add3A_337 = arith.addf %dot_general3A_336, %add3A_24 : vector<1024x12xf32>
    %max3A_338 = arith.constant 0.000000e+00 : f32
    %max3A_339 = vector.broadcast %max3A_338 : f32 to vector<1024x12xf32>
    %max3A_340 = arith.maximumf %add3A_337, %max3A_339 : vector<1024x12xf32>
    %get3A_341 = arith.constant 0 : index
    %get3A_342 = arith.constant 0 : index
    %get3A_343 = vector.load %arg9[%get3A_341, %get3A_342] : memref<12x12xf32, #tpu.memory_space<vmem>>, vector<12x12xf32>
    %convert_element_type3A_344 = arith.truncf %max3A_340 : vector<1024x12xf32> to vector<1024x12xbf16>
    %convert_element_type3A_345 = arith.truncf %get3A_343 : vector<12x12xf32> to vector<12x12xbf16>
    %dot_general3A_346 = arith.constant dense<0.000000e+00> : vector<1024x12xf32>
    %dot_general3A_347 = tpu.matmul %convert_element_type3A_344, %convert_element_type3A_345, %dot_general3A_346 {dimension_numbers = #tpu.dot_dimension_numbers<[1], [0], [0], [1], [0, 0, 1, 1], [], []>, transpose_lhs_hint = false} : vector<1024x12xbf16>, vector<12x12xbf16>, vector<1024x12xf32> -> vector<1024x12xf32>
    %get3A_348 = arith.constant 0 : index
    %get3A_349 = arith.constant 0 : index
    %get3A_350 = vector.load %arg10[%get3A_348, %get3A_349] : memref<12x12xf32, #tpu.memory_space<vmem>>, vector<12x12xf32>
    %convert_element_type3A_351 = arith.truncf %max3A_329 : vector<1024x12xf32> to vector<1024x12xbf16>
    %convert_element_type3A_352 = arith.truncf %get3A_350 : vector<12x12xf32> to vector<12x12xbf16>
    %dot_general3A_353 = arith.constant dense<0.000000e+00> : vector<1024x12xf32>
    %dot_general3A_354 = tpu.matmul %convert_element_type3A_351, %convert_element_type3A_352, %dot_general3A_353 {dimension_numbers = #tpu.dot_dimension_numbers<[1], [0], [0], [1], [0, 0, 1, 1], [], []>, transpose_lhs_hint = false} : vector<1024x12xbf16>, vector<12x12xbf16>, vector<1024x12xf32> -> vector<1024x12xf32>
    %add3A_355 = arith.addf %dot_general3A_347, %dot_general3A_354 : vector<1024x12xf32>
    %add3A_356 = arith.addf %add3A_355, %add3A_36 : vector<1024x12xf32>
    %max3A_357 = arith.maximumf %max3A_317, %add3A_356 : vector<1024x12xf32>
    %max3A_358 = arith.maximumf %max3A_318, %max3A_340 : vector<1024x12xf32>
    %max3A_359 = arith.maximumf %max3A_319, %max3A_329 : vector<1024x12xf32>
    %get3A_360 = arith.constant 0 : index
    %get3A_361 = arith.constant 0 : index
    %get3A_362 = arith.constant 0 : index
    %get3A_363 = vector.load %arg3[%get3A_360, %get3A_361, %get3A_362] : memref<1x1024x256xf32, #tpu.memory_space<vmem>>, vector<1x1024x256xf32>
    %get3A_364 = vector.shape_cast %get3A_363 : vector<1x1024x256xf32> to vector<1024x256xf32>
    %slice3A_365 = vector.extract_strided_slice %get3A_364 {offsets = [0, 128], sizes = [1024, 12], strides = [1, 1]} : vector<1024x256xf32> to vector<1024x12xf32>
    %add3A_366 = arith.addf %slice3A_365, %add3A_12 : vector<1024x12xf32>
    %max3A_367 = arith.constant 0.000000e+00 : f32
    %max3A_368 = vector.broadcast %max3A_367 : f32 to vector<1024x12xf32>
    %max3A_369 = arith.maximumf %add3A_366, %max3A_368 : vector<1024x12xf32>
    %get3A_370 = arith.constant 0 : index
    %get3A_371 = arith.constant 0 : index
    %get3A_372 = vector.load %arg6[%get3A_370, %get3A_371] : memref<12x12xf32, #tpu.memory_space<vmem>>, vector<12x12xf32>
    %convert_element_type3A_373 = arith.truncf %max3A_369 : vector<1024x12xf32> to vector<1024x12xbf16>
    %convert_element_type3A_374 = arith.truncf %get3A_372 : vector<12x12xf32> to vector<12x12xbf16>
    %dot_general3A_375 = arith.constant dense<0.000000e+00> : vector<1024x12xf32>
    %dot_general3A_376 = tpu.matmul %convert_element_type3A_373, %convert_element_type3A_374, %dot_general3A_375 {dimension_numbers = #tpu.dot_dimension_numbers<[1], [0], [0], [1], [0, 0, 1, 1], [], []>, transpose_lhs_hint = false} : vector<1024x12xbf16>, vector<12x12xbf16>, vector<1024x12xf32> -> vector<1024x12xf32>
    %add3A_377 = arith.addf %dot_general3A_376, %add3A_24 : vector<1024x12xf32>
    %max3A_378 = arith.constant 0.000000e+00 : f32
    %max3A_379 = vector.broadcast %max3A_378 : f32 to vector<1024x12xf32>
    %max3A_380 = arith.maximumf %add3A_377, %max3A_379 : vector<1024x12xf32>
    %get3A_381 = arith.constant 0 : index
    %get3A_382 = arith.constant 0 : index
    %get3A_383 = vector.load %arg9[%get3A_381, %get3A_382] : memref<12x12xf32, #tpu.memory_space<vmem>>, vector<12x12xf32>
    %convert_element_type3A_384 = arith.truncf %max3A_380 : vector<1024x12xf32> to vector<1024x12xbf16>
    %convert_element_type3A_385 = arith.truncf %get3A_383 : vector<12x12xf32> to vector<12x12xbf16>
    %dot_general3A_386 = arith.constant dense<0.000000e+00> : vector<1024x12xf32>
    %dot_general3A_387 = tpu.matmul %convert_element_type3A_384, %convert_element_type3A_385, %dot_general3A_386 {dimension_numbers = #tpu.dot_dimension_numbers<[1], [0], [0], [1], [0, 0, 1, 1], [], []>, transpose_lhs_hint = false} : vector<1024x12xbf16>, vector<12x12xbf16>, vector<1024x12xf32> -> vector<1024x12xf32>
    %get3A_388 = arith.constant 0 : index
    %get3A_389 = arith.constant 0 : index
    %get3A_390 = vector.load %arg10[%get3A_388, %get3A_389] : memref<12x12xf32, #tpu.memory_space<vmem>>, vector<12x12xf32>
    %convert_element_type3A_391 = arith.truncf %max3A_369 : vector<1024x12xf32> to vector<1024x12xbf16>
    %convert_element_type3A_392 = arith.truncf %get3A_390 : vector<12x12xf32> to vector<12x12xbf16>
    %dot_general3A_393 = arith.constant dense<0.000000e+00> : vector<1024x12xf32>
    %dot_general3A_394 = tpu.matmul %convert_element_type3A_391, %convert_element_type3A_392, %dot_general3A_393 {dimension_numbers = #tpu.dot_dimension_numbers<[1], [0], [0], [1], [0, 0, 1, 1], [], []>, transpose_lhs_hint = false} : vector<1024x12xbf16>, vector<12x12xbf16>, vector<1024x12xf32> -> vector<1024x12xf32>
    %add3A_395 = arith.addf %dot_general3A_387, %dot_general3A_394 : vector<1024x12xf32>
    %add3A_396 = arith.addf %add3A_395, %add3A_36 : vector<1024x12xf32>
    %max3A_397 = arith.maximumf %max3A_357, %add3A_396 : vector<1024x12xf32>
    %max3A_398 = arith.maximumf %max3A_358, %max3A_380 : vector<1024x12xf32>
    %max3A_399 = arith.maximumf %max3A_359, %max3A_369 : vector<1024x12xf32>
    %get3A_400 = arith.constant 0 : index
    %get3A_401 = arith.constant 0 : index
    %get3A_402 = arith.constant 0 : index
    %get3A_403 = vector.load %arg3[%get3A_400, %get3A_401, %get3A_402] : memref<1x1024x256xf32, #tpu.memory_space<vmem>>, vector<1x1024x256xf32>
    %get3A_404 = vector.shape_cast %get3A_403 : vector<1x1024x256xf32> to vector<1024x256xf32>
    %slice3A_405 = vector.extract_strided_slice %get3A_404 {offsets = [0, 144], sizes = [1024, 12], strides = [1, 1]} : vector<1024x256xf32> to vector<1024x12xf32>
    %add3A_406 = arith.addf %slice3A_405, %add3A_12 : vector<1024x12xf32>
    %max3A_407 = arith.constant 0.000000e+00 : f32
    %max3A_408 = vector.broadcast %max3A_407 : f32 to vector<1024x12xf32>
    %max3A_409 = arith.maximumf %add3A_406, %max3A_408 : vector<1024x12xf32>
    %get3A_410 = arith.constant 0 : index
    %get3A_411 = arith.constant 0 : index
    %get3A_412 = vector.load %arg6[%get3A_410, %get3A_411] : memref<12x12xf32, #tpu.memory_space<vmem>>, vector<12x12xf32>
    %convert_element_type3A_413 = arith.truncf %max3A_409 : vector<1024x12xf32> to vector<1024x12xbf16>
    %convert_element_type3A_414 = arith.truncf %get3A_412 : vector<12x12xf32> to vector<12x12xbf16>
    %dot_general3A_415 = arith.constant dense<0.000000e+00> : vector<1024x12xf32>
    %dot_general3A_416 = tpu.matmul %convert_element_type3A_413, %convert_element_type3A_414, %dot_general3A_415 {dimension_numbers = #tpu.dot_dimension_numbers<[1], [0], [0], [1], [0, 0, 1, 1], [], []>, transpose_lhs_hint = false} : vector<1024x12xbf16>, vector<12x12xbf16>, vector<1024x12xf32> -> vector<1024x12xf32>
    %add3A_417 = arith.addf %dot_general3A_416, %add3A_24 : vector<1024x12xf32>
    %max3A_418 = arith.constant 0.000000e+00 : f32
    %max3A_419 = vector.broadcast %max3A_418 : f32 to vector<1024x12xf32>
    %max3A_420 = arith.maximumf %add3A_417, %max3A_419 : vector<1024x12xf32>
    %get3A_421 = arith.constant 0 : index
    %get3A_422 = arith.constant 0 : index
    %get3A_423 = vector.load %arg9[%get3A_421, %get3A_422] : memref<12x12xf32, #tpu.memory_space<vmem>>, vector<12x12xf32>
    %convert_element_type3A_424 = arith.truncf %max3A_420 : vector<1024x12xf32> to vector<1024x12xbf16>
    %convert_element_type3A_425 = arith.truncf %get3A_423 : vector<12x12xf32> to vector<12x12xbf16>
    %dot_general3A_426 = arith.constant dense<0.000000e+00> : vector<1024x12xf32>
    %dot_general3A_427 = tpu.matmul %convert_element_type3A_424, %convert_element_type3A_425, %dot_general3A_426 {dimension_numbers = #tpu.dot_dimension_numbers<[1], [0], [0], [1], [0, 0, 1, 1], [], []>, transpose_lhs_hint = false} : vector<1024x12xbf16>, vector<12x12xbf16>, vector<1024x12xf32> -> vector<1024x12xf32>
    %get3A_428 = arith.constant 0 : index
    %get3A_429 = arith.constant 0 : index
    %get3A_430 = vector.load %arg10[%get3A_428, %get3A_429] : memref<12x12xf32, #tpu.memory_space<vmem>>, vector<12x12xf32>
    %convert_element_type3A_431 = arith.truncf %max3A_409 : vector<1024x12xf32> to vector<1024x12xbf16>
    %convert_element_type3A_432 = arith.truncf %get3A_430 : vector<12x12xf32> to vector<12x12xbf16>
    %dot_general3A_433 = arith.constant dense<0.000000e+00> : vector<1024x12xf32>
    %dot_general3A_434 = tpu.matmul %convert_element_type3A_431, %convert_element_type3A_432, %dot_general3A_433 {dimension_numbers = #tpu.dot_dimension_numbers<[1], [0], [0], [1], [0, 0, 1, 1], [], []>, transpose_lhs_hint = false} : vector<1024x12xbf16>, vector<12x12xbf16>, vector<1024x12xf32> -> vector<1024x12xf32>
    %add3A_435 = arith.addf %dot_general3A_427, %dot_general3A_434 : vector<1024x12xf32>
    %add3A_436 = arith.addf %add3A_435, %add3A_36 : vector<1024x12xf32>
    %max3A_437 = arith.maximumf %max3A_397, %add3A_436 : vector<1024x12xf32>
    %max3A_438 = arith.maximumf %max3A_398, %max3A_420 : vector<1024x12xf32>
    %max3A_439 = arith.maximumf %max3A_399, %max3A_409 : vector<1024x12xf32>
    %get3A_440 = arith.constant 0 : index
    %get3A_441 = arith.constant 0 : index
    %get3A_442 = arith.constant 0 : index
    %get3A_443 = vector.load %arg3[%get3A_440, %get3A_441, %get3A_442] : memref<1x1024x256xf32, #tpu.memory_space<vmem>>, vector<1x1024x256xf32>
    %get3A_444 = vector.shape_cast %get3A_443 : vector<1x1024x256xf32> to vector<1024x256xf32>
    %slice3A_445 = vector.extract_strided_slice %get3A_444 {offsets = [0, 160], sizes = [1024, 12], strides = [1, 1]} : vector<1024x256xf32> to vector<1024x12xf32>
    %add3A_446 = arith.addf %slice3A_445, %add3A_12 : vector<1024x12xf32>
    %max3A_447 = arith.constant 0.000000e+00 : f32
    %max3A_448 = vector.broadcast %max3A_447 : f32 to vector<1024x12xf32>
    %max3A_449 = arith.maximumf %add3A_446, %max3A_448 : vector<1024x12xf32>
    %get3A_450 = arith.constant 0 : index
    %get3A_451 = arith.constant 0 : index
    %get3A_452 = vector.load %arg6[%get3A_450, %get3A_451] : memref<12x12xf32, #tpu.memory_space<vmem>>, vector<12x12xf32>
    %convert_element_type3A_453 = arith.truncf %max3A_449 : vector<1024x12xf32> to vector<1024x12xbf16>
    %convert_element_type3A_454 = arith.truncf %get3A_452 : vector<12x12xf32> to vector<12x12xbf16>
    %dot_general3A_455 = arith.constant dense<0.000000e+00> : vector<1024x12xf32>
    %dot_general3A_456 = tpu.matmul %convert_element_type3A_453, %convert_element_type3A_454, %dot_general3A_455 {dimension_numbers = #tpu.dot_dimension_numbers<[1], [0], [0], [1], [0, 0, 1, 1], [], []>, transpose_lhs_hint = false} : vector<1024x12xbf16>, vector<12x12xbf16>, vector<1024x12xf32> -> vector<1024x12xf32>
    %add3A_457 = arith.addf %dot_general3A_456, %add3A_24 : vector<1024x12xf32>
    %max3A_458 = arith.constant 0.000000e+00 : f32
    %max3A_459 = vector.broadcast %max3A_458 : f32 to vector<1024x12xf32>
    %max3A_460 = arith.maximumf %add3A_457, %max3A_459 : vector<1024x12xf32>
    %get3A_461 = arith.constant 0 : index
    %get3A_462 = arith.constant 0 : index
    %get3A_463 = vector.load %arg9[%get3A_461, %get3A_462] : memref<12x12xf32, #tpu.memory_space<vmem>>, vector<12x12xf32>
    %convert_element_type3A_464 = arith.truncf %max3A_460 : vector<1024x12xf32> to vector<1024x12xbf16>
    %convert_element_type3A_465 = arith.truncf %get3A_463 : vector<12x12xf32> to vector<12x12xbf16>
    %dot_general3A_466 = arith.constant dense<0.000000e+00> : vector<1024x12xf32>
    %dot_general3A_467 = tpu.matmul %convert_element_type3A_464, %convert_element_type3A_465, %dot_general3A_466 {dimension_numbers = #tpu.dot_dimension_numbers<[1], [0], [0], [1], [0, 0, 1, 1], [], []>, transpose_lhs_hint = false} : vector<1024x12xbf16>, vector<12x12xbf16>, vector<1024x12xf32> -> vector<1024x12xf32>
    %get3A_468 = arith.constant 0 : index
    %get3A_469 = arith.constant 0 : index
    %get3A_470 = vector.load %arg10[%get3A_468, %get3A_469] : memref<12x12xf32, #tpu.memory_space<vmem>>, vector<12x12xf32>
    %convert_element_type3A_471 = arith.truncf %max3A_449 : vector<1024x12xf32> to vector<1024x12xbf16>
    %convert_element_type3A_472 = arith.truncf %get3A_470 : vector<12x12xf32> to vector<12x12xbf16>
    %dot_general3A_473 = arith.constant dense<0.000000e+00> : vector<1024x12xf32>
    %dot_general3A_474 = tpu.matmul %convert_element_type3A_471, %convert_element_type3A_472, %dot_general3A_473 {dimension_numbers = #tpu.dot_dimension_numbers<[1], [0], [0], [1], [0, 0, 1, 1], [], []>, transpose_lhs_hint = false} : vector<1024x12xbf16>, vector<12x12xbf16>, vector<1024x12xf32> -> vector<1024x12xf32>
    %add3A_475 = arith.addf %dot_general3A_467, %dot_general3A_474 : vector<1024x12xf32>
    %add3A_476 = arith.addf %add3A_475, %add3A_36 : vector<1024x12xf32>
    %max3A_477 = arith.maximumf %max3A_437, %add3A_476 : vector<1024x12xf32>
    %max3A_478 = arith.maximumf %max3A_438, %max3A_460 : vector<1024x12xf32>
    %max3A_479 = arith.maximumf %max3A_439, %max3A_449 : vector<1024x12xf32>
    %get3A_480 = arith.constant 0 : index
    %get3A_481 = arith.constant 0 : index
    %get3A_482 = arith.constant 0 : index
    %get3A_483 = vector.load %arg3[%get3A_480, %get3A_481, %get3A_482] : memref<1x1024x256xf32, #tpu.memory_space<vmem>>, vector<1x1024x256xf32>
    %get3A_484 = vector.shape_cast %get3A_483 : vector<1x1024x256xf32> to vector<1024x256xf32>
    %slice3A_485 = vector.extract_strided_slice %get3A_484 {offsets = [0, 176], sizes = [1024, 12], strides = [1, 1]} : vector<1024x256xf32> to vector<1024x12xf32>
    %add3A_486 = arith.addf %slice3A_485, %add3A_12 : vector<1024x12xf32>
    %max3A_487 = arith.constant 0.000000e+00 : f32
    %max3A_488 = vector.broadcast %max3A_487 : f32 to vector<1024x12xf32>
    %max3A_489 = arith.maximumf %add3A_486, %max3A_488 : vector<1024x12xf32>
    %get3A_490 = arith.constant 0 : index
    %get3A_491 = arith.constant 0 : index
    %get3A_492 = vector.load %arg6[%get3A_490, %get3A_491] : memref<12x12xf32, #tpu.memory_space<vmem>>, vector<12x12xf32>
    %convert_element_type3A_493 = arith.truncf %max3A_489 : vector<1024x12xf32> to vector<1024x12xbf16>
    %convert_element_type3A_494 = arith.truncf %get3A_492 : vector<12x12xf32> to vector<12x12xbf16>
    %dot_general3A_495 = arith.constant dense<0.000000e+00> : vector<1024x12xf32>
    %dot_general3A_496 = tpu.matmul %convert_element_type3A_493, %convert_element_type3A_494, %dot_general3A_495 {dimension_numbers = #tpu.dot_dimension_numbers<[1], [0], [0], [1], [0, 0, 1, 1], [], []>, transpose_lhs_hint = false} : vector<1024x12xbf16>, vector<12x12xbf16>, vector<1024x12xf32> -> vector<1024x12xf32>
    %add3A_497 = arith.addf %dot_general3A_496, %add3A_24 : vector<1024x12xf32>
    %max3A_498 = arith.constant 0.000000e+00 : f32
    %max3A_499 = vector.broadcast %max3A_498 : f32 to vector<1024x12xf32>
    %max3A_500 = arith.maximumf %add3A_497, %max3A_499 : vector<1024x12xf32>
    %get3A_501 = arith.constant 0 : index
    %get3A_502 = arith.constant 0 : index
    %get3A_503 = vector.load %arg9[%get3A_501, %get3A_502] : memref<12x12xf32, #tpu.memory_space<vmem>>, vector<12x12xf32>
    %convert_element_type3A_504 = arith.truncf %max3A_500 : vector<1024x12xf32> to vector<1024x12xbf16>
    %convert_element_type3A_505 = arith.truncf %get3A_503 : vector<12x12xf32> to vector<12x12xbf16>
    %dot_general3A_506 = arith.constant dense<0.000000e+00> : vector<1024x12xf32>
    %dot_general3A_507 = tpu.matmul %convert_element_type3A_504, %convert_element_type3A_505, %dot_general3A_506 {dimension_numbers = #tpu.dot_dimension_numbers<[1], [0], [0], [1], [0, 0, 1, 1], [], []>, transpose_lhs_hint = false} : vector<1024x12xbf16>, vector<12x12xbf16>, vector<1024x12xf32> -> vector<1024x12xf32>
    %get3A_508 = arith.constant 0 : index
    %get3A_509 = arith.constant 0 : index
    %get3A_510 = vector.load %arg10[%get3A_508, %get3A_509] : memref<12x12xf32, #tpu.memory_space<vmem>>, vector<12x12xf32>
    %convert_element_type3A_511 = arith.truncf %max3A_489 : vector<1024x12xf32> to vector<1024x12xbf16>
    %convert_element_type3A_512 = arith.truncf %get3A_510 : vector<12x12xf32> to vector<12x12xbf16>
    %dot_general3A_513 = arith.constant dense<0.000000e+00> : vector<1024x12xf32>
    %dot_general3A_514 = tpu.matmul %convert_element_type3A_511, %convert_element_type3A_512, %dot_general3A_513 {dimension_numbers = #tpu.dot_dimension_numbers<[1], [0], [0], [1], [0, 0, 1, 1], [], []>, transpose_lhs_hint = false} : vector<1024x12xbf16>, vector<12x12xbf16>, vector<1024x12xf32> -> vector<1024x12xf32>
    %add3A_515 = arith.addf %dot_general3A_507, %dot_general3A_514 : vector<1024x12xf32>
    %add3A_516 = arith.addf %add3A_515, %add3A_36 : vector<1024x12xf32>
    %max3A_517 = arith.maximumf %max3A_477, %add3A_516 : vector<1024x12xf32>
    %max3A_518 = arith.maximumf %max3A_478, %max3A_500 : vector<1024x12xf32>
    %max3A_519 = arith.maximumf %max3A_479, %max3A_489 : vector<1024x12xf32>
    %get3A_520 = arith.constant 0 : index
    %get3A_521 = arith.constant 0 : index
    %get3A_522 = arith.constant 0 : index
    %get3A_523 = vector.load %arg3[%get3A_520, %get3A_521, %get3A_522] : memref<1x1024x256xf32, #tpu.memory_space<vmem>>, vector<1x1024x256xf32>
    %get3A_524 = vector.shape_cast %get3A_523 : vector<1x1024x256xf32> to vector<1024x256xf32>
    %slice3A_525 = vector.extract_strided_slice %get3A_524 {offsets = [0, 192], sizes = [1024, 12], strides = [1, 1]} : vector<1024x256xf32> to vector<1024x12xf32>
    %add3A_526 = arith.addf %slice3A_525, %add3A_12 : vector<1024x12xf32>
    %max3A_527 = arith.constant 0.000000e+00 : f32
    %max3A_528 = vector.broadcast %max3A_527 : f32 to vector<1024x12xf32>
    %max3A_529 = arith.maximumf %add3A_526, %max3A_528 : vector<1024x12xf32>
    %get3A_530 = arith.constant 0 : index
    %get3A_531 = arith.constant 0 : index
    %get3A_532 = vector.load %arg6[%get3A_530, %get3A_531] : memref<12x12xf32, #tpu.memory_space<vmem>>, vector<12x12xf32>
    %convert_element_type3A_533 = arith.truncf %max3A_529 : vector<1024x12xf32> to vector<1024x12xbf16>
    %convert_element_type3A_534 = arith.truncf %get3A_532 : vector<12x12xf32> to vector<12x12xbf16>
    %dot_general3A_535 = arith.constant dense<0.000000e+00> : vector<1024x12xf32>
    %dot_general3A_536 = tpu.matmul %convert_element_type3A_533, %convert_element_type3A_534, %dot_general3A_535 {dimension_numbers = #tpu.dot_dimension_numbers<[1], [0], [0], [1], [0, 0, 1, 1], [], []>, transpose_lhs_hint = false} : vector<1024x12xbf16>, vector<12x12xbf16>, vector<1024x12xf32> -> vector<1024x12xf32>
    %add3A_537 = arith.addf %dot_general3A_536, %add3A_24 : vector<1024x12xf32>
    %max3A_538 = arith.constant 0.000000e+00 : f32
    %max3A_539 = vector.broadcast %max3A_538 : f32 to vector<1024x12xf32>
    %max3A_540 = arith.maximumf %add3A_537, %max3A_539 : vector<1024x12xf32>
    %get3A_541 = arith.constant 0 : index
    %get3A_542 = arith.constant 0 : index
    %get3A_543 = vector.load %arg9[%get3A_541, %get3A_542] : memref<12x12xf32, #tpu.memory_space<vmem>>, vector<12x12xf32>
    %convert_element_type3A_544 = arith.truncf %max3A_540 : vector<1024x12xf32> to vector<1024x12xbf16>
    %convert_element_type3A_545 = arith.truncf %get3A_543 : vector<12x12xf32> to vector<12x12xbf16>
    %dot_general3A_546 = arith.constant dense<0.000000e+00> : vector<1024x12xf32>
    %dot_general3A_547 = tpu.matmul %convert_element_type3A_544, %convert_element_type3A_545, %dot_general3A_546 {dimension_numbers = #tpu.dot_dimension_numbers<[1], [0], [0], [1], [0, 0, 1, 1], [], []>, transpose_lhs_hint = false} : vector<1024x12xbf16>, vector<12x12xbf16>, vector<1024x12xf32> -> vector<1024x12xf32>
    %get3A_548 = arith.constant 0 : index
    %get3A_549 = arith.constant 0 : index
    %get3A_550 = vector.load %arg10[%get3A_548, %get3A_549] : memref<12x12xf32, #tpu.memory_space<vmem>>, vector<12x12xf32>
    %convert_element_type3A_551 = arith.truncf %max3A_529 : vector<1024x12xf32> to vector<1024x12xbf16>
    %convert_element_type3A_552 = arith.truncf %get3A_550 : vector<12x12xf32> to vector<12x12xbf16>
    %dot_general3A_553 = arith.constant dense<0.000000e+00> : vector<1024x12xf32>
    %dot_general3A_554 = tpu.matmul %convert_element_type3A_551, %convert_element_type3A_552, %dot_general3A_553 {dimension_numbers = #tpu.dot_dimension_numbers<[1], [0], [0], [1], [0, 0, 1, 1], [], []>, transpose_lhs_hint = false} : vector<1024x12xbf16>, vector<12x12xbf16>, vector<1024x12xf32> -> vector<1024x12xf32>
    %add3A_555 = arith.addf %dot_general3A_547, %dot_general3A_554 : vector<1024x12xf32>
    %add3A_556 = arith.addf %add3A_555, %add3A_36 : vector<1024x12xf32>
    %max3A_557 = arith.maximumf %max3A_517, %add3A_556 : vector<1024x12xf32>
    %max3A_558 = arith.maximumf %max3A_518, %max3A_540 : vector<1024x12xf32>
    %max3A_559 = arith.maximumf %max3A_519, %max3A_529 : vector<1024x12xf32>
    %get3A_560 = arith.constant 0 : index
    %get3A_561 = arith.constant 0 : index
    %get3A_562 = arith.constant 0 : index
    %get3A_563 = vector.load %arg3[%get3A_560, %get3A_561, %get3A_562] : memref<1x1024x256xf32, #tpu.memory_space<vmem>>, vector<1x1024x256xf32>
    %get3A_564 = vector.shape_cast %get3A_563 : vector<1x1024x256xf32> to vector<1024x256xf32>
    %slice3A_565 = vector.extract_strided_slice %get3A_564 {offsets = [0, 208], sizes = [1024, 12], strides = [1, 1]} : vector<1024x256xf32> to vector<1024x12xf32>
    %add3A_566 = arith.addf %slice3A_565, %add3A_12 : vector<1024x12xf32>
    %max3A_567 = arith.constant 0.000000e+00 : f32
    %max3A_568 = vector.broadcast %max3A_567 : f32 to vector<1024x12xf32>
    %max3A_569 = arith.maximumf %add3A_566, %max3A_568 : vector<1024x12xf32>
    %get3A_570 = arith.constant 0 : index
    %get3A_571 = arith.constant 0 : index
    %get3A_572 = vector.load %arg6[%get3A_570, %get3A_571] : memref<12x12xf32, #tpu.memory_space<vmem>>, vector<12x12xf32>
    %convert_element_type3A_573 = arith.truncf %max3A_569 : vector<1024x12xf32> to vector<1024x12xbf16>
    %convert_element_type3A_574 = arith.truncf %get3A_572 : vector<12x12xf32> to vector<12x12xbf16>
    %dot_general3A_575 = arith.constant dense<0.000000e+00> : vector<1024x12xf32>
    %dot_general3A_576 = tpu.matmul %convert_element_type3A_573, %convert_element_type3A_574, %dot_general3A_575 {dimension_numbers = #tpu.dot_dimension_numbers<[1], [0], [0], [1], [0, 0, 1, 1], [], []>, transpose_lhs_hint = false} : vector<1024x12xbf16>, vector<12x12xbf16>, vector<1024x12xf32> -> vector<1024x12xf32>
    %add3A_577 = arith.addf %dot_general3A_576, %add3A_24 : vector<1024x12xf32>
    %max3A_578 = arith.constant 0.000000e+00 : f32
    %max3A_579 = vector.broadcast %max3A_578 : f32 to vector<1024x12xf32>
    %max3A_580 = arith.maximumf %add3A_577, %max3A_579 : vector<1024x12xf32>
    %get3A_581 = arith.constant 0 : index
    %get3A_582 = arith.constant 0 : index
    %get3A_583 = vector.load %arg9[%get3A_581, %get3A_582] : memref<12x12xf32, #tpu.memory_space<vmem>>, vector<12x12xf32>
    %convert_element_type3A_584 = arith.truncf %max3A_580 : vector<1024x12xf32> to vector<1024x12xbf16>
    %convert_element_type3A_585 = arith.truncf %get3A_583 : vector<12x12xf32> to vector<12x12xbf16>
    %dot_general3A_586 = arith.constant dense<0.000000e+00> : vector<1024x12xf32>
    %dot_general3A_587 = tpu.matmul %convert_element_type3A_584, %convert_element_type3A_585, %dot_general3A_586 {dimension_numbers = #tpu.dot_dimension_numbers<[1], [0], [0], [1], [0, 0, 1, 1], [], []>, transpose_lhs_hint = false} : vector<1024x12xbf16>, vector<12x12xbf16>, vector<1024x12xf32> -> vector<1024x12xf32>
    %get3A_588 = arith.constant 0 : index
    %get3A_589 = arith.constant 0 : index
    %get3A_590 = vector.load %arg10[%get3A_588, %get3A_589] : memref<12x12xf32, #tpu.memory_space<vmem>>, vector<12x12xf32>
    %convert_element_type3A_591 = arith.truncf %max3A_569 : vector<1024x12xf32> to vector<1024x12xbf16>
    %convert_element_type3A_592 = arith.truncf %get3A_590 : vector<12x12xf32> to vector<12x12xbf16>
    %dot_general3A_593 = arith.constant dense<0.000000e+00> : vector<1024x12xf32>
    %dot_general3A_594 = tpu.matmul %convert_element_type3A_591, %convert_element_type3A_592, %dot_general3A_593 {dimension_numbers = #tpu.dot_dimension_numbers<[1], [0], [0], [1], [0, 0, 1, 1], [], []>, transpose_lhs_hint = false} : vector<1024x12xbf16>, vector<12x12xbf16>, vector<1024x12xf32> -> vector<1024x12xf32>
    %add3A_595 = arith.addf %dot_general3A_587, %dot_general3A_594 : vector<1024x12xf32>
    %add3A_596 = arith.addf %add3A_595, %add3A_36 : vector<1024x12xf32>
    %max3A_597 = arith.maximumf %max3A_557, %add3A_596 : vector<1024x12xf32>
    %max3A_598 = arith.maximumf %max3A_558, %max3A_580 : vector<1024x12xf32>
    %max3A_599 = arith.maximumf %max3A_559, %max3A_569 : vector<1024x12xf32>
    %get3A_600 = arith.constant 0 : index
    %get3A_601 = arith.constant 0 : index
    %get3A_602 = arith.constant 0 : index
    %get3A_603 = vector.load %arg3[%get3A_600, %get3A_601, %get3A_602] : memref<1x1024x256xf32, #tpu.memory_space<vmem>>, vector<1x1024x256xf32>
    %get3A_604 = vector.shape_cast %get3A_603 : vector<1x1024x256xf32> to vector<1024x256xf32>
    %slice3A_605 = vector.extract_strided_slice %get3A_604 {offsets = [0, 224], sizes = [1024, 12], strides = [1, 1]} : vector<1024x256xf32> to vector<1024x12xf32>
    %add3A_606 = arith.addf %slice3A_605, %add3A_12 : vector<1024x12xf32>
    %max3A_607 = arith.constant 0.000000e+00 : f32
    %max3A_608 = vector.broadcast %max3A_607 : f32 to vector<1024x12xf32>
    %max3A_609 = arith.maximumf %add3A_606, %max3A_608 : vector<1024x12xf32>
    %get3A_610 = arith.constant 0 : index
    %get3A_611 = arith.constant 0 : index
    %get3A_612 = vector.load %arg6[%get3A_610, %get3A_611] : memref<12x12xf32, #tpu.memory_space<vmem>>, vector<12x12xf32>
    %convert_element_type3A_613 = arith.truncf %max3A_609 : vector<1024x12xf32> to vector<1024x12xbf16>
    %convert_element_type3A_614 = arith.truncf %get3A_612 : vector<12x12xf32> to vector<12x12xbf16>
    %dot_general3A_615 = arith.constant dense<0.000000e+00> : vector<1024x12xf32>
    %dot_general3A_616 = tpu.matmul %convert_element_type3A_613, %convert_element_type3A_614, %dot_general3A_615 {dimension_numbers = #tpu.dot_dimension_numbers<[1], [0], [0], [1], [0, 0, 1, 1], [], []>, transpose_lhs_hint = false} : vector<1024x12xbf16>, vector<12x12xbf16>, vector<1024x12xf32> -> vector<1024x12xf32>
    %add3A_617 = arith.addf %dot_general3A_616, %add3A_24 : vector<1024x12xf32>
    %max3A_618 = arith.constant 0.000000e+00 : f32
    %max3A_619 = vector.broadcast %max3A_618 : f32 to vector<1024x12xf32>
    %max3A_620 = arith.maximumf %add3A_617, %max3A_619 : vector<1024x12xf32>
    %get3A_621 = arith.constant 0 : index
    %get3A_622 = arith.constant 0 : index
    %get3A_623 = vector.load %arg9[%get3A_621, %get3A_622] : memref<12x12xf32, #tpu.memory_space<vmem>>, vector<12x12xf32>
    %convert_element_type3A_624 = arith.truncf %max3A_620 : vector<1024x12xf32> to vector<1024x12xbf16>
    %convert_element_type3A_625 = arith.truncf %get3A_623 : vector<12x12xf32> to vector<12x12xbf16>
    %dot_general3A_626 = arith.constant dense<0.000000e+00> : vector<1024x12xf32>
    %dot_general3A_627 = tpu.matmul %convert_element_type3A_624, %convert_element_type3A_625, %dot_general3A_626 {dimension_numbers = #tpu.dot_dimension_numbers<[1], [0], [0], [1], [0, 0, 1, 1], [], []>, transpose_lhs_hint = false} : vector<1024x12xbf16>, vector<12x12xbf16>, vector<1024x12xf32> -> vector<1024x12xf32>
    %get3A_628 = arith.constant 0 : index
    %get3A_629 = arith.constant 0 : index
    %get3A_630 = vector.load %arg10[%get3A_628, %get3A_629] : memref<12x12xf32, #tpu.memory_space<vmem>>, vector<12x12xf32>
    %convert_element_type3A_631 = arith.truncf %max3A_609 : vector<1024x12xf32> to vector<1024x12xbf16>
    %convert_element_type3A_632 = arith.truncf %get3A_630 : vector<12x12xf32> to vector<12x12xbf16>
    %dot_general3A_633 = arith.constant dense<0.000000e+00> : vector<1024x12xf32>
    %dot_general3A_634 = tpu.matmul %convert_element_type3A_631, %convert_element_type3A_632, %dot_general3A_633 {dimension_numbers = #tpu.dot_dimension_numbers<[1], [0], [0], [1], [0, 0, 1, 1], [], []>, transpose_lhs_hint = false} : vector<1024x12xbf16>, vector<12x12xbf16>, vector<1024x12xf32> -> vector<1024x12xf32>
    %add3A_635 = arith.addf %dot_general3A_627, %dot_general3A_634 : vector<1024x12xf32>
    %add3A_636 = arith.addf %add3A_635, %add3A_36 : vector<1024x12xf32>
    %max3A_637 = arith.maximumf %max3A_597, %add3A_636 : vector<1024x12xf32>
    %max3A_638 = arith.maximumf %max3A_598, %max3A_620 : vector<1024x12xf32>
    %max3A_639 = arith.maximumf %max3A_599, %max3A_609 : vector<1024x12xf32>
    %get3A_640 = arith.constant 0 : index
    %get3A_641 = arith.constant 0 : index
    %get3A_642 = arith.constant 0 : index
    %get3A_643 = vector.load %arg3[%get3A_640, %get3A_641, %get3A_642] : memref<1x1024x256xf32, #tpu.memory_space<vmem>>, vector<1x1024x256xf32>
    %get3A_644 = vector.shape_cast %get3A_643 : vector<1x1024x256xf32> to vector<1024x256xf32>
    %slice3A_645 = vector.extract_strided_slice %get3A_644 {offsets = [0, 240], sizes = [1024, 12], strides = [1, 1]} : vector<1024x256xf32> to vector<1024x12xf32>
    %add3A_646 = arith.addf %slice3A_645, %add3A_12 : vector<1024x12xf32>
    %max3A_647 = arith.constant 0.000000e+00 : f32
    %max3A_648 = vector.broadcast %max3A_647 : f32 to vector<1024x12xf32>
    %max3A_649 = arith.maximumf %add3A_646, %max3A_648 : vector<1024x12xf32>
    %get3A_650 = arith.constant 0 : index
    %get3A_651 = arith.constant 0 : index
    %get3A_652 = vector.load %arg6[%get3A_650, %get3A_651] : memref<12x12xf32, #tpu.memory_space<vmem>>, vector<12x12xf32>
    %convert_element_type3A_653 = arith.truncf %max3A_649 : vector<1024x12xf32> to vector<1024x12xbf16>
    %convert_element_type3A_654 = arith.truncf %get3A_652 : vector<12x12xf32> to vector<12x12xbf16>
    %dot_general3A_655 = arith.constant dense<0.000000e+00> : vector<1024x12xf32>
    %dot_general3A_656 = tpu.matmul %convert_element_type3A_653, %convert_element_type3A_654, %dot_general3A_655 {dimension_numbers = #tpu.dot_dimension_numbers<[1], [0], [0], [1], [0, 0, 1, 1], [], []>, transpose_lhs_hint = false} : vector<1024x12xbf16>, vector<12x12xbf16>, vector<1024x12xf32> -> vector<1024x12xf32>
    %add3A_657 = arith.addf %dot_general3A_656, %add3A_24 : vector<1024x12xf32>
    %max3A_658 = arith.constant 0.000000e+00 : f32
    %max3A_659 = vector.broadcast %max3A_658 : f32 to vector<1024x12xf32>
    %max3A_660 = arith.maximumf %add3A_657, %max3A_659 : vector<1024x12xf32>
    %get3A_661 = arith.constant 0 : index
    %get3A_662 = arith.constant 0 : index
    %get3A_663 = vector.load %arg9[%get3A_661, %get3A_662] : memref<12x12xf32, #tpu.memory_space<vmem>>, vector<12x12xf32>
    %convert_element_type3A_664 = arith.truncf %max3A_660 : vector<1024x12xf32> to vector<1024x12xbf16>
    %convert_element_type3A_665 = arith.truncf %get3A_663 : vector<12x12xf32> to vector<12x12xbf16>
    %dot_general3A_666 = arith.constant dense<0.000000e+00> : vector<1024x12xf32>
    %dot_general3A_667 = tpu.matmul %convert_element_type3A_664, %convert_element_type3A_665, %dot_general3A_666 {dimension_numbers = #tpu.dot_dimension_numbers<[1], [0], [0], [1], [0, 0, 1, 1], [], []>, transpose_lhs_hint = false} : vector<1024x12xbf16>, vector<12x12xbf16>, vector<1024x12xf32> -> vector<1024x12xf32>
    %get3A_668 = arith.constant 0 : index
    %get3A_669 = arith.constant 0 : index
    %get3A_670 = vector.load %arg10[%get3A_668, %get3A_669] : memref<12x12xf32, #tpu.memory_space<vmem>>, vector<12x12xf32>
    %convert_element_type3A_671 = arith.truncf %max3A_649 : vector<1024x12xf32> to vector<1024x12xbf16>
    %convert_element_type3A_672 = arith.truncf %get3A_670 : vector<12x12xf32> to vector<12x12xbf16>
    %dot_general3A_673 = arith.constant dense<0.000000e+00> : vector<1024x12xf32>
    %dot_general3A_674 = tpu.matmul %convert_element_type3A_671, %convert_element_type3A_672, %dot_general3A_673 {dimension_numbers = #tpu.dot_dimension_numbers<[1], [0], [0], [1], [0, 0, 1, 1], [], []>, transpose_lhs_hint = false} : vector<1024x12xbf16>, vector<12x12xbf16>, vector<1024x12xf32> -> vector<1024x12xf32>
    %add3A_675 = arith.addf %dot_general3A_667, %dot_general3A_674 : vector<1024x12xf32>
    %add3A_676 = arith.addf %add3A_675, %add3A_36 : vector<1024x12xf32>
    %max3A_677 = arith.maximumf %max3A_637, %add3A_676 : vector<1024x12xf32>
    %max3A_678 = arith.maximumf %max3A_638, %max3A_660 : vector<1024x12xf32>
    %max3A_679 = arith.maximumf %max3A_639, %max3A_649 : vector<1024x12xf32>
    %concatenate3A = tpu.concatenate %max3A_677, %max3A_678, %max3A_679, %get3A_3 in 1 : vector<1024x12xf32>, vector<1024x12xf32>, vector<1024x12xf32>, vector<1024x24xf32> -> vector<1024x60xf32>
    %swap3A = arith.constant 0 : index
    %swap3A_680 = arith.constant 0 : index
    %swap3A_681 = arith.constant 0 : index
    %swap3A_682 = vector.load %arg13[%swap3A, %swap3A_680, %swap3A_681] : memref<1x1024x60xf32, #tpu.memory_space<vmem>>, vector<1x1024x60xf32>
    %swap3A_683 = vector.shape_cast %swap3A_682 : vector<1x1024x60xf32> to vector<1024x60xf32>
    %swap3A_684 = vector.shape_cast %concatenate3A : vector<1024x60xf32> to vector<1x1024x60xf32>
    tpu.vector_store %arg13[%swap3A, %swap3A_680, %swap3A_681], %swap3A_684 {strides = array<i32>} : memref<1x1024x60xf32, #tpu.memory_space<vmem>>, vector<1x1024x60xf32>,
    return
  }
  func.func @transform_0(%arg0: i32, %arg1: i32) -> (i32, i32, i32) {
    %c0_i32 = arith.constant 0 : i32
    %c0_i32_0 = arith.constant 0 : i32
    return %arg0, %arg1, %c0_i32 : i32, i32, i32
  }
  func.func @transform_1(%arg0: i32, %arg1: i32) -> (i32, i32, i32) {
    %c0_i32 = arith.constant 0 : i32
    %c0_i32_0 = arith.constant 0 : i32
    return %arg0, %arg1, %c0_i32 : i32, i32, i32
  }
  func.func @transform_2(%arg0: i32, %arg1: i32) -> (i32, i32) {
    %c0_i32 = arith.constant 0 : i32
    %c0_i32_0 = arith.constant 0 : i32
    %c0_i32_1 = arith.constant 0 : i32
    return %c0_i32, %c0_i32_0 : i32, i32
  }
  func.func @transform_3(%arg0: i32, %arg1: i32) -> (i32, i32) {
    %c0_i32 = arith.constant 0 : i32
    %c0_i32_0 = arith.constant 0 : i32
    %c0_i32_1 = arith.constant 0 : i32
    return %c0_i32, %c0_i32_0 : i32, i32
  }
  func.func @transform_4(%arg0: i32, %arg1: i32) -> (i32, i32) {
    %c0_i32 = arith.constant 0 : i32
    %c0_i32_0 = arith.constant 0 : i32
    %c0_i32_1 = arith.constant 0 : i32
    return %c0_i32, %c0_i32_0 : i32, i32
  }
  func.func @transform_5(%arg0: i32, %arg1: i32) -> (i32, i32) {
    %c0_i32 = arith.constant 0 : i32
    %c0_i32_0 = arith.constant 0 : i32
    %c0_i32_1 = arith.constant 0 : i32
    return %c0_i32, %c0_i32_0 : i32, i32
  }
  func.func @transform_6(%arg0: i32, %arg1: i32) -> (i32, i32) {
    %c0_i32 = arith.constant 0 : i32
    %c0_i32_0 = arith.constant 0 : i32
    %c0_i32_1 = arith.constant 0 : i32
    return %c0_i32, %c0_i32_0 : i32, i32
  }
  func.func @transform_7(%arg0: i32, %arg1: i32) -> (i32, i32) {
    %c0_i32 = arith.constant 0 : i32
    %c0_i32_0 = arith.constant 0 : i32
    %c0_i32_1 = arith.constant 0 : i32
    return %c0_i32, %c0_i32_0 : i32, i32
  }
  func.func @transform_8(%arg0: i32, %arg1: i32) -> (i32, i32) {
    %c0_i32 = arith.constant 0 : i32
    %c0_i32_0 = arith.constant 0 : i32
    %c0_i32_1 = arith.constant 0 : i32
    return %c0_i32, %c0_i32_0 : i32, i32
  }
  func.func @transform_9(%arg0: i32, %arg1: i32) -> (i32, i32) {
    %c0_i32 = arith.constant 0 : i32
    %c0_i32_0 = arith.constant 0 : i32
    %c0_i32_1 = arith.constant 0 : i32
    return %c0_i32, %c0_i32_0 : i32, i32
  }
  func.func @transform_10(%arg0: i32, %arg1: i32) -> (i32, i32) {
    %c0_i32 = arith.constant 0 : i32
    %c0_i32_0 = arith.constant 0 : i32
    %c0_i32_1 = arith.constant 0 : i32
    return %c0_i32, %c0_i32_0 : i32, i32
  }
  func.func @transform_11(%arg0: i32, %arg1: i32) -> (i32, i32, i32) {
    %c0_i32 = arith.constant 0 : i32
    %c0_i32_0 = arith.constant 0 : i32
    return %arg0, %arg1, %c0_i32 : i32, i32, i32
  }
}

module attributes {stable_mosaic.version = 14 : i64} {
  func.func @_dense_body(%arg0: i32, %arg1: memref<16x64x60xf32, #tpu.memory_space<vmem>>, %arg2: memref<64x32xf32, #tpu.memory_space<vmem>>, %arg3: memref<1024x1024xf32, #tpu.memory_space<vmem>>, %arg4: memref<24x60xf32, #tpu.memory_space<vmem>>, %arg5: memref<1x24xf32, #tpu.memory_space<vmem>>, %arg6: memref<32x24xf32, #tpu.memory_space<vmem>>, %arg7: memref<1x32xf32, #tpu.memory_space<vmem>>, %arg8: memref<96x32xf32, #tpu.memory_space<vmem>>, %arg9: memref<1x96xf32, #tpu.memory_space<vmem>>, %arg10: memref<32x32xf32, #tpu.memory_space<vmem>>, %arg11: memref<1x32xf32, #tpu.memory_space<vmem>>, %arg12: memref<2048x32xf32, #tpu.memory_space<vmem>>, %arg13: memref<1x2048xf32, #tpu.memory_space<vmem>>, %arg14: memref<32x2048xf32, #tpu.memory_space<vmem>>, %arg15: memref<1x32xf32, #tpu.memory_space<vmem>>, %arg16: memref<1x32xf32, #tpu.memory_space<vmem>>, %arg17: memref<1x32xf32, #tpu.memory_space<vmem>>, %arg18: memref<1x32xf32, #tpu.memory_space<vmem>>, %arg19: memref<1x32xf32, #tpu.memory_space<vmem>>, %arg20: memref<16x32xf32, #tpu.memory_space<vmem>>, %arg21: memref<1x16xf32, #tpu.memory_space<vmem>>, %arg22: memref<1x16xf32, #tpu.memory_space<vmem>>, %arg23: memref<1x1xf32, #tpu.memory_space<vmem>>, %arg24: memref<24x32xf32, #tpu.memory_space<vmem>>, %arg25: memref<1x24xf32, #tpu.memory_space<vmem>>, %arg26: memref<24x16xf32, #tpu.memory_space<vmem>>, %arg27: memref<16x64x24xf32, #tpu.memory_space<vmem>>, %arg28: memref<16x64x16xf32, #tpu.memory_space<vmem>>) attributes {dimension_semantics = [#tpu.dimension_semantics<arbitrary>], iteration_bounds = array<i64: 16>, scalar_prefetch = 0 : i64, scratch_operands = 0 : i64, tpu.core_type = #tpu.core_type<tc>, window_params = [{transform_indices = @transform_0, window_bounds = array<i64: 16, 64, 60>}, {transform_indices = @transform_1, window_bounds = array<i64: 64, 32>}, {pipeline_mode = #tpu.pipeline_mode<synchronous>, transform_indices = @transform_2, window_bounds = array<i64: 1024, 1024>}, {pipeline_mode = #tpu.pipeline_mode<synchronous>, transform_indices = @transform_3, window_bounds = array<i64: 24, 60>}, {pipeline_mode = #tpu.pipeline_mode<synchronous>, transform_indices = @transform_4, window_bounds = array<i64: 1, 24>}, {pipeline_mode = #tpu.pipeline_mode<synchronous>, transform_indices = @transform_5, window_bounds = array<i64: 32, 24>}, {pipeline_mode = #tpu.pipeline_mode<synchronous>, transform_indices = @transform_6, window_bounds = array<i64: 1, 32>}, {pipeline_mode = #tpu.pipeline_mode<synchronous>, transform_indices = @transform_7, window_bounds = array<i64: 96, 32>}, {pipeline_mode = #tpu.pipeline_mode<synchronous>, transform_indices = @transform_8, window_bounds = array<i64: 1, 96>}, {pipeline_mode = #tpu.pipeline_mode<synchronous>, transform_indices = @transform_9, window_bounds = array<i64: 32, 32>}, {pipeline_mode = #tpu.pipeline_mode<synchronous>, transform_indices = @transform_10, window_bounds = array<i64: 1, 32>}, {pipeline_mode = #tpu.pipeline_mode<synchronous>, transform_indices = @transform_11, window_bounds = array<i64: 2048, 32>}, {pipeline_mode = #tpu.pipeline_mode<synchronous>, transform_indices = @transform_12, window_bounds = array<i64: 1, 2048>}, {pipeline_mode = #tpu.pipeline_mode<synchronous>, transform_indices = @transform_13, window_bounds = array<i64: 32, 2048>}, {pipeline_mode = #tpu.pipeline_mode<synchronous>, transform_indices = @transform_14, window_bounds = array<i64: 1, 32>}, {pipeline_mode = #tpu.pipeline_mode<synchronous>, transform_indices = @transform_15, window_bounds = array<i64: 1, 32>}, {pipeline_mode = #tpu.pipeline_mode<synchronous>, transform_indices = @transform_16, window_bounds = array<i64: 1, 32>}, {pipeline_mode = #tpu.pipeline_mode<synchronous>, transform_indices = @transform_17, window_bounds = array<i64: 1, 32>}, {pipeline_mode = #tpu.pipeline_mode<synchronous>, transform_indices = @transform_18, window_bounds = array<i64: 1, 32>}, {pipeline_mode = #tpu.pipeline_mode<synchronous>, transform_indices = @transform_19, window_bounds = array<i64: 16, 32>}, {pipeline_mode = #tpu.pipeline_mode<synchronous>, transform_indices = @transform_20, window_bounds = array<i64: 1, 16>}, {pipeline_mode = #tpu.pipeline_mode<synchronous>, transform_indices = @transform_21, window_bounds = array<i64: 1, 16>}, {pipeline_mode = #tpu.pipeline_mode<synchronous>, transform_indices = @transform_22, window_bounds = array<i64: 1, 1>}, {pipeline_mode = #tpu.pipeline_mode<synchronous>, transform_indices = @transform_23, window_bounds = array<i64: 24, 32>}, {pipeline_mode = #tpu.pipeline_mode<synchronous>, transform_indices = @transform_24, window_bounds = array<i64: 1, 24>}, {pipeline_mode = #tpu.pipeline_mode<synchronous>, transform_indices = @transform_25, window_bounds = array<i64: 24, 16>}, {transform_indices = @transform_26, window_bounds = array<i64: 16, 64, 24>}, {transform_indices = @transform_27, window_bounds = array<i64: 16, 64, 16>}]} {
    %get3A = arith.constant 0 : index
    %get3A_0 = arith.constant 0 : index
    %get3A_1 = arith.constant 0 : index
    %get3A_2 = vector.load %arg1[%get3A, %get3A_0, %get3A_1] : memref<16x64x60xf32, #tpu.memory_space<vmem>>, vector<16x64x60xf32>
    %reshape3A = vector.shape_cast %get3A_2 : vector<16x64x60xf32> to vector<1024x60xf32>
    %get3A_3 = arith.constant 0 : index
    %get3A_4 = arith.constant 0 : index
    %get3A_5 = vector.load %arg4[%get3A_3, %get3A_4] : memref<24x60xf32, #tpu.memory_space<vmem>>, vector<24x60xf32>
    %convert_element_type3A = arith.truncf %reshape3A : vector<1024x60xf32> to vector<1024x60xbf16>
    %convert_element_type3A_6 = arith.truncf %get3A_5 : vector<24x60xf32> to vector<24x60xbf16>
    %dot_general3A = arith.constant dense<0.000000e+00> : vector<1024x24xf32>
    %dot_general3A_7 = tpu.matmul %convert_element_type3A, %convert_element_type3A_6, %dot_general3A {dimension_numbers = #tpu.dot_dimension_numbers<[1], [1], [0], [0], [0, 0, 1, 0], [], []>, transpose_lhs_hint = false} : vector<1024x60xbf16>, vector<24x60xbf16>, vector<1024x24xf32> -> vector<1024x24xf32>
    %get3A_8 = arith.constant 0 : index
    %get3A_9 = arith.constant 0 : index
    %get3A_10 = vector.load %arg5[%get3A_8, %get3A_9] : memref<1x24xf32, #tpu.memory_space<vmem>>, vector<1x24xf32>
    %add3A = vector.broadcast %get3A_10 : vector<1x24xf32> to vector<1024x24xf32>
    %add3A_11 = arith.addf %dot_general3A_7, %add3A : vector<1024x24xf32>
    %max3A = arith.constant 0.000000e+00 : f32
    %max3A_12 = vector.broadcast %max3A : f32 to vector<1024x24xf32>
    %max3A_13 = arith.maximumf %add3A_11, %max3A_12 : vector<1024x24xf32>
    %get3A_14 = arith.constant 0 : index
    %get3A_15 = arith.constant 0 : index
    %get3A_16 = vector.load %arg6[%get3A_14, %get3A_15] : memref<32x24xf32, #tpu.memory_space<vmem>>, vector<32x24xf32>
    %convert_element_type3A_17 = arith.truncf %max3A_13 : vector<1024x24xf32> to vector<1024x24xbf16>
    %convert_element_type3A_18 = arith.truncf %get3A_16 : vector<32x24xf32> to vector<32x24xbf16>
    %dot_general3A_19 = arith.constant dense<0.000000e+00> : vector<1024x32xf32>
    %dot_general3A_20 = tpu.matmul %convert_element_type3A_17, %convert_element_type3A_18, %dot_general3A_19 {dimension_numbers = #tpu.dot_dimension_numbers<[1], [1], [0], [0], [0, 0, 1, 0], [], []>, transpose_lhs_hint = false} : vector<1024x24xbf16>, vector<32x24xbf16>, vector<1024x32xf32> -> vector<1024x32xf32>
    %get3A_21 = arith.constant 0 : index
    %get3A_22 = arith.constant 0 : index
    %get3A_23 = vector.load %arg7[%get3A_21, %get3A_22] : memref<1x32xf32, #tpu.memory_space<vmem>>, vector<1x32xf32>
    %add3A_24 = vector.broadcast %get3A_23 : vector<1x32xf32> to vector<1024x32xf32>
    %add3A_25 = arith.addf %dot_general3A_20, %add3A_24 : vector<1024x32xf32>
    %reshape3A_26 = vector.shape_cast %add3A_25 : vector<1024x32xf32> to vector<16x64x32xf32>
    %get3A_27 = arith.constant 0 : index
    %get3A_28 = arith.constant 0 : index
    %get3A_29 = vector.load %arg2[%get3A_27, %get3A_28] : memref<64x32xf32, #tpu.memory_space<vmem>>, vector<64x32xf32>
    %broadcast_in_dim3A = vector.shape_cast %get3A_29 : vector<64x32xf32> to vector<1x64x32xf32>
    %add3A_30 = vector.broadcast %broadcast_in_dim3A : vector<1x64x32xf32> to vector<16x64x32xf32>
    %add3A_31 = arith.addf %reshape3A_26, %add3A_30 : vector<16x64x32xf32>
    %reshape3A_32 = vector.shape_cast %add3A_31 : vector<16x64x32xf32> to vector<1024x32xf32>
    %get3A_33 = arith.constant 0 : index
    %get3A_34 = arith.constant 0 : index
    %get3A_35 = vector.load %arg8[%get3A_33, %get3A_34] : memref<96x32xf32, #tpu.memory_space<vmem>>, vector<96x32xf32>
    %convert_element_type3A_36 = arith.truncf %reshape3A_32 : vector<1024x32xf32> to vector<1024x32xbf16>
    %convert_element_type3A_37 = arith.truncf %get3A_35 : vector<96x32xf32> to vector<96x32xbf16>
    %dot_general3A_38 = arith.constant dense<0.000000e+00> : vector<1024x96xf32>
    %dot_general3A_39 = tpu.matmul %convert_element_type3A_36, %convert_element_type3A_37, %dot_general3A_38 {dimension_numbers = #tpu.dot_dimension_numbers<[1], [1], [0], [0], [0, 0, 1, 0], [], []>, transpose_lhs_hint = false} : vector<1024x32xbf16>, vector<96x32xbf16>, vector<1024x96xf32> -> vector<1024x96xf32>
    %get3A_40 = arith.constant 0 : index
    %get3A_41 = arith.constant 0 : index
    %get3A_42 = vector.load %arg9[%get3A_40, %get3A_41] : memref<1x96xf32, #tpu.memory_space<vmem>>, vector<1x96xf32>
    %add3A_43 = vector.broadcast %get3A_42 : vector<1x96xf32> to vector<1024x96xf32>
    %add3A_44 = arith.addf %dot_general3A_39, %add3A_43 : vector<1024x96xf32>
    %get3A_45 = arith.constant 0 : index
    %get3A_46 = arith.constant 0 : index
    %get3A_47 = vector.load %arg3[%get3A_45, %get3A_46] : memref<1024x1024xf32, #tpu.memory_space<vmem>>, vector<1024x1024xf32>
    %slice3A = vector.extract_strided_slice %add3A_44 {offsets = [0, 0], sizes = [1024, 16], strides = [1, 1]} : vector<1024x96xf32> to vector<1024x16xf32>
    %slice3A_48 = vector.extract_strided_slice %add3A_44 {offsets = [0, 32], sizes = [1024, 16], strides = [1, 1]} : vector<1024x96xf32> to vector<1024x16xf32>
    %slice3A_49 = vector.extract_strided_slice %add3A_44 {offsets = [0, 64], sizes = [1024, 16], strides = [1, 1]} : vector<1024x96xf32> to vector<1024x16xf32>
    %convert_element_type3A_50 = arith.truncf %slice3A : vector<1024x16xf32> to vector<1024x16xbf16>
    %convert_element_type3A_51 = arith.truncf %slice3A_48 : vector<1024x16xf32> to vector<1024x16xbf16>
    %dot_general3A_52 = arith.constant dense<0.000000e+00> : vector<1024x1024xf32>
    %dot_general3A_53 = tpu.matmul %convert_element_type3A_50, %convert_element_type3A_51, %dot_general3A_52 {dimension_numbers = #tpu.dot_dimension_numbers<[1], [1], [0], [0], [0, 0, 1, 0], [], []>, transpose_lhs_hint = false} : vector<1024x16xbf16>, vector<1024x16xbf16>, vector<1024x1024xf32> -> vector<1024x1024xf32>
    %mul3A = arith.constant 2.500000e-01 : f32
    %mul3A_54 = vector.broadcast %mul3A : f32 to vector<1024x1024xf32>
    %mul3A_55 = arith.mulf %dot_general3A_53, %mul3A_54 : vector<1024x1024xf32>
    %add3A_56 = arith.addf %mul3A_55, %get3A_47 : vector<1024x1024xf32>
    %reduce_max3A = arith.constant dense<0xFF800000> : vector<1024xf32>
    %reduce_max3A_57 = vector.multi_reduction <maximumf>, %add3A_56, %reduce_max3A [1] : vector<1024x1024xf32> to vector<1024xf32>
    %broadcast_in_dim3A_58 = vector.shape_cast %reduce_max3A_57 : vector<1024xf32> to vector<1024x1xf32>
    %sub3A = vector.broadcast %broadcast_in_dim3A_58 : vector<1024x1xf32> to vector<1024x1024xf32>
    %sub3A_59 = arith.subf %add3A_56, %sub3A : vector<1024x1024xf32>
    %exp3A = math.exp %sub3A_59 : vector<1024x1024xf32>
    %reduce_sum3A = arith.constant dense<0.000000e+00> : vector<1024xf32>
    %reduce_sum3A_60 = vector.multi_reduction <add>, %exp3A, %reduce_sum3A [1] : vector<1024x1024xf32> to vector<1024xf32>
    %broadcast_in_dim3A_61 = vector.shape_cast %reduce_sum3A_60 : vector<1024xf32> to vector<1024x1xf32>
    %div3A = vector.broadcast %broadcast_in_dim3A_61 : vector<1024x1xf32> to vector<1024x1024xf32>
    %div3A_62 = arith.divf %exp3A, %div3A : vector<1024x1024xf32>
    %convert_element_type3A_63 = arith.truncf %div3A_62 : vector<1024x1024xf32> to vector<1024x1024xbf16>
    %convert_element_type3A_64 = arith.truncf %slice3A_49 : vector<1024x16xf32> to vector<1024x16xbf16>
    %dot_general3A_65 = arith.constant dense<0.000000e+00> : vector<1024x16xf32>
    %dot_general3A_66 = tpu.matmul %convert_element_type3A_63, %convert_element_type3A_64, %dot_general3A_65 {dimension_numbers = #tpu.dot_dimension_numbers<[1], [0], [0], [1], [0, 0, 1, 1], [], []>, transpose_lhs_hint = false} : vector<1024x1024xbf16>, vector<1024x16xbf16>, vector<1024x16xf32> -> vector<1024x16xf32>
    %slice3A_67 = vector.extract_strided_slice %add3A_44 {offsets = [0, 16], sizes = [1024, 16], strides = [1, 1]} : vector<1024x96xf32> to vector<1024x16xf32>
    %slice3A_68 = vector.extract_strided_slice %add3A_44 {offsets = [0, 48], sizes = [1024, 16], strides = [1, 1]} : vector<1024x96xf32> to vector<1024x16xf32>
    %slice3A_69 = vector.extract_strided_slice %add3A_44 {offsets = [0, 80], sizes = [1024, 16], strides = [1, 1]} : vector<1024x96xf32> to vector<1024x16xf32>
    %convert_element_type3A_70 = arith.truncf %slice3A_67 : vector<1024x16xf32> to vector<1024x16xbf16>
    %convert_element_type3A_71 = arith.truncf %slice3A_68 : vector<1024x16xf32> to vector<1024x16xbf16>
    %dot_general3A_72 = arith.constant dense<0.000000e+00> : vector<1024x1024xf32>
    %dot_general3A_73 = tpu.matmul %convert_element_type3A_70, %convert_element_type3A_71, %dot_general3A_72 {dimension_numbers = #tpu.dot_dimension_numbers<[1], [1], [0], [0], [0, 0, 1, 0], [], []>, transpose_lhs_hint = false} : vector<1024x16xbf16>, vector<1024x16xbf16>, vector<1024x1024xf32> -> vector<1024x1024xf32>
    %mul3A_74 = arith.constant 2.500000e-01 : f32
    %mul3A_75 = vector.broadcast %mul3A_74 : f32 to vector<1024x1024xf32>
    %mul3A_76 = arith.mulf %dot_general3A_73, %mul3A_75 : vector<1024x1024xf32>
    %add3A_77 = arith.addf %mul3A_76, %get3A_47 : vector<1024x1024xf32>
    %reduce_max3A_78 = arith.constant dense<0xFF800000> : vector<1024xf32>
    %reduce_max3A_79 = vector.multi_reduction <maximumf>, %add3A_77, %reduce_max3A_78 [1] : vector<1024x1024xf32> to vector<1024xf32>
    %broadcast_in_dim3A_80 = vector.shape_cast %reduce_max3A_79 : vector<1024xf32> to vector<1024x1xf32>
    %sub3A_81 = vector.broadcast %broadcast_in_dim3A_80 : vector<1024x1xf32> to vector<1024x1024xf32>
    %sub3A_82 = arith.subf %add3A_77, %sub3A_81 : vector<1024x1024xf32>
    %exp3A_83 = math.exp %sub3A_82 : vector<1024x1024xf32>
    %reduce_sum3A_84 = arith.constant dense<0.000000e+00> : vector<1024xf32>
    %reduce_sum3A_85 = vector.multi_reduction <add>, %exp3A_83, %reduce_sum3A_84 [1] : vector<1024x1024xf32> to vector<1024xf32>
    %broadcast_in_dim3A_86 = vector.shape_cast %reduce_sum3A_85 : vector<1024xf32> to vector<1024x1xf32>
    %div3A_87 = vector.broadcast %broadcast_in_dim3A_86 : vector<1024x1xf32> to vector<1024x1024xf32>
    %div3A_88 = arith.divf %exp3A_83, %div3A_87 : vector<1024x1024xf32>
    %convert_element_type3A_89 = arith.truncf %div3A_88 : vector<1024x1024xf32> to vector<1024x1024xbf16>
    %convert_element_type3A_90 = arith.truncf %slice3A_69 : vector<1024x16xf32> to vector<1024x16xbf16>
    %dot_general3A_91 = arith.constant dense<0.000000e+00> : vector<1024x16xf32>
    %dot_general3A_92 = tpu.matmul %convert_element_type3A_89, %convert_element_type3A_90, %dot_general3A_91 {dimension_numbers = #tpu.dot_dimension_numbers<[1], [0], [0], [1], [0, 0, 1, 1], [], []>, transpose_lhs_hint = false} : vector<1024x1024xbf16>, vector<1024x16xbf16>, vector<1024x16xf32> -> vector<1024x16xf32>
    %concatenate3A = tpu.concatenate %dot_general3A_66, %dot_general3A_92 in 1 : vector<1024x16xf32>, vector<1024x16xf32> -> vector<1024x32xf32>
    %get3A_93 = arith.constant 0 : index
    %get3A_94 = arith.constant 0 : index
    %get3A_95 = vector.load %arg10[%get3A_93, %get3A_94] : memref<32x32xf32, #tpu.memory_space<vmem>>, vector<32x32xf32>
    %convert_element_type3A_96 = arith.truncf %concatenate3A : vector<1024x32xf32> to vector<1024x32xbf16>
    %convert_element_type3A_97 = arith.truncf %get3A_95 : vector<32x32xf32> to vector<32x32xbf16>
    %dot_general3A_98 = arith.constant dense<0.000000e+00> : vector<1024x32xf32>
    %dot_general3A_99 = tpu.matmul %convert_element_type3A_96, %convert_element_type3A_97, %dot_general3A_98 {dimension_numbers = #tpu.dot_dimension_numbers<[1], [1], [0], [0], [0, 0, 1, 0], [], []>, transpose_lhs_hint = false} : vector<1024x32xbf16>, vector<32x32xbf16>, vector<1024x32xf32> -> vector<1024x32xf32>
    %add3A_100 = arith.addf %reshape3A_32, %dot_general3A_99 : vector<1024x32xf32>
    %get3A_101 = arith.constant 0 : index
    %get3A_102 = arith.constant 0 : index
    %get3A_103 = vector.load %arg11[%get3A_101, %get3A_102] : memref<1x32xf32, #tpu.memory_space<vmem>>, vector<1x32xf32>
    %add3A_104 = vector.broadcast %get3A_103 : vector<1x32xf32> to vector<1024x32xf32>
    %add3A_105 = arith.addf %add3A_100, %add3A_104 : vector<1024x32xf32>
    %get3A_106 = arith.constant 0 : index
    %get3A_107 = arith.constant 0 : index
    %get3A_108 = vector.load %arg16[%get3A_106, %get3A_107] : memref<1x32xf32, #tpu.memory_space<vmem>>, vector<1x32xf32>
    %get3A_109 = arith.constant 0 : index
    %get3A_110 = arith.constant 0 : index
    %get3A_111 = vector.load %arg17[%get3A_109, %get3A_110] : memref<1x32xf32, #tpu.memory_space<vmem>>, vector<1x32xf32>
    %reduce_sum3A_112 = arith.constant dense<0.000000e+00> : vector<1024xf32>
    %reduce_sum3A_113 = vector.multi_reduction <add>, %add3A_105, %reduce_sum3A_112 [1] : vector<1024x32xf32> to vector<1024xf32>
    %broadcast_in_dim3A_114 = vector.shape_cast %reduce_sum3A_113 : vector<1024xf32> to vector<1024x1xf32>
    %div3A_115 = arith.constant 3.200000e+01 : f32
    %div3A_116 = vector.broadcast %div3A_115 : f32 to vector<1024x1xf32>
    %div3A_117 = arith.divf %broadcast_in_dim3A_114, %div3A_116 : vector<1024x1xf32>
    %sub3A_118 = vector.broadcast %div3A_117 : vector<1024x1xf32> to vector<1024x32xf32>
    %sub3A_119 = arith.subf %add3A_105, %sub3A_118 : vector<1024x32xf32>
    %integer_pow3A = arith.mulf %sub3A_119, %sub3A_119 : vector<1024x32xf32>
    %reduce_sum3A_120 = arith.constant dense<0.000000e+00> : vector<1024xf32>
    %reduce_sum3A_121 = vector.multi_reduction <add>, %integer_pow3A, %reduce_sum3A_120 [1] : vector<1024x32xf32> to vector<1024xf32>
    %broadcast_in_dim3A_122 = vector.shape_cast %reduce_sum3A_121 : vector<1024xf32> to vector<1024x1xf32>
    %div3A_123 = arith.constant 3.200000e+01 : f32
    %div3A_124 = vector.broadcast %div3A_123 : f32 to vector<1024x1xf32>
    %div3A_125 = arith.divf %broadcast_in_dim3A_122, %div3A_124 : vector<1024x1xf32>
    %sub3A_126 = vector.broadcast %div3A_117 : vector<1024x1xf32> to vector<1024x32xf32>
    %sub3A_127 = arith.subf %add3A_105, %sub3A_126 : vector<1024x32xf32>
    %add3A_128 = arith.constant 9.99999974E-6 : f32
    %add3A_129 = vector.broadcast %add3A_128 : f32 to vector<1024x1xf32>
    %add3A_130 = arith.addf %div3A_125, %add3A_129 : vector<1024x1xf32>
    %sqrt3A = math.sqrt %add3A_130 : vector<1024x1xf32>
    %div3A_131 = vector.broadcast %sqrt3A : vector<1024x1xf32> to vector<1024x32xf32>
    %div3A_132 = arith.divf %sub3A_127, %div3A_131 : vector<1024x32xf32>
    %mul3A_133 = vector.broadcast %get3A_108 : vector<1x32xf32> to vector<1024x32xf32>
    %mul3A_134 = arith.mulf %div3A_132, %mul3A_133 : vector<1024x32xf32>
    %add3A_135 = vector.broadcast %get3A_111 : vector<1x32xf32> to vector<1024x32xf32>
    %add3A_136 = arith.addf %mul3A_134, %add3A_135 : vector<1024x32xf32>
    %broadcast_in_dim3A_137 = arith.constant 0.000000e+00 : f32
    %broadcast_in_dim3A_138 = vector.broadcast %broadcast_in_dim3A_137 : f32 to vector<1024x32xf32>
    %get3A_139 = arith.constant 0 : index
    %get3A_140 = arith.constant 0 : index
    %get3A_141 = vector.load %arg12[%get3A_139, %get3A_140] : memref<2048x32xf32, #tpu.memory_space<vmem>>, vector<512x32xf32>
    %get3A_142 = arith.constant 0 : index
    %get3A_143 = arith.constant 0 : index
    %get3A_144 = vector.load %arg13[%get3A_142, %get3A_143] : memref<1x2048xf32, #tpu.memory_space<vmem>>, vector<1x512xf32>
    %convert_element_type3A_145 = arith.truncf %add3A_136 : vector<1024x32xf32> to vector<1024x32xbf16>
    %convert_element_type3A_146 = arith.truncf %get3A_141 : vector<512x32xf32> to vector<512x32xbf16>
    %dot_general3A_147 = arith.constant dense<0.000000e+00> : vector<1024x512xf32>
    %dot_general3A_148 = tpu.matmul %convert_element_type3A_145, %convert_element_type3A_146, %dot_general3A_147 {dimension_numbers = #tpu.dot_dimension_numbers<[1], [1], [0], [0], [0, 0, 1, 0], [], []>, transpose_lhs_hint = false} : vector<1024x32xbf16>, vector<512x32xbf16>, vector<1024x512xf32> -> vector<1024x512xf32>
    %add3A_149 = vector.broadcast %get3A_144 : vector<1x512xf32> to vector<1024x512xf32>
    %add3A_150 = arith.addf %dot_general3A_148, %add3A_149 : vector<1024x512xf32>
    %max3A_151 = arith.constant 0.000000e+00 : f32
    %max3A_152 = vector.broadcast %max3A_151 : f32 to vector<1024x512xf32>
    %max3A_153 = arith.maximumf %add3A_150, %max3A_152 : vector<1024x512xf32>
    %get3A_154 = arith.constant 0 : index
    %get3A_155 = arith.constant 0 : index
    %get3A_156 = vector.load %arg14[%get3A_154, %get3A_155] : memref<32x2048xf32, #tpu.memory_space<vmem>>, vector<32x512xf32>
    %convert_element_type3A_157 = arith.truncf %max3A_153 : vector<1024x512xf32> to vector<1024x512xbf16>
    %convert_element_type3A_158 = arith.truncf %get3A_156 : vector<32x512xf32> to vector<32x512xbf16>
    %dot_general3A_159 = arith.constant dense<0.000000e+00> : vector<1024x32xf32>
    %dot_general3A_160 = tpu.matmul %convert_element_type3A_157, %convert_element_type3A_158, %dot_general3A_159 {dimension_numbers = #tpu.dot_dimension_numbers<[1], [1], [0], [0], [0, 0, 1, 0], [], []>, transpose_lhs_hint = false} : vector<1024x512xbf16>, vector<32x512xbf16>, vector<1024x32xf32> -> vector<1024x32xf32>
    %add3A_161 = arith.addf %broadcast_in_dim3A_138, %dot_general3A_160 : vector<1024x32xf32>
    %get3A_162 = arith.constant 512 : index
    %get3A_163 = arith.constant 0 : index
    %get3A_164 = vector.load %arg12[%get3A_162, %get3A_163] : memref<2048x32xf32, #tpu.memory_space<vmem>>, vector<512x32xf32>
    %get3A_165 = arith.constant 0 : index
    %get3A_166 = arith.constant 512 : index
    %get3A_167 = vector.load %arg13[%get3A_165, %get3A_166] : memref<1x2048xf32, #tpu.memory_space<vmem>>, vector<1x512xf32>
    %convert_element_type3A_168 = arith.truncf %add3A_136 : vector<1024x32xf32> to vector<1024x32xbf16>
    %convert_element_type3A_169 = arith.truncf %get3A_164 : vector<512x32xf32> to vector<512x32xbf16>
    %dot_general3A_170 = arith.constant dense<0.000000e+00> : vector<1024x512xf32>
    %dot_general3A_171 = tpu.matmul %convert_element_type3A_168, %convert_element_type3A_169, %dot_general3A_170 {dimension_numbers = #tpu.dot_dimension_numbers<[1], [1], [0], [0], [0, 0, 1, 0], [], []>, transpose_lhs_hint = false} : vector<1024x32xbf16>, vector<512x32xbf16>, vector<1024x512xf32> -> vector<1024x512xf32>
    %add3A_172 = vector.broadcast %get3A_167 : vector<1x512xf32> to vector<1024x512xf32>
    %add3A_173 = arith.addf %dot_general3A_171, %add3A_172 : vector<1024x512xf32>
    %max3A_174 = arith.constant 0.000000e+00 : f32
    %max3A_175 = vector.broadcast %max3A_174 : f32 to vector<1024x512xf32>
    %max3A_176 = arith.maximumf %add3A_173, %max3A_175 : vector<1024x512xf32>
    %get3A_177 = arith.constant 0 : index
    %get3A_178 = arith.constant 512 : index
    %get3A_179 = vector.load %arg14[%get3A_177, %get3A_178] : memref<32x2048xf32, #tpu.memory_space<vmem>>, vector<32x512xf32>
    %convert_element_type3A_180 = arith.truncf %max3A_176 : vector<1024x512xf32> to vector<1024x512xbf16>
    %convert_element_type3A_181 = arith.truncf %get3A_179 : vector<32x512xf32> to vector<32x512xbf16>
    %dot_general3A_182 = arith.constant dense<0.000000e+00> : vector<1024x32xf32>
    %dot_general3A_183 = tpu.matmul %convert_element_type3A_180, %convert_element_type3A_181, %dot_general3A_182 {dimension_numbers = #tpu.dot_dimension_numbers<[1], [1], [0], [0], [0, 0, 1, 0], [], []>, transpose_lhs_hint = false} : vector<1024x512xbf16>, vector<32x512xbf16>, vector<1024x32xf32> -> vector<1024x32xf32>
    %add3A_184 = arith.addf %add3A_161, %dot_general3A_183 : vector<1024x32xf32>
    %get3A_185 = arith.constant 1024 : index
    %get3A_186 = arith.constant 0 : index
    %get3A_187 = vector.load %arg12[%get3A_185, %get3A_186] : memref<2048x32xf32, #tpu.memory_space<vmem>>, vector<512x32xf32>
    %get3A_188 = arith.constant 0 : index
    %get3A_189 = arith.constant 1024 : index
    %get3A_190 = vector.load %arg13[%get3A_188, %get3A_189] : memref<1x2048xf32, #tpu.memory_space<vmem>>, vector<1x512xf32>
    %convert_element_type3A_191 = arith.truncf %add3A_136 : vector<1024x32xf32> to vector<1024x32xbf16>
    %convert_element_type3A_192 = arith.truncf %get3A_187 : vector<512x32xf32> to vector<512x32xbf16>
    %dot_general3A_193 = arith.constant dense<0.000000e+00> : vector<1024x512xf32>
    %dot_general3A_194 = tpu.matmul %convert_element_type3A_191, %convert_element_type3A_192, %dot_general3A_193 {dimension_numbers = #tpu.dot_dimension_numbers<[1], [1], [0], [0], [0, 0, 1, 0], [], []>, transpose_lhs_hint = false} : vector<1024x32xbf16>, vector<512x32xbf16>, vector<1024x512xf32> -> vector<1024x512xf32>
    %add3A_195 = vector.broadcast %get3A_190 : vector<1x512xf32> to vector<1024x512xf32>
    %add3A_196 = arith.addf %dot_general3A_194, %add3A_195 : vector<1024x512xf32>
    %max3A_197 = arith.constant 0.000000e+00 : f32
    %max3A_198 = vector.broadcast %max3A_197 : f32 to vector<1024x512xf32>
    %max3A_199 = arith.maximumf %add3A_196, %max3A_198 : vector<1024x512xf32>
    %get3A_200 = arith.constant 0 : index
    %get3A_201 = arith.constant 1024 : index
    %get3A_202 = vector.load %arg14[%get3A_200, %get3A_201] : memref<32x2048xf32, #tpu.memory_space<vmem>>, vector<32x512xf32>
    %convert_element_type3A_203 = arith.truncf %max3A_199 : vector<1024x512xf32> to vector<1024x512xbf16>
    %convert_element_type3A_204 = arith.truncf %get3A_202 : vector<32x512xf32> to vector<32x512xbf16>
    %dot_general3A_205 = arith.constant dense<0.000000e+00> : vector<1024x32xf32>
    %dot_general3A_206 = tpu.matmul %convert_element_type3A_203, %convert_element_type3A_204, %dot_general3A_205 {dimension_numbers = #tpu.dot_dimension_numbers<[1], [1], [0], [0], [0, 0, 1, 0], [], []>, transpose_lhs_hint = false} : vector<1024x512xbf16>, vector<32x512xbf16>, vector<1024x32xf32> -> vector<1024x32xf32>
    %add3A_207 = arith.addf %add3A_184, %dot_general3A_206 : vector<1024x32xf32>
    %get3A_208 = arith.constant 1536 : index
    %get3A_209 = arith.constant 0 : index
    %get3A_210 = vector.load %arg12[%get3A_208, %get3A_209] : memref<2048x32xf32, #tpu.memory_space<vmem>>, vector<512x32xf32>
    %get3A_211 = arith.constant 0 : index
    %get3A_212 = arith.constant 1536 : index
    %get3A_213 = vector.load %arg13[%get3A_211, %get3A_212] : memref<1x2048xf32, #tpu.memory_space<vmem>>, vector<1x512xf32>
    %convert_element_type3A_214 = arith.truncf %add3A_136 : vector<1024x32xf32> to vector<1024x32xbf16>
    %convert_element_type3A_215 = arith.truncf %get3A_210 : vector<512x32xf32> to vector<512x32xbf16>
    %dot_general3A_216 = arith.constant dense<0.000000e+00> : vector<1024x512xf32>
    %dot_general3A_217 = tpu.matmul %convert_element_type3A_214, %convert_element_type3A_215, %dot_general3A_216 {dimension_numbers = #tpu.dot_dimension_numbers<[1], [1], [0], [0], [0, 0, 1, 0], [], []>, transpose_lhs_hint = false} : vector<1024x32xbf16>, vector<512x32xbf16>, vector<1024x512xf32> -> vector<1024x512xf32>
    %add3A_218 = vector.broadcast %get3A_213 : vector<1x512xf32> to vector<1024x512xf32>
    %add3A_219 = arith.addf %dot_general3A_217, %add3A_218 : vector<1024x512xf32>
    %max3A_220 = arith.constant 0.000000e+00 : f32
    %max3A_221 = vector.broadcast %max3A_220 : f32 to vector<1024x512xf32>
    %max3A_222 = arith.maximumf %add3A_219, %max3A_221 : vector<1024x512xf32>
    %get3A_223 = arith.constant 0 : index
    %get3A_224 = arith.constant 1536 : index
    %get3A_225 = vector.load %arg14[%get3A_223, %get3A_224] : memref<32x2048xf32, #tpu.memory_space<vmem>>, vector<32x512xf32>
    %convert_element_type3A_226 = arith.truncf %max3A_222 : vector<1024x512xf32> to vector<1024x512xbf16>
    %convert_element_type3A_227 = arith.truncf %get3A_225 : vector<32x512xf32> to vector<32x512xbf16>
    %dot_general3A_228 = arith.constant dense<0.000000e+00> : vector<1024x32xf32>
    %dot_general3A_229 = tpu.matmul %convert_element_type3A_226, %convert_element_type3A_227, %dot_general3A_228 {dimension_numbers = #tpu.dot_dimension_numbers<[1], [1], [0], [0], [0, 0, 1, 0], [], []>, transpose_lhs_hint = false} : vector<1024x512xbf16>, vector<32x512xbf16>, vector<1024x32xf32> -> vector<1024x32xf32>
    %add3A_230 = arith.addf %add3A_207, %dot_general3A_229 : vector<1024x32xf32>
    %add3A_231 = arith.addf %add3A_136, %add3A_230 : vector<1024x32xf32>
    %get3A_232 = arith.constant 0 : index
    %get3A_233 = arith.constant 0 : index
    %get3A_234 = vector.load %arg15[%get3A_232, %get3A_233] : memref<1x32xf32, #tpu.memory_space<vmem>>, vector<1x32xf32>
    %add3A_235 = vector.broadcast %get3A_234 : vector<1x32xf32> to vector<1024x32xf32>
    %add3A_236 = arith.addf %add3A_231, %add3A_235 : vector<1024x32xf32>
    %get3A_237 = arith.constant 0 : index
    %get3A_238 = arith.constant 0 : index
    %get3A_239 = vector.load %arg18[%get3A_237, %get3A_238] : memref<1x32xf32, #tpu.memory_space<vmem>>, vector<1x32xf32>
    %get3A_240 = arith.constant 0 : index
    %get3A_241 = arith.constant 0 : index
    %get3A_242 = vector.load %arg19[%get3A_240, %get3A_241] : memref<1x32xf32, #tpu.memory_space<vmem>>, vector<1x32xf32>
    %reduce_sum3A_243 = arith.constant dense<0.000000e+00> : vector<1024xf32>
    %reduce_sum3A_244 = vector.multi_reduction <add>, %add3A_236, %reduce_sum3A_243 [1] : vector<1024x32xf32> to vector<1024xf32>
    %broadcast_in_dim3A_245 = vector.shape_cast %reduce_sum3A_244 : vector<1024xf32> to vector<1024x1xf32>
    %div3A_246 = arith.constant 3.200000e+01 : f32
    %div3A_247 = vector.broadcast %div3A_246 : f32 to vector<1024x1xf32>
    %div3A_248 = arith.divf %broadcast_in_dim3A_245, %div3A_247 : vector<1024x1xf32>
    %sub3A_249 = vector.broadcast %div3A_248 : vector<1024x1xf32> to vector<1024x32xf32>
    %sub3A_250 = arith.subf %add3A_236, %sub3A_249 : vector<1024x32xf32>
    %integer_pow3A_251 = arith.mulf %sub3A_250, %sub3A_250 : vector<1024x32xf32>
    %reduce_sum3A_252 = arith.constant dense<0.000000e+00> : vector<1024xf32>
    %reduce_sum3A_253 = vector.multi_reduction <add>, %integer_pow3A_251, %reduce_sum3A_252 [1] : vector<1024x32xf32> to vector<1024xf32>
    %broadcast_in_dim3A_254 = vector.shape_cast %reduce_sum3A_253 : vector<1024xf32> to vector<1024x1xf32>
    %div3A_255 = arith.constant 3.200000e+01 : f32
    %div3A_256 = vector.broadcast %div3A_255 : f32 to vector<1024x1xf32>
    %div3A_257 = arith.divf %broadcast_in_dim3A_254, %div3A_256 : vector<1024x1xf32>
    %sub3A_258 = vector.broadcast %div3A_248 : vector<1024x1xf32> to vector<1024x32xf32>
    %sub3A_259 = arith.subf %add3A_236, %sub3A_258 : vector<1024x32xf32>
    %add3A_260 = arith.constant 9.99999974E-6 : f32
    %add3A_261 = vector.broadcast %add3A_260 : f32 to vector<1024x1xf32>
    %add3A_262 = arith.addf %div3A_257, %add3A_261 : vector<1024x1xf32>
    %sqrt3A_263 = math.sqrt %add3A_262 : vector<1024x1xf32>
    %div3A_264 = vector.broadcast %sqrt3A_263 : vector<1024x1xf32> to vector<1024x32xf32>
    %div3A_265 = arith.divf %sub3A_259, %div3A_264 : vector<1024x32xf32>
    %mul3A_266 = vector.broadcast %get3A_239 : vector<1x32xf32> to vector<1024x32xf32>
    %mul3A_267 = arith.mulf %div3A_265, %mul3A_266 : vector<1024x32xf32>
    %add3A_268 = vector.broadcast %get3A_242 : vector<1x32xf32> to vector<1024x32xf32>
    %add3A_269 = arith.addf %mul3A_267, %add3A_268 : vector<1024x32xf32>
    %get3A_270 = arith.constant 0 : index
    %get3A_271 = arith.constant 0 : index
    %get3A_272 = vector.load %arg20[%get3A_270, %get3A_271] : memref<16x32xf32, #tpu.memory_space<vmem>>, vector<16x32xf32>
    %convert_element_type3A_273 = arith.truncf %add3A_269 : vector<1024x32xf32> to vector<1024x32xbf16>
    %convert_element_type3A_274 = arith.truncf %get3A_272 : vector<16x32xf32> to vector<16x32xbf16>
    %dot_general3A_275 = arith.constant dense<0.000000e+00> : vector<1024x16xf32>
    %dot_general3A_276 = tpu.matmul %convert_element_type3A_273, %convert_element_type3A_274, %dot_general3A_275 {dimension_numbers = #tpu.dot_dimension_numbers<[1], [1], [0], [0], [0, 0, 1, 0], [], []>, transpose_lhs_hint = false} : vector<1024x32xbf16>, vector<16x32xbf16>, vector<1024x16xf32> -> vector<1024x16xf32>
    %get3A_277 = arith.constant 0 : index
    %get3A_278 = arith.constant 0 : index
    %get3A_279 = vector.load %arg21[%get3A_277, %get3A_278] : memref<1x16xf32, #tpu.memory_space<vmem>>, vector<1x16xf32>
    %add3A_280 = vector.broadcast %get3A_279 : vector<1x16xf32> to vector<1024x16xf32>
    %add3A_281 = arith.addf %dot_general3A_276, %add3A_280 : vector<1024x16xf32>
    %max3A_282 = arith.constant 0.000000e+00 : f32
    %max3A_283 = vector.broadcast %max3A_282 : f32 to vector<1024x16xf32>
    %max3A_284 = arith.maximumf %add3A_281, %max3A_283 : vector<1024x16xf32>
    %convert_element_type3A_285 = arith.truncf %max3A_284 : vector<1024x16xf32> to vector<1024x16xbf16>
    %convert_element_type3A_286 = arith.extf %convert_element_type3A_285 : vector<1024x16xbf16> to vector<1024x16xf32>
    %get3A_287 = arith.constant 0 : index
    %get3A_288 = arith.constant 0 : index
    %get3A_289 = vector.load %arg22[%get3A_287, %get3A_288] : memref<1x16xf32, #tpu.memory_space<vmem>>, vector<1x16xf32>
    %convert_element_type3A_290 = arith.truncf %get3A_289 : vector<1x16xf32> to vector<1x16xbf16>
    %convert_element_type3A_291 = arith.extf %convert_element_type3A_290 : vector<1x16xbf16> to vector<1x16xf32>
    %mul3A_292 = vector.broadcast %convert_element_type3A_291 : vector<1x16xf32> to vector<1024x16xf32>
    %mul3A_293 = arith.mulf %convert_element_type3A_286, %mul3A_292 : vector<1024x16xf32>
    %reduce_sum3A_294 = arith.constant dense<0.000000e+00> : vector<1024xf32>
    %reduce_sum3A_295 = vector.multi_reduction <add>, %mul3A_293, %reduce_sum3A_294 [1] : vector<1024x16xf32> to vector<1024xf32>
    %broadcast_in_dim3A_296 = vector.shape_cast %reduce_sum3A_295 : vector<1024xf32> to vector<1024x1xf32>
    %get3A_297 = arith.constant 0 : index
    %get3A_298 = arith.constant 0 : index
    %get3A_299 = vector.load %arg23[%get3A_297, %get3A_298] : memref<1x1xf32, #tpu.memory_space<vmem>>, vector<1x1xf32>
    %add3A_300 = vector.broadcast %get3A_299 : vector<1x1xf32> to vector<1024x1xf32>
    %add3A_301 = arith.addf %broadcast_in_dim3A_296, %add3A_300 : vector<1024x1xf32>
    %neg3A = arith.constant 0.000000e+00 : f32
    %neg3A_302 = vector.broadcast %neg3A : f32 to vector<1024x1xf32>
    %neg3A_303 = arith.subf %neg3A_302, %add3A_301 : vector<1024x1xf32>
    %exp3A_304 = math.exp %neg3A_303 : vector<1024x1xf32>
    %add3A_305 = arith.constant 1.000000e+00 : f32
    %add3A_306 = vector.broadcast %add3A_305 : f32 to vector<1024x1xf32>
    %add3A_307 = arith.addf %add3A_306, %exp3A_304 : vector<1024x1xf32>
    %div3A_308 = arith.constant 1.000000e+00 : f32
    %div3A_309 = vector.broadcast %div3A_308 : f32 to vector<1024x1xf32>
    %div3A_310 = arith.divf %div3A_309, %add3A_307 : vector<1024x1xf32>
    %mul3A_311 = vector.broadcast %div3A_310 : vector<1024x1xf32> to vector<1024x32xf32>
    %mul3A_312 = arith.mulf %add3A_269, %mul3A_311 : vector<1024x32xf32>
    %get3A_313 = arith.constant 0 : index
    %get3A_314 = arith.constant 0 : index
    %get3A_315 = vector.load %arg24[%get3A_313, %get3A_314] : memref<24x32xf32, #tpu.memory_space<vmem>>, vector<24x32xf32>
    %convert_element_type3A_316 = arith.truncf %mul3A_312 : vector<1024x32xf32> to vector<1024x32xbf16>
    %convert_element_type3A_317 = arith.truncf %get3A_315 : vector<24x32xf32> to vector<24x32xbf16>
    %dot_general3A_318 = arith.constant dense<0.000000e+00> : vector<1024x24xf32>
    %dot_general3A_319 = tpu.matmul %convert_element_type3A_316, %convert_element_type3A_317, %dot_general3A_318 {dimension_numbers = #tpu.dot_dimension_numbers<[1], [1], [0], [0], [0, 0, 1, 0], [], []>, transpose_lhs_hint = false} : vector<1024x32xbf16>, vector<24x32xbf16>, vector<1024x24xf32> -> vector<1024x24xf32>
    %get3A_320 = arith.constant 0 : index
    %get3A_321 = arith.constant 0 : index
    %get3A_322 = vector.load %arg25[%get3A_320, %get3A_321] : memref<1x24xf32, #tpu.memory_space<vmem>>, vector<1x24xf32>
    %add3A_323 = vector.broadcast %get3A_322 : vector<1x24xf32> to vector<1024x24xf32>
    %add3A_324 = arith.addf %dot_general3A_319, %add3A_323 : vector<1024x24xf32>
    %reshape3A_325 = vector.shape_cast %add3A_324 : vector<1024x24xf32> to vector<16x64x24xf32>
    %swap3A = arith.constant 0 : index
    %swap3A_326 = arith.constant 0 : index
    %swap3A_327 = arith.constant 0 : index
    %swap3A_328 = vector.load %arg27[%swap3A, %swap3A_326, %swap3A_327] : memref<16x64x24xf32, #tpu.memory_space<vmem>>, vector<16x64x24xf32>
    tpu.vector_store %arg27[%swap3A, %swap3A_326, %swap3A_327], %reshape3A_325 {strides = array<i32>} : memref<16x64x24xf32, #tpu.memory_space<vmem>>, vector<16x64x24xf32>,
    %get3A_329 = arith.constant 0 : index
    %get3A_330 = arith.constant 0 : index
    %get3A_331 = vector.load %arg26[%get3A_329, %get3A_330] : memref<24x16xf32, #tpu.memory_space<vmem>>, vector<24x16xf32>
    %convert_element_type3A_332 = arith.truncf %add3A_324 : vector<1024x24xf32> to vector<1024x24xbf16>
    %convert_element_type3A_333 = arith.truncf %get3A_331 : vector<24x16xf32> to vector<24x16xbf16>
    %dot_general3A_334 = arith.constant dense<0.000000e+00> : vector<1024x16xf32>
    %dot_general3A_335 = tpu.matmul %convert_element_type3A_332, %convert_element_type3A_333, %dot_general3A_334 {dimension_numbers = #tpu.dot_dimension_numbers<[1], [0], [0], [1], [0, 0, 1, 1], [], []>, transpose_lhs_hint = false} : vector<1024x24xbf16>, vector<24x16xbf16>, vector<1024x16xf32> -> vector<1024x16xf32>
    %reshape3A_336 = vector.shape_cast %dot_general3A_335 : vector<1024x16xf32> to vector<16x64x16xf32>
    %swap3A_337 = arith.constant 0 : index
    %swap3A_338 = arith.constant 0 : index
    %swap3A_339 = arith.constant 0 : index
    %swap3A_340 = vector.load %arg28[%swap3A_337, %swap3A_338, %swap3A_339] : memref<16x64x16xf32, #tpu.memory_space<vmem>>, vector<16x64x16xf32>
    tpu.vector_store %arg28[%swap3A_337, %swap3A_338, %swap3A_339], %reshape3A_336 {strides = array<i32>} : memref<16x64x16xf32, #tpu.memory_space<vmem>>, vector<16x64x16xf32>,
    return
  }
  func.func @transform_0(%arg0: i32) -> (i32, i32, i32) {
    %c0_i32 = arith.constant 0 : i32
    %c0_i32_0 = arith.constant 0 : i32
    %c0_i32_1 = arith.constant 0 : i32
    return %c0_i32, %arg0, %c0_i32_0 : i32, i32, i32
  }
  func.func @transform_1(%arg0: i32) -> (i32, i32) {
    %c0_i32 = arith.constant 0 : i32
    %c0_i32_0 = arith.constant 0 : i32
    return %arg0, %c0_i32 : i32, i32
  }
  func.func @transform_2(%arg0: i32) -> (i32, i32) {
    %c0_i32 = arith.constant 0 : i32
    %c0_i32_0 = arith.constant 0 : i32
    %c0_i32_1 = arith.constant 0 : i32
    return %c0_i32, %c0_i32_0 : i32, i32
  }
  func.func @transform_3(%arg0: i32) -> (i32, i32) {
    %c0_i32 = arith.constant 0 : i32
    %c0_i32_0 = arith.constant 0 : i32
    %c0_i32_1 = arith.constant 0 : i32
    return %c0_i32, %c0_i32_0 : i32, i32
  }
  func.func @transform_4(%arg0: i32) -> (i32, i32) {
    %c0_i32 = arith.constant 0 : i32
    %c0_i32_0 = arith.constant 0 : i32
    %c0_i32_1 = arith.constant 0 : i32
    return %c0_i32, %c0_i32_0 : i32, i32
  }
  func.func @transform_5(%arg0: i32) -> (i32, i32) {
    %c0_i32 = arith.constant 0 : i32
    %c0_i32_0 = arith.constant 0 : i32
    %c0_i32_1 = arith.constant 0 : i32
    return %c0_i32, %c0_i32_0 : i32, i32
  }
  func.func @transform_6(%arg0: i32) -> (i32, i32) {
    %c0_i32 = arith.constant 0 : i32
    %c0_i32_0 = arith.constant 0 : i32
    %c0_i32_1 = arith.constant 0 : i32
    return %c0_i32, %c0_i32_0 : i32, i32
  }
  func.func @transform_7(%arg0: i32) -> (i32, i32) {
    %c0_i32 = arith.constant 0 : i32
    %c0_i32_0 = arith.constant 0 : i32
    %c0_i32_1 = arith.constant 0 : i32
    return %c0_i32, %c0_i32_0 : i32, i32
  }
  func.func @transform_8(%arg0: i32) -> (i32, i32) {
    %c0_i32 = arith.constant 0 : i32
    %c0_i32_0 = arith.constant 0 : i32
    %c0_i32_1 = arith.constant 0 : i32
    return %c0_i32, %c0_i32_0 : i32, i32
  }
  func.func @transform_9(%arg0: i32) -> (i32, i32) {
    %c0_i32 = arith.constant 0 : i32
    %c0_i32_0 = arith.constant 0 : i32
    %c0_i32_1 = arith.constant 0 : i32
    return %c0_i32, %c0_i32_0 : i32, i32
  }
  func.func @transform_10(%arg0: i32) -> (i32, i32) {
    %c0_i32 = arith.constant 0 : i32
    %c0_i32_0 = arith.constant 0 : i32
    %c0_i32_1 = arith.constant 0 : i32
    return %c0_i32, %c0_i32_0 : i32, i32
  }
  func.func @transform_11(%arg0: i32) -> (i32, i32) {
    %c0_i32 = arith.constant 0 : i32
    %c0_i32_0 = arith.constant 0 : i32
    %c0_i32_1 = arith.constant 0 : i32
    return %c0_i32, %c0_i32_0 : i32, i32
  }
  func.func @transform_12(%arg0: i32) -> (i32, i32) {
    %c0_i32 = arith.constant 0 : i32
    %c0_i32_0 = arith.constant 0 : i32
    %c0_i32_1 = arith.constant 0 : i32
    return %c0_i32, %c0_i32_0 : i32, i32
  }
  func.func @transform_13(%arg0: i32) -> (i32, i32) {
    %c0_i32 = arith.constant 0 : i32
    %c0_i32_0 = arith.constant 0 : i32
    %c0_i32_1 = arith.constant 0 : i32
    return %c0_i32, %c0_i32_0 : i32, i32
  }
  func.func @transform_14(%arg0: i32) -> (i32, i32) {
    %c0_i32 = arith.constant 0 : i32
    %c0_i32_0 = arith.constant 0 : i32
    %c0_i32_1 = arith.constant 0 : i32
    return %c0_i32, %c0_i32_0 : i32, i32
  }
  func.func @transform_15(%arg0: i32) -> (i32, i32) {
    %c0_i32 = arith.constant 0 : i32
    %c0_i32_0 = arith.constant 0 : i32
    %c0_i32_1 = arith.constant 0 : i32
    return %c0_i32, %c0_i32_0 : i32, i32
  }
  func.func @transform_16(%arg0: i32) -> (i32, i32) {
    %c0_i32 = arith.constant 0 : i32
    %c0_i32_0 = arith.constant 0 : i32
    %c0_i32_1 = arith.constant 0 : i32
    return %c0_i32, %c0_i32_0 : i32, i32
  }
  func.func @transform_17(%arg0: i32) -> (i32, i32) {
    %c0_i32 = arith.constant 0 : i32
    %c0_i32_0 = arith.constant 0 : i32
    %c0_i32_1 = arith.constant 0 : i32
    return %c0_i32, %c0_i32_0 : i32, i32
  }
  func.func @transform_18(%arg0: i32) -> (i32, i32) {
    %c0_i32 = arith.constant 0 : i32
    %c0_i32_0 = arith.constant 0 : i32
    %c0_i32_1 = arith.constant 0 : i32
    return %c0_i32, %c0_i32_0 : i32, i32
  }
  func.func @transform_19(%arg0: i32) -> (i32, i32) {
    %c0_i32 = arith.constant 0 : i32
    %c0_i32_0 = arith.constant 0 : i32
    %c0_i32_1 = arith.constant 0 : i32
    return %c0_i32, %c0_i32_0 : i32, i32
  }
  func.func @transform_20(%arg0: i32) -> (i32, i32) {
    %c0_i32 = arith.constant 0 : i32
    %c0_i32_0 = arith.constant 0 : i32
    %c0_i32_1 = arith.constant 0 : i32
    return %c0_i32, %c0_i32_0 : i32, i32
  }
  func.func @transform_21(%arg0: i32) -> (i32, i32) {
    %c0_i32 = arith.constant 0 : i32
    %c0_i32_0 = arith.constant 0 : i32
    %c0_i32_1 = arith.constant 0 : i32
    return %c0_i32, %c0_i32_0 : i32, i32
  }
  func.func @transform_22(%arg0: i32) -> (i32, i32) {
    %c0_i32 = arith.constant 0 : i32
    %c0_i32_0 = arith.constant 0 : i32
    %c0_i32_1 = arith.constant 0 : i32
    return %c0_i32, %c0_i32_0 : i32, i32
  }
  func.func @transform_23(%arg0: i32) -> (i32, i32) {
    %c0_i32 = arith.constant 0 : i32
    %c0_i32_0 = arith.constant 0 : i32
    %c0_i32_1 = arith.constant 0 : i32
    return %c0_i32, %c0_i32_0 : i32, i32
  }
  func.func @transform_24(%arg0: i32) -> (i32, i32) {
    %c0_i32 = arith.constant 0 : i32
    %c0_i32_0 = arith.constant 0 : i32
    %c0_i32_1 = arith.constant 0 : i32
    return %c0_i32, %c0_i32_0 : i32, i32
  }
  func.func @transform_25(%arg0: i32) -> (i32, i32) {
    %c0_i32 = arith.constant 0 : i32
    %c0_i32_0 = arith.constant 0 : i32
    %c0_i32_1 = arith.constant 0 : i32
    return %c0_i32, %c0_i32_0 : i32, i32
  }
  func.func @transform_26(%arg0: i32) -> (i32, i32, i32) {
    %c0_i32 = arith.constant 0 : i32
    %c0_i32_0 = arith.constant 0 : i32
    %c0_i32_1 = arith.constant 0 : i32
    return %c0_i32, %arg0, %c0_i32_0 : i32, i32, i32
  }
  func.func @transform_27(%arg0: i32) -> (i32, i32, i32) {
    %c0_i32 = arith.constant 0 : i32
    %c0_i32_0 = arith.constant 0 : i32
    %c0_i32_1 = arith.constant 0 : i32
    return %c0_i32, %arg0, %c0_i32_0 : i32, i32, i32
  }
}

</mosaic_0001>

<sc_bundles>
// kernel: kernel.18.cloned.1.call-start
scs
__scs_entry_jumppad:
0x0: {  	(pc) =	sbr.rel $0x88, $3  }
0x1: {  	(tag) =	ssettag $0x0;
	lr =	simm.s32 $0x1  }
0x2: {  	[smem:$0x3F6B] =	sst lr;
	_ =	strace $0xD0000000  }
0x3: {  	_ = 	snop  }
0x4: {  	_ = 	snop  }
0x5: {  	_ = 	snop  }
0x6: {  	_ = 	snop  }
0x7: {  	_ = 	snop  }
__scs_overlays_trampoline_lowered:
0x8: {  	[smem:$0x3F7A] =	sst s0  }
0x9: {  	[smem:$0x3F7B] =	sst s1  }
0xa: {  	[smem:$0x3F7C] =	sst s2  }
0xb: {  	[smem:$0x3F7D] =	sst s3  }
0xc: {  	[smem:$0x3F7E] =	sst s4  }
0xd: {  	[smem:$0x3F7F] =	sst s5  }
0xe: {  	[smem:$0x3F80] =	sst s6  }
0xf: {  	[smem:$0x3F81] =	sst s7  }
0x10: {  	[smem:$0x3F82] =	sst s8  }
0x11: {  	[smem:$0x3F83] =	sst s9;
	s0 =	simm.s32 @!p0 $0x0  }
0x12: {  	s1 =	sld [smem:$0x3F69];
	s0 =	simm.s32 @p0 $0x1  }
0x13: {  	[smem:$0x3F84] =	sst s0;
	s0 =	simm.s32 @!p1 $0x0  }
0x14: {  	s2 =	sld [smem:$0x3F68];
	s0 =	simm.s32 @p1 $0x1  }
0x15: {  	[smem:$0x3F85] =	sst s0;
	s0 =	simm.s32 @!p2 $0x0  }
0x16: {  	s3 =	sld [smem:$0x3FDB];
	s0 =	simm.s32 @p2 $0x1  }
0x17: {  	s4 =	simm.s32 $0x1BF5;
	[smem:$0x3F87] =	sst s0  }
0x18: {  	s0 =	sld [smem:$0x3F6A];
	_ =	swait.ge [sflag:s4], $0x0  }
0x19: {  	s7 =	sld [smem:$0x3F6B]  }
0x1a: {  	s8 =	sadd.s32 $0xFFFFE003, lr  }
0x1b: {  	s9 =	sadd.s32 $0xFFFFFEF7, lr;
	s5 =	simm.s32 $0xFFFFFFFF;
	p2 =	slt.u32 s8, $0xFFFFF086  }
0x1c: {  	p1 =	slt.u32 s9, $0xF7A;
	s5 =	simm.s32 @!p2 $0x0  }
0x1d: {  	s5 =	simm.s32 @p1 $0x1;
	p0 =	seq.s32 s7, s2  }
0x1e: {  	s7 =	smul.u32 @!p0 $0xF7A, s2;
	p2 =	seq.s32 @!p0 s5, $0x0  }
0x1f: {  	s9 =	smul.u32 $0xF7A, s1;
	s8 =	simm.s32 @!p0 $0x1BF5;
	p2 =	por !p2, p0  }
0x20: {  	[sflag:s8] =	ssyncset.s32 @!p0 $0xFFFFF086;
	s6 =	sadd.s32 @!p0 s3, s7;
	s7 =	simm.s32 @!p0 $0x108  }
0x21: {  	s3 =	sadd.s32 s3, s9;
	s6 =	sadd.s32 @!p0 $0x88, s6;
	s7 =	simm.s32 @p2 $0x1082  }
0x22: {  	[simem:s7], [sflag:s8] =	dma.local @!p0 [hbm:s6], $0xF7A  }
0x23: {  	s9 =	sor.u32 $0xD0000000, s2;
	s6 =	simm.s32 $0x108;
	_ =	swait.ge @!p0 [sflag:s8], $0x0  }
0x24: {  	s3 =	sadd.s32 $0x88, s3;
	s6 =	simm.s32 @!p1 $0x1082;
	[sflag:s4] =	ssyncset.s32 $0xFFFFF086  }
0x25: {  	[simem:s6], [sflag:s4] =	dma.local [hbm:s3], $0xF7A  }
0x26: {  	[smem:$0x3F6B] =	sst s1;
	(tag) =	ssettag s2;
	_ =	strace s9  }
0x27: {  	s1 =	sld [smem:$0x3F7B]  }
0x28: {  	s2 =	sld [smem:$0x3F7C]  }
0x29: {  	s4 =	sld [smem:$0x3F7E]  }
0x2a: {  	p0 =	seq.s32 s5, $0x0;
	s5 =	sld [smem:$0x3F7F]  }
0x2b: {  	s6 =	sld [smem:$0x3F80]  }
0x2c: {  	s7 =	sld [smem:$0x3F81]  }
0x2d: {  	s3 =	simm.s32 $0x108;
	s8 =	sld [smem:$0x3F82]  }
0x2e: {  	s3 =	simm.s32 @!p0 $0x1082;
	s9 =	sld [smem:$0x3F83]  }
0x2f: {  	lr =	sadd.s32 s0, s3;
	s0 =	sld [smem:$0x3F7A]  }
0x30: {  	s3 =	sld [smem:$0x3F7D]  }
0x31: {  	[smem:$0x3F86] =	sst s10  }
0x32: {  	s10 =	sld [smem:$0x3F84];
	_ =	sdelay $0x3  }
0x33: {  	p0 =	seq.s32 s10, $0x1;
	s10 =	sld [smem:$0x3F86];
	_ =	sdelay $0x3  }
0x34: {  	[smem:$0x3F86] =	sst s10  }
0x35: {  	s10 =	sld [smem:$0x3F85];
	_ =	sdelay $0x3  }
0x36: {  	p1 =	seq.s32 s10, $0x1;
	s10 =	sld [smem:$0x3F86];
	_ =	sdelay $0x3  }
0x37: {  	[smem:$0x3F86] =	sst s10  }
0x38: {  	s10 =	sld [smem:$0x3F87]  }
0x39: {  	_ = 	snop;
	(pc) =	sbr.ind lr, $3  }
0x3a: {  	_ = 	snop  }
0x3b: {  	_ = 	snop  }
0x3c: {  	p2 =	seq.s32 s10, $0x1;
	s10 =	sld [smem:$0x3F86]  }
0x3d: {  	_ =	shalt  }
0x3e: {  	_ =	shalt  }
0x3f: {  	_ =	shalt  }
0x40: {  	_ =	shalt  }
0x41: {  	_ =	shalt  }
0x42: {  	_ =	shalt  }
0x43: {  	_ =	shalt  }
0x44: {  	_ =	shalt  }
0x45: {  	_ =	shalt  }
0x46: {  	_ =	shalt  }
0x47: {  	_ =	shalt  }
0x48: {  	_ =	shalt  }
0x49: {  	_ =	shalt  }
0x4a: {  	_ =	shalt  }
0x4b: {  	_ =	shalt  }
0x4c: {  	_ =	shalt  }
0x4d: {  	_ =	shalt  }
0x4e: {  	_ =	shalt  }
0x4f: {  	_ =	shalt  }
0x50: {  	_ =	shalt  }
0x51: {  	_ =	shalt  }
0x52: {  	_ =	shalt  }
0x53: {  	_ =	shalt  }
0x54: {  	_ =	shalt  }
0x55: {  	_ =	shalt  }
0x56: {  	_ =	shalt  }
0x57: {  	_ =	shalt  }
0x58: {  	_ =	shalt  }
0x59: {  	_ =	shalt  }
0x5a: {  	_ =	shalt  }
0x5b: {  	_ =	shalt  }
0x5c: {  	_ =	shalt  }
0x5d: {  	_ =	shalt  }
0x5e: {  	_ =	shalt  }
0x5f: {  	_ =	shalt  }
0x60: {  	_ =	shalt  }
0x61: {  	_ =	shalt  }
0x62: {  	_ =	shalt  }
0x63: {  	_ =	shalt  }
0x64: {  	_ =	shalt  }
0x65: {  	_ =	shalt  }
0x66: {  	_ =	shalt  }
0x67: {  	_ =	shalt  }
0x68: {  	_ =	shalt  }
0x69: {  	_ =	shalt  }
0x6a: {  	_ =	shalt  }
0x6b: {  	_ =	shalt  }
0x6c: {  	_ =	shalt  }
0x6d: {  	_ =	shalt  }
0x6e: {  	_ =	shalt  }
0x6f: {  	_ =	shalt  }
0x70: {  	_ =	shalt  }
0x71: {  	_ =	shalt  }
0x72: {  	_ =	shalt  }
0x73: {  	_ =	shalt  }
0x74: {  	_ =	shalt  }
0x75: {  	_ =	shalt  }
0x76: {  	_ =	shalt  }
0x77: {  	_ =	shalt  }
0x78: {  	_ =	shalt  }
0x79: {  	_ =	shalt  }
0x7a: {  	_ =	shalt  }
0x7b: {  	_ =	shalt  }
0x7c: {  	_ =	shalt  }
0x7d: {  	_ =	shalt  }
0x7e: {  	_ =	shalt  }
0x7f: {  	_ =	shalt  }
0x80: {  	_ =	shalt  }
0x81: {  	_ =	shalt  }
0x82: {  	_ =	shalt  }
0x83: {  	_ =	shalt  }
0x84: {  	_ =	shalt  }
0x85: {  	_ =	shalt  }
0x86: {  	_ =	shalt  }
0x87: {  	_ =	shalt  }
.Lfunc_end0:
.L_simem_size_0:
called_computation_lowered:
.L_overlay_start_0:
0x88: {  	s2 =	sld [smem:$0x3FD9]  }
0x89: {  	s3 =	sld [smem:$0x3FFE];
	_ =	sdelay $0x1  }
0x8a: {  	s1 =	srdreg.scid  }
0x8b: {  	s0 =	sand.u32 $0x1, s1  }
0x8c: {  	s17 =	sshll.u32 s0, $0xA;
	s2 =	sadd.s32 s3, s2  }
0x8d: {  	s2 =	sadd.s32 s2, s17  }
0x8e: {  	[smem:$0x3F92] =	sst s2  }
0x8f: {  	_ = 	snop  }
0x90: {  	s2 =	sld [smem:$0x3FD0];
	(tm) =	ssettm $0x1  }
0x91: {  	s18 =	sld [smem:$0x3FFB];
	_ =	sdelay $0x3  }
0x92: {  	_ =	strace s18  }
0x93: {  	s3 =	sld [smem:$0x3FFC];
	_ =	sdelay $0x3  }
0x94: {  	_ =	strace s3  }
0x95: {  	s3 =	sld [smem:$0x3FFD];
	_ =	sdelay $0x3  }
0x96: {  	_ =	strace s3  }
0x97: {  	_ =	strace $0x8FFFFFFF  }
0x98: {  	s19 =	sld [smem:$0x3FDB];
	_ =	sdelay $0x1  }
0x99: {  	s4 =	simm.s32 $_scs_section_size  }
0x9a: {  	s5 =	simm.s32 $_size__tile_overlayer_lowered;
	s6 =	simm.s32 $_tile_overlayer_lowered  }
0x9b: {  	s22 =	simm.s32 $0x1BFF;
	s21 =	sshll.u32 s6, $0x1;
	s3 =	sadd.s32 s4, s19  }
0x9c: {  	s7 =	simm.s32 $0x0;
	s20 =	sshll.u32 s5, $0x1;
	s5 =	sadd.s32 s21, s3  }
0x9d: {  	[timem:s7], [sflag:s22] =	dma.local [hbm:s5], s20  }
0x9e: {  	_ =	swait.ge [sflag:s22], s20  }
0x9f: {  	s4 =	ssub.s32 $0x0, s20;
	[sflag:s22] =	ssyncset.done $0x0  }
0xa0: {  	[sflag:s22] =	ssyncadd.s32 s4;
	_ =	sdelay $0x1  }
0xa1: {  	s23 =	simm.s32 $0x1B8B  }
0xa2: {  	_ =	swait.ge [sflag:s23], $0x1  }
0xa3: {  	[sflag:s23] =	ssyncset.done $0x0  }
0xa4: {  	s25 =	simm.s32 $0x1B8E;
	s24 =	sld [smem:$0x3FFE];
	[sflag:s23] =	ssyncadd.s32 $0xFFFFFFFF  }
0xa5: {  	s26 =	simm.s32 $execute0_lowered;
	[smem:$0x3FD2] =	sst s25  }
0xa6: {  	s5 =	sshll.u32 s26, $0x1;
	_ =	strace $0x80000046;
	[dreg:$0x1] =	wrdreg $0xFFFFFFFF  }
0xa7: {  	s28 =	simm.s32 $_size_execute0_lowered;
	s3 =	sadd.s32 s3, s5;
	[dreg:$0x0] =	wrdreg $0x0  }
0xa8: {  	s5 =	sshll.u32 s28, $0x1;
	[dreg:$0x2] =	wrdreg s3  }
0xa9: {  	[dreg:$0x3] =	wrdreg s5  }
0xaa: {  	[dreg:$0x4] =	wrdreg $0xC0  }
0xab: {  	_ =	task [dreg:s7], $0x5FFFF  }
0xac: {  	[dreg:$0x1] =	wrdreg $0xFFFFFFFF  }
0xad: {  	[dreg:$0x0] =	wrdreg $0x60  }
0xae: {  	[dreg:$0x2] =	wrdreg s2  }
0xaf: {  	[dreg:$0x3] =	wrdreg s24  }
0xb0: {  	[dreg:$0x4] =	wrdreg $0x9  }
0xb1: {  	_ =	task.clear_ibuf [dreg:s7], $0x5FFFF;
	_ =	strace $0x90000046  }
0xb2: {  	s29 =	simm.s32 $0x9;
	_ =	strace $0x80000048  }
0xb3: {  	_ =	swait.ge [sflag:s29], $0x1  }
0xb4: {  	[sflag:s29] =	ssyncadd.s32 $0xFFFFFFFF  }
0xb5: {  	_ =	strace $0x90000048  }
0xb6: {  	_ =	sfence  }
0xb7: {  	s30 =	sld [smem:$0x0];
	_ =	sdelay $0x2  }
0xb8: {  	s31 =	sshll.u32 s1, $0xD;
	s1 =	sshrl.u32 s1, $0x2  }
0xb9: {  	s3 =	sand.u32 $0x4000, s31;
	s1 =	sadd.s32 s1, s30  }
0xba: {  	s0 =	sor.u32 s3, s0;
	s1 =	sshll.u32 s1, $0x11  }
0xbb: {  	s0 =	sor.u32 s1, s0  }
0xbc: {  	s0 =	sadd.s32 $0x8F2B, s0  }
0xbd: {  	[sflag:s0] =	ssyncadd.remote.s32 $0x1  }
0xbe: {  	_ =	sfence.sel $0xFFFF  }
0xbf: {  	[dreg:$0x0] =	wrdreg $0xFFFFFFFF;
	(pc) =	sbr.abs _section_cstart, $3  }
0xc0: {  	[dreg:$0x1] =	wrdreg $0xFFFFFFFF  }
0xc1: {  	_ =	task.clear_ibuf [dreg:s7], $0x2FFFF;
	_ =	strace $0x9FFFFFFF  }
0xc2: {  	(tm) =	ssettm $0x7FFFFFFF  }
0xc3: {  	_ =	shalt  }
tec
execute0_lowered:
.L_overlay_start_1:
0x0: {  	(tag) =	ssettag $0x1  }
0x1: {  	s1 =	srdreg.scid  }
0x2: {  	s2 =	rddreg [dreg:$0x0];
	s0 =	stileid.u32;
	s14 =	sand.u32 $0x1, s1  }
0x3: {  	s8 =	rddreg [dreg:$0x1];
	s4 =	sshll.u32 s0, $0xE;
	s5 =	sshll.u32 s14, $0xD  }
0x4: {  	s3 =	simm.s32 $0x0;
	s1 =	rddreg [dreg:$0x2];
	s13 =	sor.u32 s5, s4  }
0x5: {  	[smem:$0x7FF] =	sst s3;
	s15 =	sadd.s32 $0xA600, s8;
	s4 =	sshrl.u32 s13, $0x3  }
0x6: {  	_ =	strace $0x80000047;
	s5 =	sadd.s32 s15, s4;
	s4 =	simm.s32 $0x2  }
0x7: {  	[tilespmem:s3], [sflag:$0x2] =	stream.linear.gather [hbm4b:s5+s3], $0x800, $0x38;
	[tilespmem:$0x8800] =	vst v63  }
0x8: {  	_ =	swait.ge [sflag:s4], $0x800  }
0x9: {  	[sflag:s4] =	ssyncset.done $0x0  }
0xa: {  	s6 =	simm.s32 $0x800;
	s7 =	simm.s32 $0x1;
	[sflag:s4] =	ssyncadd.s32 $0xFFFFF800  }
0xb: {  	[tilespmem:s6], [sflag:$0x1] =	stream.indirect.gather [hbm4b:s2+s6], $0x10, s3, s6, $0xb8;
	[tilespmem:$0x8800] =	vst v63  }
0xc: {  	_ =	swait.ge [sflag:s7], $0x8000  }
0xd: {  	s16 =	sadd.s32 $0x12600, s8;
	s29 =	sshll.u32 s13, $0x1;
	[sflag:s7] =	ssyncset.done $0x0  }
0xe: {  	s8 =	sadd.s32 s16, s29;
	[sflag:s7] =	ssyncadd.s32 $0xFFFF8000  }
0xf: {  	[hbm4b:s8+s3] =	stream.linear.scatter [tilespmem:s6], [sflag:$0x2], $0x8000, $0x38;
	[tilespmem:$0x8800] =	vst v63  }
0x10: {  	s10 =	sor.u32 $0x800, s13;
	_ =	swait.ge [sflag:s4], $0x8000  }
0x11: {  	s9 =	sshrl.u32 s10, $0x3;
	[sflag:s4] =	ssyncset.done $0x0  }
0x12: {  	s9 =	sadd.s32 s15, s9;
	[sflag:s4] =	ssyncadd.s32 $0xFFFF8000  }
0x13: {  	[tilespmem:s3], [sflag:$0x2] =	stream.linear.gather [hbm4b:s9+s3], $0x800, $0x38;
	[tilespmem:$0x8800] =	vst v63  }
0x14: {  	_ =	swait.ge [sflag:s4], $0x800  }
0x15: {  	[sflag:s4] =	ssyncset.done $0x0  }
0x16: {  	[sflag:s4] =	ssyncadd.s32 $0xFFFFF800  }
0x17: {  	[tilespmem:s6], [sflag:$0x1] =	stream.indirect.gather [hbm4b:s2+s6], $0x10, s3, s6, $0xb8;
	[tilespmem:$0x8800] =	vst v63  }
0x18: {  	_ =	swait.ge [sflag:s7], $0x8000  }
0x19: {  	s10 =	sshll.u32 s10, $0x1;
	[sflag:s7] =	ssyncset.done $0x0  }
0x1a: {  	s10 =	sadd.s32 s16, s10;
	[sflag:s7] =	ssyncadd.s32 $0xFFFF8000  }
0x1b: {  	[hbm4b:s10+s3] =	stream.linear.scatter [tilespmem:s6], [sflag:$0x2], $0x8000, $0x38;
	[tilespmem:$0x8800] =	vst v63  }
0x1c: {  	s12 =	sor.u32 $0x1000, s13;
	_ =	swait.ge [sflag:s4], $0x8000  }
0x1d: {  	s11 =	sshrl.u32 s12, $0x3;
	[sflag:s4] =	ssyncset.done $0x0  }
0x1e: {  	s11 =	sadd.s32 s15, s11;
	[sflag:s4] =	ssyncadd.s32 $0xFFFF8000  }
0x1f: {  	[tilespmem:s3], [sflag:$0x2] =	stream.linear.gather [hbm4b:s11+s3], $0x800, $0x38;
	[tilespmem:$0x8800] =	vst v63  }
0x20: {  	_ =	swait.ge [sflag:s4], $0x800  }
0x21: {  	[sflag:s4] =	ssyncset.done $0x0  }
0x22: {  	[sflag:s4] =	ssyncadd.s32 $0xFFFFF800  }
0x23: {  	[tilespmem:s6], [sflag:$0x1] =	stream.indirect.gather [hbm4b:s2+s6], $0x10, s3, s6, $0xb8;
	[tilespmem:$0x8800] =	vst v63  }
0x24: {  	_ =	swait.ge [sflag:s7], $0x8000  }
0x25: {  	s12 =	sshll.u32 s12, $0x1;
	[sflag:s7] =	ssyncset.done $0x0  }
0x26: {  	s12 =	sadd.s32 s16, s12;
	[sflag:s7] =	ssyncadd.s32 $0xFFFF8000  }
0x27: {  	[hbm4b:s12+s3] =	stream.linear.scatter [tilespmem:s6], [sflag:$0x2], $0x8000, $0x38;
	[tilespmem:$0x8800] =	vst v63  }
0x28: {  	s17 =	sor.u32 $0x1800, s13;
	_ =	swait.ge [sflag:s4], $0x8000  }
0x29: {  	s13 =	sshrl.u32 s17, $0x3;
	[sflag:s4] =	ssyncset.done $0x0  }
0x2a: {  	s14 =	ssub.s32 $0x2, s14;
	s13 =	sadd.s32 s15, s13;
	[sflag:s4] =	ssyncadd.s32 $0xFFFF8000  }
0x2b: {  	[tilespmem:s3], [sflag:$0x2] =	stream.linear.gather [hbm4b:s13+s3], $0x800, $0x38;
	[tilespmem:$0x8800] =	vst v63  }
0x2c: {  	s30 =	sshrl.u32 s14, $0x1;
	_ =	swait.ge [sflag:s4], $0x800  }
0x2d: {  	s15 =	ssub.s32 s14, s30;
	[sflag:s4] =	ssyncset.done $0x0  }
0x2e: {  	s15 =	smax.u32 s15, $0x1;
	[sflag:s4] =	ssyncadd.s32 $0xFFFFF800  }
0x2f: {  	[tilespmem:s6], [sflag:$0x1] =	stream.indirect.gather [hbm4b:s2+s6], $0x10, s3, s6, $0xb8;
	[tilespmem:$0x8800] =	vst v63  }
0x30: {  	p0 =	sne.s32 s15, $0x1;
	_ =	swait.ge [sflag:s7], $0x8000  }
.Ltmp0:
0x31: {  	s31 =	sshll.u32 s17, $0x1;
	[sflag:s7] =	ssyncset.done $0x0;
	(pc) =	sbr.rel @!p0 .LBB2_2-.Ltmp0, $4  }
0x32: {  	s14 =	sadd.s32 s16, s31;
	[sflag:s7] =	ssyncadd.s32 $0xFFFF8000  }
0x33: {  	[hbm4b:s14+s3] =	stream.linear.scatter [tilespmem:s6], [sflag:$0x2], $0x8000, $0x38;
	[tilespmem:$0x8800] =	vst v63  }
0x34: {  	_ =	swait.ge [sflag:s4], $0x8000  }
0x35: {  	s15 =	sadd.s32 $0xFFFFFFFF, s15;
	[sflag:s4] =	ssyncset.done $0x0  }
.LBB2_1:
0x36: {  	p0 =	sne.s32 s15, $0x1;
	s15 =	sadd.s32 $0xFFFFFFFF, s15;
	[sflag:s4] =	ssyncadd.s32 $0xFFFF8000  }
0x37: {  	[tilespmem:s3], [sflag:$0x2] =	stream.linear.gather [hbm4b:s5+s3], $0x800, $0x38;
	[tilespmem:$0x8800] =	vst v63  }
0x38: {  	_ =	swait.ge [sflag:s4], $0x800  }
0x39: {  	[sflag:s4] =	ssyncset.done $0x0  }
0x3a: {  	[sflag:s4] =	ssyncadd.s32 $0xFFFFF800  }
0x3b: {  	[tilespmem:s6], [sflag:$0x1] =	stream.indirect.gather [hbm4b:s2+s6], $0x10, s3, s6, $0xb8;
	[tilespmem:$0x8800] =	vst v63  }
0x3c: {  	_ =	swait.ge [sflag:s7], $0x8000  }
0x3d: {  	[sflag:s7] =	ssyncset.done $0x0  }
0x3e: {  	[sflag:s7] =	ssyncadd.s32 $0xFFFF8000  }
0x3f: {  	[hbm4b:s8+s3] =	stream.linear.scatter [tilespmem:s6], [sflag:$0x2], $0x8000, $0x38;
	[tilespmem:$0x8800] =	vst v63  }
0x40: {  	_ =	swait.ge [sflag:s4], $0x8000  }
0x41: {  	[sflag:s4] =	ssyncset.done $0x0  }
0x42: {  	[sflag:s4] =	ssyncadd.s32 $0xFFFF8000  }
0x43: {  	[tilespmem:s3], [sflag:$0x2] =	stream.linear.gather [hbm4b:s9+s3], $0x800, $0x38;
	[tilespmem:$0x8800] =	vst v63  }
0x44: {  	_ =	swait.ge [sflag:s4], $0x800  }
0x45: {  	[sflag:s4] =	ssyncset.done $0x0  }
0x46: {  	[sflag:s4] =	ssyncadd.s32 $0xFFFFF800  }
0x47: {  	[tilespmem:s6], [sflag:$0x1] =	stream.indirect.gather [hbm4b:s2+s6], $0x10, s3, s6, $0xb8;
	[tilespmem:$0x8800] =	vst v63  }
0x48: {  	_ =	swait.ge [sflag:s7], $0x8000  }
0x49: {  	[sflag:s7] =	ssyncset.done $0x0  }
0x4a: {  	[sflag:s7] =	ssyncadd.s32 $0xFFFF8000  }
0x4b: {  	[hbm4b:s10+s3] =	stream.linear.scatter [tilespmem:s6], [sflag:$0x2], $0x8000, $0x38;
	[tilespmem:$0x8800] =	vst v63  }
0x4c: {  	_ =	swait.ge [sflag:s4], $0x8000  }
0x4d: {  	[sflag:s4] =	ssyncset.done $0x0  }
0x4e: {  	[sflag:s4] =	ssyncadd.s32 $0xFFFF8000  }
0x4f: {  	[tilespmem:s3], [sflag:$0x2] =	stream.linear.gather [hbm4b:s11+s3], $0x800, $0x38;
	[tilespmem:$0x8800] =	vst v63  }
0x50: {  	_ =	swait.ge [sflag:s4], $0x800  }
0x51: {  	[sflag:s4] =	ssyncset.done $0x0  }
0x52: {  	[sflag:s4] =	ssyncadd.s32 $0xFFFFF800  }
0x53: {  	[tilespmem:s6], [sflag:$0x1] =	stream.indirect.gather [hbm4b:s2+s6], $0x10, s3, s6, $0xb8;
	[tilespmem:$0x8800] =	vst v63  }
0x54: {  	_ =	swait.ge [sflag:s7], $0x8000  }
0x55: {  	[sflag:s7] =	ssyncset.done $0x0  }
0x56: {  	[sflag:s7] =	ssyncadd.s32 $0xFFFF8000  }
0x57: {  	[hbm4b:s12+s3] =	stream.linear.scatter [tilespmem:s6], [sflag:$0x2], $0x8000, $0x38;
	[tilespmem:$0x8800] =	vst v63  }
0x58: {  	_ =	swait.ge [sflag:s4], $0x8000  }
0x59: {  	[sflag:s4] =	ssyncset.done $0x0  }
0x5a: {  	[sflag:s4] =	ssyncadd.s32 $0xFFFF8000  }
0x5b: {  	[tilespmem:s3], [sflag:$0x2] =	stream.linear.gather [hbm4b:s13+s3], $0x800, $0x38;
	[tilespmem:$0x8800] =	vst v63  }
0x5c: {  	_ =	swait.ge [sflag:s4], $0x800  }
0x5d: {  	[sflag:s4] =	ssyncset.done $0x0  }
0x5e: {  	[sflag:s4] =	ssyncadd.s32 $0xFFFFF800  }
0x5f: {  	[tilespmem:s6], [sflag:$0x1] =	stream.indirect.gather [hbm4b:s2+s6], $0x10, s3, s6, $0xb8;
	[tilespmem:$0x8800] =	vst v63  }
0x60: {  	_ =	swait.ge [sflag:s7], $0x8000  }
.Ltmp1:
0x61: {  	[sflag:s7] =	ssyncset.done $0x0;
	(pc) =	sbr.rel @p0 .LBB2_1-.Ltmp1, $4  }
0x62: {  	[sflag:s7] =	ssyncadd.s32 $0xFFFF8000  }
0x63: {  	[hbm4b:s14+s3] =	stream.linear.scatter [tilespmem:s6], [sflag:$0x2], $0x8000, $0x38;
	[tilespmem:$0x8800] =	vst v63  }
0x64: {  	_ =	swait.ge [sflag:s4], $0x8000  }
0x65: {  	[sflag:s4] =	ssyncset.done $0x0  }
.LBB2_2:
0x66: {  	[sflag:s4] =	ssyncadd.s32 $0xFFFF8000  }
0x67: {  	_ =	sfence.sel $0x180000  }
0x68: {  	[bflag:$0x0] =	sbarrier.arrive $0xFFFF  }
0x69: {  	p0 =	sne.s32 s0, $0x0;
	_ =	strace $0x90000047  }
0x6a: {  	s0 =	sadd.s32 @!p0 $0x100000, s1;
	[bflag:$0x2] =	sbarrier.arrive $0xFFFF  }
0x6b: {  	[sflag:s0] =	ssyncadd.tile.s32 @!p0 $0x1;
	_ =	shalt  }
.Lfunc_end2:
_tile_overlayer_lowered:
.L_overlay_start_2:
0x6c: {  	(tag) =	ssettag $0x2  }
0x6d: {  	s0 =	rddreg [dreg:$0x0];
	s2 =	stileid.u32  }
0x6e: {  	s1 =	rddreg [dreg:$0x1];
	p0 =	sne.s32 s2, $0x0  }
0x6f: {  	s3 =	rddreg [dreg:$0x2];
	[bflag:$0x3] =	sbarrier.arrive $0xFFFF;
	s2 =	simm.s32 @!p0 $0x1C02  }
0x70: {  	[timem:s3], [sflag:s2] =	dma.local @!p0 [hbm:s0], s1  }
0x71: {  	s0 =	simm.s32 @!p0 $0x2  }
0x72: {  	_ =	swait.ge @!p0 [sflag:s0], s1  }
0x73: {  	s1 =	ssub.s32 @!p0 $0x0, s1;
	[sflag:s0] =	ssyncset.done @!p0 $0x0  }
0x74: {  	[sflag:s0] =	ssyncadd.s32 @!p0 s1  }
0x75: {  	[bflag:$0x3] =	sbarrier.arrive $0xFFFF  }
0x76: {  	_ =	shalt  }

// kernel: kernel.21.cloned.1.call-start
scs
__scs_entry_jumppad:
0x0: {  	(pc) =	sbr.rel $0x88, $3  }
0x1: {  	(tag) =	ssettag $0x0;
	lr =	simm.s32 $0x1  }
0x2: {  	[smem:$0x3F6B] =	sst lr;
	_ =	strace $0xD0000000  }
0x3: {  	_ = 	snop  }
0x4: {  	_ = 	snop  }
0x5: {  	_ = 	snop  }
0x6: {  	_ = 	snop  }
0x7: {  	_ = 	snop  }
__scs_overlays_trampoline_lowered:
0x8: {  	[smem:$0x3F7A] =	sst s0  }
0x9: {  	[smem:$0x3F7B] =	sst s1  }
0xa: {  	[smem:$0x3F7C] =	sst s2  }
0xb: {  	[smem:$0x3F7D] =	sst s3  }
0xc: {  	[smem:$0x3F7E] =	sst s4  }
0xd: {  	[smem:$0x3F7F] =	sst s5  }
0xe: {  	[smem:$0x3F80] =	sst s6  }
0xf: {  	[smem:$0x3F81] =	sst s7  }
0x10: {  	[smem:$0x3F82] =	sst s8  }
0x11: {  	[smem:$0x3F83] =	sst s9;
	s0 =	simm.s32 @!p0 $0x0  }
0x12: {  	s1 =	sld [smem:$0x3F69];
	s0 =	simm.s32 @p0 $0x1  }
0x13: {  	[smem:$0x3F84] =	sst s0;
	s0 =	simm.s32 @!p1 $0x0  }
0x14: {  	s2 =	sld [smem:$0x3F68];
	s0 =	simm.s32 @p1 $0x1  }
0x15: {  	[smem:$0x3F85] =	sst s0;
	s0 =	simm.s32 @!p2 $0x0  }
0x16: {  	s3 =	sld [smem:$0x3FDB];
	s0 =	simm.s32 @p2 $0x1  }
0x17: {  	s4 =	simm.s32 $0x1BF5;
	[smem:$0x3F87] =	sst s0  }
0x18: {  	s0 =	sld [smem:$0x3F6A];
	_ =	swait.ge [sflag:s4], $0x0  }
0x19: {  	s7 =	sld [smem:$0x3F6B]  }
0x1a: {  	s8 =	sadd.s32 $0xFFFFE003, lr  }
0x1b: {  	s9 =	sadd.s32 $0xFFFFFEF7, lr;
	s5 =	simm.s32 $0xFFFFFFFF;
	p2 =	slt.u32 s8, $0xFFFFF086  }
0x1c: {  	p1 =	slt.u32 s9, $0xF7A;
	s5 =	simm.s32 @!p2 $0x0  }
0x1d: {  	s5 =	simm.s32 @p1 $0x1;
	p0 =	seq.s32 s7, s2  }
0x1e: {  	s7 =	smul.u32 @!p0 $0xF7A, s2;
	p2 =	seq.s32 @!p0 s5, $0x0  }
0x1f: {  	s9 =	smul.u32 $0xF7A, s1;
	s8 =	simm.s32 @!p0 $0x1BF5;
	p2 =	por !p2, p0  }
0x20: {  	[sflag:s8] =	ssyncset.s32 @!p0 $0xFFFFF086;
	s6 =	sadd.s32 @!p0 s3, s7;
	s7 =	simm.s32 @!p0 $0x108  }
0x21: {  	s3 =	sadd.s32 s3, s9;
	s6 =	sadd.s32 @!p0 $0x88, s6;
	s7 =	simm.s32 @p2 $0x1082  }
0x22: {  	[simem:s7], [sflag:s8] =	dma.local @!p0 [hbm:s6], $0xF7A  }
0x23: {  	s9 =	sor.u32 $0xD0000000, s2;
	s6 =	simm.s32 $0x108;
	_ =	swait.ge @!p0 [sflag:s8], $0x0  }
0x24: {  	s3 =	sadd.s32 $0x88, s3;
	s6 =	simm.s32 @!p1 $0x1082;
	[sflag:s4] =	ssyncset.s32 $0xFFFFF086  }
0x25: {  	[simem:s6], [sflag:s4] =	dma.local [hbm:s3], $0xF7A  }
0x26: {  	[smem:$0x3F6B] =	sst s1;
	(tag) =	ssettag s2;
	_ =	strace s9  }
0x27: {  	s1 =	sld [smem:$0x3F7B]  }
0x28: {  	s2 =	sld [smem:$0x3F7C]  }
0x29: {  	s4 =	sld [smem:$0x3F7E]  }
0x2a: {  	p0 =	seq.s32 s5, $0x0;
	s5 =	sld [smem:$0x3F7F]  }
0x2b: {  	s6 =	sld [smem:$0x3F80]  }
0x2c: {  	s7 =	sld [smem:$0x3F81]  }
0x2d: {  	s3 =	simm.s32 $0x108;
	s8 =	sld [smem:$0x3F82]  }
0x2e: {  	s3 =	simm.s32 @!p0 $0x1082;
	s9 =	sld [smem:$0x3F83]  }
0x2f: {  	lr =	sadd.s32 s0, s3;
	s0 =	sld [smem:$0x3F7A]  }
0x30: {  	s3 =	sld [smem:$0x3F7D]  }
0x31: {  	[smem:$0x3F86] =	sst s10  }
0x32: {  	s10 =	sld [smem:$0x3F84];
	_ =	sdelay $0x3  }
0x33: {  	p0 =	seq.s32 s10, $0x1;
	s10 =	sld [smem:$0x3F86];
	_ =	sdelay $0x3  }
0x34: {  	[smem:$0x3F86] =	sst s10  }
0x35: {  	s10 =	sld [smem:$0x3F85];
	_ =	sdelay $0x3  }
0x36: {  	p1 =	seq.s32 s10, $0x1;
	s10 =	sld [smem:$0x3F86];
	_ =	sdelay $0x3  }
0x37: {  	[smem:$0x3F86] =	sst s10  }
0x38: {  	s10 =	sld [smem:$0x3F87]  }
0x39: {  	_ = 	snop;
	(pc) =	sbr.ind lr, $3  }
0x3a: {  	_ = 	snop  }
0x3b: {  	_ = 	snop  }
0x3c: {  	p2 =	seq.s32 s10, $0x1;
	s10 =	sld [smem:$0x3F86]  }
0x3d: {  	_ =	shalt  }
0x3e: {  	_ =	shalt  }
0x3f: {  	_ =	shalt  }
0x40: {  	_ =	shalt  }
0x41: {  	_ =	shalt  }
0x42: {  	_ =	shalt  }
0x43: {  	_ =	shalt  }
0x44: {  	_ =	shalt  }
0x45: {  	_ =	shalt  }
0x46: {  	_ =	shalt  }
0x47: {  	_ =	shalt  }
0x48: {  	_ =	shalt  }
0x49: {  	_ =	shalt  }
0x4a: {  	_ =	shalt  }
0x4b: {  	_ =	shalt  }
0x4c: {  	_ =	shalt  }
0x4d: {  	_ =	shalt  }
0x4e: {  	_ =	shalt  }
0x4f: {  	_ =	shalt  }
0x50: {  	_ =	shalt  }
0x51: {  	_ =	shalt  }
0x52: {  	_ =	shalt  }
0x53: {  	_ =	shalt  }
0x54: {  	_ =	shalt  }
0x55: {  	_ =	shalt  }
0x56: {  	_ =	shalt  }
0x57: {  	_ =	shalt  }
0x58: {  	_ =	shalt  }
0x59: {  	_ =	shalt  }
0x5a: {  	_ =	shalt  }
0x5b: {  	_ =	shalt  }
0x5c: {  	_ =	shalt  }
0x5d: {  	_ =	shalt  }
0x5e: {  	_ =	shalt  }
0x5f: {  	_ =	shalt  }
0x60: {  	_ =	shalt  }
0x61: {  	_ =	shalt  }
0x62: {  	_ =	shalt  }
0x63: {  	_ =	shalt  }
0x64: {  	_ =	shalt  }
0x65: {  	_ =	shalt  }
0x66: {  	_ =	shalt  }
0x67: {  	_ =	shalt  }
0x68: {  	_ =	shalt  }
0x69: {  	_ =	shalt  }
0x6a: {  	_ =	shalt  }
0x6b: {  	_ =	shalt  }
0x6c: {  	_ =	shalt  }
0x6d: {  	_ =	shalt  }
0x6e: {  	_ =	shalt  }
0x6f: {  	_ =	shalt  }
0x70: {  	_ =	shalt  }
0x71: {  	_ =	shalt  }
0x72: {  	_ =	shalt  }
0x73: {  	_ =	shalt  }
0x74: {  	_ =	shalt  }
0x75: {  	_ =	shalt  }
0x76: {  	_ =	shalt  }
0x77: {  	_ =	shalt  }
0x78: {  	_ =	shalt  }
0x79: {  	_ =	shalt  }
0x7a: {  	_ =	shalt  }
0x7b: {  	_ =	shalt  }
0x7c: {  	_ =	shalt  }
0x7d: {  	_ =	shalt  }
0x7e: {  	_ =	shalt  }
0x7f: {  	_ =	shalt  }
0x80: {  	_ =	shalt  }
0x81: {  	_ =	shalt  }
0x82: {  	_ =	shalt  }
0x83: {  	_ =	shalt  }
0x84: {  	_ =	shalt  }
0x85: {  	_ =	shalt  }
0x86: {  	_ =	shalt  }
0x87: {  	_ =	shalt  }
.Lfunc_end0:
.L_simem_size_0:
called_computation.1_lowered:
.L_overlay_start_0:
0x88: {  	s2 =	sld [smem:$0x3FD9]  }
0x89: {  	s3 =	sld [smem:$0x3FFE];
	_ =	sdelay $0x1  }
0x8a: {  	s1 =	srdreg.scid  }
0x8b: {  	s0 =	sand.u32 $0x1, s1  }
0x8c: {  	s17 =	sshll.u32 s0, $0xA;
	s2 =	sadd.s32 s3, s2  }
0x8d: {  	s2 =	sadd.s32 s2, s17  }
0x8e: {  	[smem:$0x3F92] =	sst s2  }
0x8f: {  	_ = 	snop  }
0x90: {  	s2 =	sld [smem:$0x3FD0];
	(tm) =	ssettm $0x1  }
0x91: {  	s18 =	sld [smem:$0x3FFB];
	_ =	sdelay $0x3  }
0x92: {  	_ =	strace s18  }
0x93: {  	s3 =	sld [smem:$0x3FFC];
	_ =	sdelay $0x3  }
0x94: {  	_ =	strace s3  }
0x95: {  	s3 =	sld [smem:$0x3FFD];
	_ =	sdelay $0x3  }
0x96: {  	_ =	strace s3  }
0x97: {  	_ =	strace $0x8FFFFFFF  }
0x98: {  	s19 =	sld [smem:$0x3FDB];
	_ =	sdelay $0x1  }
0x99: {  	s4 =	simm.s32 $_scs_section_size  }
0x9a: {  	s5 =	simm.s32 $_size__tile_overlayer_lowered;
	s6 =	simm.s32 $_tile_overlayer_lowered  }
0x9b: {  	s22 =	simm.s32 $0x1BFF;
	s21 =	sshll.u32 s6, $0x1;
	s3 =	sadd.s32 s4, s19  }
0x9c: {  	s7 =	simm.s32 $0x0;
	s20 =	sshll.u32 s5, $0x1;
	s5 =	sadd.s32 s21, s3  }
0x9d: {  	[timem:s7], [sflag:s22] =	dma.local [hbm:s5], s20  }
0x9e: {  	_ =	swait.ge [sflag:s22], s20  }
0x9f: {  	s4 =	ssub.s32 $0x0, s20;
	[sflag:s22] =	ssyncset.done $0x0  }
0xa0: {  	[sflag:s22] =	ssyncadd.s32 s4;
	_ =	sdelay $0x1  }
0xa1: {  	s23 =	simm.s32 $0x1B8B  }
0xa2: {  	_ =	swait.ge [sflag:s23], $0x1  }
0xa3: {  	[sflag:s23] =	ssyncset.done $0x0  }
0xa4: {  	s25 =	simm.s32 $0x1B8E;
	s24 =	sld [smem:$0x3FFE];
	[sflag:s23] =	ssyncadd.s32 $0xFFFFFFFF  }
0xa5: {  	s26 =	simm.s32 $execute0_lowered;
	[smem:$0x3FD2] =	sst s25  }
0xa6: {  	s5 =	sshll.u32 s26, $0x1;
	_ =	strace $0x80000049;
	[dreg:$0x1] =	wrdreg $0xFFFFFFFF  }
0xa7: {  	s28 =	simm.s32 $_size_execute0_lowered;
	s3 =	sadd.s32 s3, s5;
	[dreg:$0x0] =	wrdreg $0x0  }
0xa8: {  	s5 =	sshll.u32 s28, $0x1;
	[dreg:$0x2] =	wrdreg s3  }
0xa9: {  	[dreg:$0x3] =	wrdreg s5  }
0xaa: {  	[dreg:$0x4] =	wrdreg $0xC0  }
0xab: {  	_ =	task [dreg:s7], $0x5FFFF  }
0xac: {  	[dreg:$0x1] =	wrdreg $0xFFFFFFFF  }
0xad: {  	[dreg:$0x0] =	wrdreg $0x60  }
0xae: {  	[dreg:$0x2] =	wrdreg s2  }
0xaf: {  	[dreg:$0x3] =	wrdreg s24  }
0xb0: {  	[dreg:$0x4] =	wrdreg $0x9  }
0xb1: {  	_ =	task.clear_ibuf [dreg:s7], $0x5FFFF;
	_ =	strace $0x90000049  }
0xb2: {  	s29 =	simm.s32 $0x9;
	_ =	strace $0x8000004B  }
0xb3: {  	_ =	swait.ge [sflag:s29], $0x1  }
0xb4: {  	[sflag:s29] =	ssyncadd.s32 $0xFFFFFFFF  }
0xb5: {  	_ =	strace $0x9000004B  }
0xb6: {  	_ =	sfence  }
0xb7: {  	s30 =	sld [smem:$0x0];
	_ =	sdelay $0x2  }
0xb8: {  	s31 =	sshll.u32 s1, $0xD;
	s1 =	sshrl.u32 s1, $0x2  }
0xb9: {  	s3 =	sand.u32 $0x4000, s31;
	s1 =	sadd.s32 s1, s30  }
0xba: {  	s0 =	sor.u32 s3, s0;
	s1 =	sshll.u32 s1, $0x11  }
0xbb: {  	s0 =	sor.u32 s1, s0  }
0xbc: {  	s0 =	sadd.s32 $0x8F2B, s0  }
0xbd: {  	[sflag:s0] =	ssyncadd.remote.s32 $0x1  }
0xbe: {  	_ =	sfence.sel $0xFFFF  }
0xbf: {  	[dreg:$0x0] =	wrdreg $0xFFFFFFFF;
	(pc) =	sbr.abs _section_cstart, $3  }
0xc0: {  	[dreg:$0x1] =	wrdreg $0xFFFFFFFF  }
0xc1: {  	_ =	task.clear_ibuf [dreg:s7], $0x2FFFF;
	_ =	strace $0x9FFFFFFF  }
0xc2: {  	(tm) =	ssettm $0x7FFFFFFF  }
0xc3: {  	_ =	shalt  }
tec
execute0_lowered:
.L_overlay_start_1:
0x0: {  	(tag) =	ssettag $0x1  }
0x1: {  	s1 =	srdreg.scid  }
0x2: {  	s2 =	rddreg [dreg:$0x0];
	s0 =	stileid.u32;
	s14 =	sand.u32 $0x1, s1  }
0x3: {  	s8 =	rddreg [dreg:$0x1];
	s4 =	sshll.u32 s0, $0xE;
	s5 =	sshll.u32 s14, $0xD  }
0x4: {  	s3 =	simm.s32 $0x0;
	s1 =	rddreg [dreg:$0x2];
	s13 =	sor.u32 s5, s4  }
0x5: {  	[smem:$0x7FF] =	sst s3;
	s15 =	sadd.s32 $0xA600, s8;
	s4 =	sshrl.u32 s13, $0x3  }
0x6: {  	_ =	strace $0x8000004A;
	s5 =	sadd.s32 s15, s4;
	s4 =	simm.s32 $0x2  }
0x7: {  	[tilespmem:s3], [sflag:$0x2] =	stream.linear.gather [hbm4b:s5+s3], $0x800, $0x38;
	[tilespmem:$0x8800] =	vst v63  }
0x8: {  	_ =	swait.ge [sflag:s4], $0x800  }
0x9: {  	[sflag:s4] =	ssyncset.done $0x0  }
0xa: {  	s6 =	simm.s32 $0x800;
	s7 =	simm.s32 $0x1;
	[sflag:s4] =	ssyncadd.s32 $0xFFFFF800  }
0xb: {  	[tilespmem:s6], [sflag:$0x1] =	stream.indirect.gather [hbm4b:s2+s6], $0x10, s3, s6, $0xb8;
	[tilespmem:$0x8800] =	vst v63  }
0xc: {  	_ =	swait.ge [sflag:s7], $0x8000  }
0xd: {  	s16 =	sadd.s32 $0x12600, s8;
	s29 =	sshll.u32 s13, $0x1;
	[sflag:s7] =	ssyncset.done $0x0  }
0xe: {  	s8 =	sadd.s32 s16, s29;
	[sflag:s7] =	ssyncadd.s32 $0xFFFF8000  }
0xf: {  	[hbm4b:s8+s3] =	stream.linear.scatter [tilespmem:s6], [sflag:$0x2], $0x8000, $0x38;
	[tilespmem:$0x8800] =	vst v63  }
0x10: {  	s10 =	sor.u32 $0x800, s13;
	_ =	swait.ge [sflag:s4], $0x8000  }
0x11: {  	s9 =	sshrl.u32 s10, $0x3;
	[sflag:s4] =	ssyncset.done $0x0  }
0x12: {  	s9 =	sadd.s32 s15, s9;
	[sflag:s4] =	ssyncadd.s32 $0xFFFF8000  }
0x13: {  	[tilespmem:s3], [sflag:$0x2] =	stream.linear.gather [hbm4b:s9+s3], $0x800, $0x38;
	[tilespmem:$0x8800] =	vst v63  }
0x14: {  	_ =	swait.ge [sflag:s4], $0x800  }
0x15: {  	[sflag:s4] =	ssyncset.done $0x0  }
0x16: {  	[sflag:s4] =	ssyncadd.s32 $0xFFFFF800  }
0x17: {  	[tilespmem:s6], [sflag:$0x1] =	stream.indirect.gather [hbm4b:s2+s6], $0x10, s3, s6, $0xb8;
	[tilespmem:$0x8800] =	vst v63  }
0x18: {  	_ =	swait.ge [sflag:s7], $0x8000  }
0x19: {  	s10 =	sshll.u32 s10, $0x1;
	[sflag:s7] =	ssyncset.done $0x0  }
0x1a: {  	s10 =	sadd.s32 s16, s10;
	[sflag:s7] =	ssyncadd.s32 $0xFFFF8000  }
0x1b: {  	[hbm4b:s10+s3] =	stream.linear.scatter [tilespmem:s6], [sflag:$0x2], $0x8000, $0x38;
	[tilespmem:$0x8800] =	vst v63  }
0x1c: {  	s12 =	sor.u32 $0x1000, s13;
	_ =	swait.ge [sflag:s4], $0x8000  }
0x1d: {  	s11 =	sshrl.u32 s12, $0x3;
	[sflag:s4] =	ssyncset.done $0x0  }
0x1e: {  	s11 =	sadd.s32 s15, s11;
	[sflag:s4] =	ssyncadd.s32 $0xFFFF8000  }
0x1f: {  	[tilespmem:s3], [sflag:$0x2] =	stream.linear.gather [hbm4b:s11+s3], $0x800, $0x38;
	[tilespmem:$0x8800] =	vst v63  }
0x20: {  	_ =	swait.ge [sflag:s4], $0x800  }
0x21: {  	[sflag:s4] =	ssyncset.done $0x0  }
0x22: {  	[sflag:s4] =	ssyncadd.s32 $0xFFFFF800  }
0x23: {  	[tilespmem:s6], [sflag:$0x1] =	stream.indirect.gather [hbm4b:s2+s6], $0x10, s3, s6, $0xb8;
	[tilespmem:$0x8800] =	vst v63  }
0x24: {  	_ =	swait.ge [sflag:s7], $0x8000  }
0x25: {  	s12 =	sshll.u32 s12, $0x1;
	[sflag:s7] =	ssyncset.done $0x0  }
0x26: {  	s12 =	sadd.s32 s16, s12;
	[sflag:s7] =	ssyncadd.s32 $0xFFFF8000  }
0x27: {  	[hbm4b:s12+s3] =	stream.linear.scatter [tilespmem:s6], [sflag:$0x2], $0x8000, $0x38;
	[tilespmem:$0x8800] =	vst v63  }
0x28: {  	s17 =	sor.u32 $0x1800, s13;
	_ =	swait.ge [sflag:s4], $0x8000  }
0x29: {  	s13 =	sshrl.u32 s17, $0x3;
	[sflag:s4] =	ssyncset.done $0x0  }
0x2a: {  	s14 =	ssub.s32 $0x2, s14;
	s13 =	sadd.s32 s15, s13;
	[sflag:s4] =	ssyncadd.s32 $0xFFFF8000  }
0x2b: {  	[tilespmem:s3], [sflag:$0x2] =	stream.linear.gather [hbm4b:s13+s3], $0x800, $0x38;
	[tilespmem:$0x8800] =	vst v63  }
0x2c: {  	s30 =	sshrl.u32 s14, $0x1;
	_ =	swait.ge [sflag:s4], $0x800  }
0x2d: {  	s15 =	ssub.s32 s14, s30;
	[sflag:s4] =	ssyncset.done $0x0  }
0x2e: {  	s15 =	smax.u32 s15, $0x1;
	[sflag:s4] =	ssyncadd.s32 $0xFFFFF800  }
0x2f: {  	[tilespmem:s6], [sflag:$0x1] =	stream.indirect.gather [hbm4b:s2+s6], $0x10, s3, s6, $0xb8;
	[tilespmem:$0x8800] =	vst v63  }
0x30: {  	p0 =	sne.s32 s15, $0x1;
	_ =	swait.ge [sflag:s7], $0x8000  }
.Ltmp0:
0x31: {  	s31 =	sshll.u32 s17, $0x1;
	[sflag:s7] =	ssyncset.done $0x0;
	(pc) =	sbr.rel @!p0 .LBB2_2-.Ltmp0, $4  }
0x32: {  	s14 =	sadd.s32 s16, s31;
	[sflag:s7] =	ssyncadd.s32 $0xFFFF8000  }
0x33: {  	[hbm4b:s14+s3] =	stream.linear.scatter [tilespmem:s6], [sflag:$0x2], $0x8000, $0x38;
	[tilespmem:$0x8800] =	vst v63  }
0x34: {  	_ =	swait.ge [sflag:s4], $0x8000  }
0x35: {  	s15 =	sadd.s32 $0xFFFFFFFF, s15;
	[sflag:s4] =	ssyncset.done $0x0  }
.LBB2_1:
0x36: {  	p0 =	sne.s32 s15, $0x1;
	s15 =	sadd.s32 $0xFFFFFFFF, s15;
	[sflag:s4] =	ssyncadd.s32 $0xFFFF8000  }
0x37: {  	[tilespmem:s3], [sflag:$0x2] =	stream.linear.gather [hbm4b:s5+s3], $0x800, $0x38;
	[tilespmem:$0x8800] =	vst v63  }
0x38: {  	_ =	swait.ge [sflag:s4], $0x800  }
0x39: {  	[sflag:s4] =	ssyncset.done $0x0  }
0x3a: {  	[sflag:s4] =	ssyncadd.s32 $0xFFFFF800  }
0x3b: {  	[tilespmem:s6], [sflag:$0x1] =	stream.indirect.gather [hbm4b:s2+s6], $0x10, s3, s6, $0xb8;
	[tilespmem:$0x8800] =	vst v63  }
0x3c: {  	_ =	swait.ge [sflag:s7], $0x8000  }
0x3d: {  	[sflag:s7] =	ssyncset.done $0x0  }
0x3e: {  	[sflag:s7] =	ssyncadd.s32 $0xFFFF8000  }
0x3f: {  	[hbm4b:s8+s3] =	stream.linear.scatter [tilespmem:s6], [sflag:$0x2], $0x8000, $0x38;
	[tilespmem:$0x8800] =	vst v63  }
0x40: {  	_ =	swait.ge [sflag:s4], $0x8000  }
0x41: {  	[sflag:s4] =	ssyncset.done $0x0  }
0x42: {  	[sflag:s4] =	ssyncadd.s32 $0xFFFF8000  }
0x43: {  	[tilespmem:s3], [sflag:$0x2] =	stream.linear.gather [hbm4b:s9+s3], $0x800, $0x38;
	[tilespmem:$0x8800] =	vst v63  }
0x44: {  	_ =	swait.ge [sflag:s4], $0x800  }
0x45: {  	[sflag:s4] =	ssyncset.done $0x0  }
0x46: {  	[sflag:s4] =	ssyncadd.s32 $0xFFFFF800  }
0x47: {  	[tilespmem:s6], [sflag:$0x1] =	stream.indirect.gather [hbm4b:s2+s6], $0x10, s3, s6, $0xb8;
	[tilespmem:$0x8800] =	vst v63  }
0x48: {  	_ =	swait.ge [sflag:s7], $0x8000  }
0x49: {  	[sflag:s7] =	ssyncset.done $0x0  }
0x4a: {  	[sflag:s7] =	ssyncadd.s32 $0xFFFF8000  }
0x4b: {  	[hbm4b:s10+s3] =	stream.linear.scatter [tilespmem:s6], [sflag:$0x2], $0x8000, $0x38;
	[tilespmem:$0x8800] =	vst v63  }
0x4c: {  	_ =	swait.ge [sflag:s4], $0x8000  }
0x4d: {  	[sflag:s4] =	ssyncset.done $0x0  }
0x4e: {  	[sflag:s4] =	ssyncadd.s32 $0xFFFF8000  }
0x4f: {  	[tilespmem:s3], [sflag:$0x2] =	stream.linear.gather [hbm4b:s11+s3], $0x800, $0x38;
	[tilespmem:$0x8800] =	vst v63  }
0x50: {  	_ =	swait.ge [sflag:s4], $0x800  }
0x51: {  	[sflag:s4] =	ssyncset.done $0x0  }
0x52: {  	[sflag:s4] =	ssyncadd.s32 $0xFFFFF800  }
0x53: {  	[tilespmem:s6], [sflag:$0x1] =	stream.indirect.gather [hbm4b:s2+s6], $0x10, s3, s6, $0xb8;
	[tilespmem:$0x8800] =	vst v63  }
0x54: {  	_ =	swait.ge [sflag:s7], $0x8000  }
0x55: {  	[sflag:s7] =	ssyncset.done $0x0  }
0x56: {  	[sflag:s7] =	ssyncadd.s32 $0xFFFF8000  }
0x57: {  	[hbm4b:s12+s3] =	stream.linear.scatter [tilespmem:s6], [sflag:$0x2], $0x8000, $0x38;
	[tilespmem:$0x8800] =	vst v63  }
0x58: {  	_ =	swait.ge [sflag:s4], $0x8000  }
0x59: {  	[sflag:s4] =	ssyncset.done $0x0  }
0x5a: {  	[sflag:s4] =	ssyncadd.s32 $0xFFFF8000  }
0x5b: {  	[tilespmem:s3], [sflag:$0x2] =	stream.linear.gather [hbm4b:s13+s3], $0x800, $0x38;
	[tilespmem:$0x8800] =	vst v63  }
0x5c: {  	_ =	swait.ge [sflag:s4], $0x800  }
0x5d: {  	[sflag:s4] =	ssyncset.done $0x0  }
0x5e: {  	[sflag:s4] =	ssyncadd.s32 $0xFFFFF800  }
0x5f: {  	[tilespmem:s6], [sflag:$0x1] =	stream.indirect.gather [hbm4b:s2+s6], $0x10, s3, s6, $0xb8;
	[tilespmem:$0x8800] =	vst v63  }
0x60: {  	_ =	swait.ge [sflag:s7], $0x8000  }
.Ltmp1:
0x61: {  	[sflag:s7] =	ssyncset.done $0x0;
	(pc) =	sbr.rel @p0 .LBB2_1-.Ltmp1, $4  }
0x62: {  	[sflag:s7] =	ssyncadd.s32 $0xFFFF8000  }
0x63: {  	[hbm4b:s14+s3] =	stream.linear.scatter [tilespmem:s6], [sflag:$0x2], $0x8000, $0x38;
	[tilespmem:$0x8800] =	vst v63  }
0x64: {  	_ =	swait.ge [sflag:s4], $0x8000  }
0x65: {  	[sflag:s4] =	ssyncset.done $0x0  }
.LBB2_2:
0x66: {  	[sflag:s4] =	ssyncadd.s32 $0xFFFF8000  }
0x67: {  	_ =	sfence.sel $0x180000  }
0x68: {  	[bflag:$0x0] =	sbarrier.arrive $0xFFFF  }
0x69: {  	p0 =	sne.s32 s0, $0x0;
	_ =	strace $0x9000004A  }
0x6a: {  	s0 =	sadd.s32 @!p0 $0x100000, s1;
	[bflag:$0x2] =	sbarrier.arrive $0xFFFF  }
0x6b: {  	[sflag:s0] =	ssyncadd.tile.s32 @!p0 $0x1;
	_ =	shalt  }
.Lfunc_end2:
_tile_overlayer_lowered:
.L_overlay_start_2:
0x6c: {  	(tag) =	ssettag $0x2  }
0x6d: {  	s0 =	rddreg [dreg:$0x0];
	s2 =	stileid.u32  }
0x6e: {  	s1 =	rddreg [dreg:$0x1];
	p0 =	sne.s32 s2, $0x0  }
0x6f: {  	s3 =	rddreg [dreg:$0x2];
	[bflag:$0x3] =	sbarrier.arrive $0xFFFF;
	s2 =	simm.s32 @!p0 $0x1C02  }
0x70: {  	[timem:s3], [sflag:s2] =	dma.local @!p0 [hbm:s0], s1  }
0x71: {  	s0 =	simm.s32 @!p0 $0x2  }
0x72: {  	_ =	swait.ge @!p0 [sflag:s0], s1  }
0x73: {  	s1 =	ssub.s32 @!p0 $0x0, s1;
	[sflag:s0] =	ssyncset.done @!p0 $0x0  }
0x74: {  	[sflag:s0] =	ssyncadd.s32 @!p0 s1  }
0x75: {  	[bflag:$0x3] =	sbarrier.arrive $0xFFFF  }
0x76: {  	_ =	shalt  }

// kernel: kernel.24.cloned.1.call-start
scs
__scs_entry_jumppad:
0x0: {  	(pc) =	sbr.rel $0x88, $3  }
0x1: {  	(tag) =	ssettag $0x0;
	lr =	simm.s32 $0x1  }
0x2: {  	[smem:$0x3F6B] =	sst lr;
	_ =	strace $0xD0000000  }
0x3: {  	_ = 	snop  }
0x4: {  	_ = 	snop  }
0x5: {  	_ = 	snop  }
0x6: {  	_ = 	snop  }
0x7: {  	_ = 	snop  }
__scs_overlays_trampoline_lowered:
0x8: {  	[smem:$0x3F7A] =	sst s0  }
0x9: {  	[smem:$0x3F7B] =	sst s1  }
0xa: {  	[smem:$0x3F7C] =	sst s2  }
0xb: {  	[smem:$0x3F7D] =	sst s3  }
0xc: {  	[smem:$0x3F7E] =	sst s4  }
0xd: {  	[smem:$0x3F7F] =	sst s5  }
0xe: {  	[smem:$0x3F80] =	sst s6  }
0xf: {  	[smem:$0x3F81] =	sst s7  }
0x10: {  	[smem:$0x3F82] =	sst s8  }
0x11: {  	[smem:$0x3F83] =	sst s9;
	s0 =	simm.s32 @!p0 $0x0  }
0x12: {  	s1 =	sld [smem:$0x3F69];
	s0 =	simm.s32 @p0 $0x1  }
0x13: {  	[smem:$0x3F84] =	sst s0;
	s0 =	simm.s32 @!p1 $0x0  }
0x14: {  	s2 =	sld [smem:$0x3F68];
	s0 =	simm.s32 @p1 $0x1  }
0x15: {  	[smem:$0x3F85] =	sst s0;
	s0 =	simm.s32 @!p2 $0x0  }
0x16: {  	s3 =	sld [smem:$0x3FDB];
	s0 =	simm.s32 @p2 $0x1  }
0x17: {  	s4 =	simm.s32 $0x1BF5;
	[smem:$0x3F87] =	sst s0  }
0x18: {  	s0 =	sld [smem:$0x3F6A];
	_ =	swait.ge [sflag:s4], $0x0  }
0x19: {  	s7 =	sld [smem:$0x3F6B]  }
0x1a: {  	s8 =	sadd.s32 $0xFFFFE003, lr  }
0x1b: {  	s9 =	sadd.s32 $0xFFFFFEF7, lr;
	s5 =	simm.s32 $0xFFFFFFFF;
	p2 =	slt.u32 s8, $0xFFFFF086  }
0x1c: {  	p1 =	slt.u32 s9, $0xF7A;
	s5 =	simm.s32 @!p2 $0x0  }
0x1d: {  	s5 =	simm.s32 @p1 $0x1;
	p0 =	seq.s32 s7, s2  }
0x1e: {  	s7 =	smul.u32 @!p0 $0xF7A, s2;
	p2 =	seq.s32 @!p0 s5, $0x0  }
0x1f: {  	s9 =	smul.u32 $0xF7A, s1;
	s8 =	simm.s32 @!p0 $0x1BF5;
	p2 =	por !p2, p0  }
0x20: {  	[sflag:s8] =	ssyncset.s32 @!p0 $0xFFFFF086;
	s6 =	sadd.s32 @!p0 s3, s7;
	s7 =	simm.s32 @!p0 $0x108  }
0x21: {  	s3 =	sadd.s32 s3, s9;
	s6 =	sadd.s32 @!p0 $0x88, s6;
	s7 =	simm.s32 @p2 $0x1082  }
0x22: {  	[simem:s7], [sflag:s8] =	dma.local @!p0 [hbm:s6], $0xF7A  }
0x23: {  	s9 =	sor.u32 $0xD0000000, s2;
	s6 =	simm.s32 $0x108;
	_ =	swait.ge @!p0 [sflag:s8], $0x0  }
0x24: {  	s3 =	sadd.s32 $0x88, s3;
	s6 =	simm.s32 @!p1 $0x1082;
	[sflag:s4] =	ssyncset.s32 $0xFFFFF086  }
0x25: {  	[simem:s6], [sflag:s4] =	dma.local [hbm:s3], $0xF7A  }
0x26: {  	[smem:$0x3F6B] =	sst s1;
	(tag) =	ssettag s2;
	_ =	strace s9  }
0x27: {  	s1 =	sld [smem:$0x3F7B]  }
0x28: {  	s2 =	sld [smem:$0x3F7C]  }
0x29: {  	s4 =	sld [smem:$0x3F7E]  }
0x2a: {  	p0 =	seq.s32 s5, $0x0;
	s5 =	sld [smem:$0x3F7F]  }
0x2b: {  	s6 =	sld [smem:$0x3F80]  }
0x2c: {  	s7 =	sld [smem:$0x3F81]  }
0x2d: {  	s3 =	simm.s32 $0x108;
	s8 =	sld [smem:$0x3F82]  }
0x2e: {  	s3 =	simm.s32 @!p0 $0x1082;
	s9 =	sld [smem:$0x3F83]  }
0x2f: {  	lr =	sadd.s32 s0, s3;
	s0 =	sld [smem:$0x3F7A]  }
0x30: {  	s3 =	sld [smem:$0x3F7D]  }
0x31: {  	[smem:$0x3F86] =	sst s10  }
0x32: {  	s10 =	sld [smem:$0x3F84];
	_ =	sdelay $0x3  }
0x33: {  	p0 =	seq.s32 s10, $0x1;
	s10 =	sld [smem:$0x3F86];
	_ =	sdelay $0x3  }
0x34: {  	[smem:$0x3F86] =	sst s10  }
0x35: {  	s10 =	sld [smem:$0x3F85];
	_ =	sdelay $0x3  }
0x36: {  	p1 =	seq.s32 s10, $0x1;
	s10 =	sld [smem:$0x3F86];
	_ =	sdelay $0x3  }
0x37: {  	[smem:$0x3F86] =	sst s10  }
0x38: {  	s10 =	sld [smem:$0x3F87]  }
0x39: {  	_ = 	snop;
	(pc) =	sbr.ind lr, $3  }
0x3a: {  	_ = 	snop  }
0x3b: {  	_ = 	snop  }
0x3c: {  	p2 =	seq.s32 s10, $0x1;
	s10 =	sld [smem:$0x3F86]  }
0x3d: {  	_ =	shalt  }
0x3e: {  	_ =	shalt  }
0x3f: {  	_ =	shalt  }
0x40: {  	_ =	shalt  }
0x41: {  	_ =	shalt  }
0x42: {  	_ =	shalt  }
0x43: {  	_ =	shalt  }
0x44: {  	_ =	shalt  }
0x45: {  	_ =	shalt  }
0x46: {  	_ =	shalt  }
0x47: {  	_ =	shalt  }
0x48: {  	_ =	shalt  }
0x49: {  	_ =	shalt  }
0x4a: {  	_ =	shalt  }
0x4b: {  	_ =	shalt  }
0x4c: {  	_ =	shalt  }
0x4d: {  	_ =	shalt  }
0x4e: {  	_ =	shalt  }
0x4f: {  	_ =	shalt  }
0x50: {  	_ =	shalt  }
0x51: {  	_ =	shalt  }
0x52: {  	_ =	shalt  }
0x53: {  	_ =	shalt  }
0x54: {  	_ =	shalt  }
0x55: {  	_ =	shalt  }
0x56: {  	_ =	shalt  }
0x57: {  	_ =	shalt  }
0x58: {  	_ =	shalt  }
0x59: {  	_ =	shalt  }
0x5a: {  	_ =	shalt  }
0x5b: {  	_ =	shalt  }
0x5c: {  	_ =	shalt  }
0x5d: {  	_ =	shalt  }
0x5e: {  	_ =	shalt  }
0x5f: {  	_ =	shalt  }
0x60: {  	_ =	shalt  }
0x61: {  	_ =	shalt  }
0x62: {  	_ =	shalt  }
0x63: {  	_ =	shalt  }
0x64: {  	_ =	shalt  }
0x65: {  	_ =	shalt  }
0x66: {  	_ =	shalt  }
0x67: {  	_ =	shalt  }
0x68: {  	_ =	shalt  }
0x69: {  	_ =	shalt  }
0x6a: {  	_ =	shalt  }
0x6b: {  	_ =	shalt  }
0x6c: {  	_ =	shalt  }
0x6d: {  	_ =	shalt  }
0x6e: {  	_ =	shalt  }
0x6f: {  	_ =	shalt  }
0x70: {  	_ =	shalt  }
0x71: {  	_ =	shalt  }
0x72: {  	_ =	shalt  }
0x73: {  	_ =	shalt  }
0x74: {  	_ =	shalt  }
0x75: {  	_ =	shalt  }
0x76: {  	_ =	shalt  }
0x77: {  	_ =	shalt  }
0x78: {  	_ =	shalt  }
0x79: {  	_ =	shalt  }
0x7a: {  	_ =	shalt  }
0x7b: {  	_ =	shalt  }
0x7c: {  	_ =	shalt  }
0x7d: {  	_ =	shalt  }
0x7e: {  	_ =	shalt  }
0x7f: {  	_ =	shalt  }
0x80: {  	_ =	shalt  }
0x81: {  	_ =	shalt  }
0x82: {  	_ =	shalt  }
0x83: {  	_ =	shalt  }
0x84: {  	_ =	shalt  }
0x85: {  	_ =	shalt  }
0x86: {  	_ =	shalt  }
0x87: {  	_ =	shalt  }
.Lfunc_end0:
.L_simem_size_0:
called_computation.2_lowered:
.L_overlay_start_0:
0x88: {  	s2 =	sld [smem:$0x3FD9]  }
0x89: {  	s3 =	sld [smem:$0x3FFE];
	_ =	sdelay $0x1  }
0x8a: {  	s1 =	srdreg.scid  }
0x8b: {  	s0 =	sand.u32 $0x1, s1  }
0x8c: {  	s17 =	sshll.u32 s0, $0xA;
	s2 =	sadd.s32 s3, s2  }
0x8d: {  	s2 =	sadd.s32 s2, s17  }
0x8e: {  	[smem:$0x3F92] =	sst s2  }
0x8f: {  	_ = 	snop  }
0x90: {  	s2 =	sld [smem:$0x3FD0];
	(tm) =	ssettm $0x1  }
0x91: {  	s18 =	sld [smem:$0x3FFB];
	_ =	sdelay $0x3  }
0x92: {  	_ =	strace s18  }
0x93: {  	s3 =	sld [smem:$0x3FFC];
	_ =	sdelay $0x3  }
0x94: {  	_ =	strace s3  }
0x95: {  	s3 =	sld [smem:$0x3FFD];
	_ =	sdelay $0x3  }
0x96: {  	_ =	strace s3  }
0x97: {  	_ =	strace $0x8FFFFFFF  }
0x98: {  	s19 =	sld [smem:$0x3FDB];
	_ =	sdelay $0x1  }
0x99: {  	s4 =	simm.s32 $_scs_section_size  }
0x9a: {  	s5 =	simm.s32 $_size__tile_overlayer_lowered;
	s6 =	simm.s32 $_tile_overlayer_lowered  }
0x9b: {  	s22 =	simm.s32 $0x1BFF;
	s21 =	sshll.u32 s6, $0x1;
	s3 =	sadd.s32 s4, s19  }
0x9c: {  	s7 =	simm.s32 $0x0;
	s20 =	sshll.u32 s5, $0x1;
	s5 =	sadd.s32 s21, s3  }
0x9d: {  	[timem:s7], [sflag:s22] =	dma.local [hbm:s5], s20  }
0x9e: {  	_ =	swait.ge [sflag:s22], s20  }
0x9f: {  	s4 =	ssub.s32 $0x0, s20;
	[sflag:s22] =	ssyncset.done $0x0  }
0xa0: {  	[sflag:s22] =	ssyncadd.s32 s4;
	_ =	sdelay $0x1  }
0xa1: {  	s23 =	simm.s32 $0x1B8B  }
0xa2: {  	_ =	swait.ge [sflag:s23], $0x1  }
0xa3: {  	[sflag:s23] =	ssyncset.done $0x0  }
0xa4: {  	s25 =	simm.s32 $0x1B8E;
	s24 =	sld [smem:$0x3FFE];
	[sflag:s23] =	ssyncadd.s32 $0xFFFFFFFF  }
0xa5: {  	s26 =	simm.s32 $execute0_lowered;
	[smem:$0x3FD2] =	sst s25  }
0xa6: {  	s5 =	sshll.u32 s26, $0x1;
	_ =	strace $0x8000004C;
	[dreg:$0x1] =	wrdreg $0xFFFFFFFF  }
0xa7: {  	s28 =	simm.s32 $_size_execute0_lowered;
	s3 =	sadd.s32 s3, s5;
	[dreg:$0x0] =	wrdreg $0x0  }
0xa8: {  	s5 =	sshll.u32 s28, $0x1;
	[dreg:$0x2] =	wrdreg s3  }
0xa9: {  	[dreg:$0x3] =	wrdreg s5  }
0xaa: {  	[dreg:$0x4] =	wrdreg $0xC0  }
0xab: {  	_ =	task [dreg:s7], $0x5FFFF  }
0xac: {  	[dreg:$0x1] =	wrdreg $0xFFFFFFFF  }
0xad: {  	[dreg:$0x0] =	wrdreg $0x60  }
0xae: {  	[dreg:$0x2] =	wrdreg s2  }
0xaf: {  	[dreg:$0x3] =	wrdreg s24  }
0xb0: {  	[dreg:$0x4] =	wrdreg $0x9  }
0xb1: {  	_ =	task.clear_ibuf [dreg:s7], $0x5FFFF;
	_ =	strace $0x9000004C  }
0xb2: {  	s29 =	simm.s32 $0x9;
	_ =	strace $0x8000004E  }
0xb3: {  	_ =	swait.ge [sflag:s29], $0x1  }
0xb4: {  	[sflag:s29] =	ssyncadd.s32 $0xFFFFFFFF  }
0xb5: {  	_ =	strace $0x9000004E  }
0xb6: {  	_ =	sfence  }
0xb7: {  	s30 =	sld [smem:$0x0];
	_ =	sdelay $0x2  }
0xb8: {  	s31 =	sshll.u32 s1, $0xD;
	s1 =	sshrl.u32 s1, $0x2  }
0xb9: {  	s3 =	sand.u32 $0x4000, s31;
	s1 =	sadd.s32 s1, s30  }
0xba: {  	s0 =	sor.u32 s3, s0;
	s1 =	sshll.u32 s1, $0x11  }
0xbb: {  	s0 =	sor.u32 s1, s0  }
0xbc: {  	s0 =	sadd.s32 $0x8F2B, s0  }
0xbd: {  	[sflag:s0] =	ssyncadd.remote.s32 $0x1  }
0xbe: {  	_ =	sfence.sel $0xFFFF  }
0xbf: {  	[dreg:$0x0] =	wrdreg $0xFFFFFFFF;
	(pc) =	sbr.abs _section_cstart, $3  }
0xc0: {  	[dreg:$0x1] =	wrdreg $0xFFFFFFFF  }
0xc1: {  	_ =	task.clear_ibuf [dreg:s7], $0x2FFFF;
	_ =	strace $0x9FFFFFFF  }
0xc2: {  	(tm) =	ssettm $0x7FFFFFFF  }
0xc3: {  	_ =	shalt  }
tec
execute0_lowered:
.L_overlay_start_1:
0x0: {  	(tag) =	ssettag $0x1  }
0x1: {  	s1 =	srdreg.scid  }
0x2: {  	s2 =	rddreg [dreg:$0x0];
	s0 =	stileid.u32;
	s14 =	sand.u32 $0x1, s1  }
0x3: {  	s8 =	rddreg [dreg:$0x1];
	s4 =	sshll.u32 s0, $0xE;
	s5 =	sshll.u32 s14, $0xD  }
0x4: {  	s3 =	simm.s32 $0x0;
	s1 =	rddreg [dreg:$0x2];
	s13 =	sor.u32 s5, s4  }
0x5: {  	[smem:$0x7FF] =	sst s3;
	s15 =	sadd.s32 $0xA600, s8;
	s4 =	sshrl.u32 s13, $0x3  }
0x6: {  	_ =	strace $0x8000004D;
	s5 =	sadd.s32 s15, s4;
	s4 =	simm.s32 $0x2  }
0x7: {  	[tilespmem:s3], [sflag:$0x2] =	stream.linear.gather [hbm4b:s5+s3], $0x800, $0x38;
	[tilespmem:$0x8800] =	vst v63  }
0x8: {  	_ =	swait.ge [sflag:s4], $0x800  }
0x9: {  	[sflag:s4] =	ssyncset.done $0x0  }
0xa: {  	s6 =	simm.s32 $0x800;
	s7 =	simm.s32 $0x1;
	[sflag:s4] =	ssyncadd.s32 $0xFFFFF800  }
0xb: {  	[tilespmem:s6], [sflag:$0x1] =	stream.indirect.gather [hbm4b:s2+s6], $0x10, s3, s6, $0xb8;
	[tilespmem:$0x8800] =	vst v63  }
0xc: {  	_ =	swait.ge [sflag:s7], $0x8000  }
0xd: {  	s16 =	sadd.s32 $0x12600, s8;
	s29 =	sshll.u32 s13, $0x1;
	[sflag:s7] =	ssyncset.done $0x0  }
0xe: {  	s8 =	sadd.s32 s16, s29;
	[sflag:s7] =	ssyncadd.s32 $0xFFFF8000  }
0xf: {  	[hbm4b:s8+s3] =	stream.linear.scatter [tilespmem:s6], [sflag:$0x2], $0x8000, $0x38;
	[tilespmem:$0x8800] =	vst v63  }
0x10: {  	s10 =	sor.u32 $0x800, s13;
	_ =	swait.ge [sflag:s4], $0x8000  }
0x11: {  	s9 =	sshrl.u32 s10, $0x3;
	[sflag:s4] =	ssyncset.done $0x0  }
0x12: {  	s9 =	sadd.s32 s15, s9;
	[sflag:s4] =	ssyncadd.s32 $0xFFFF8000  }
0x13: {  	[tilespmem:s3], [sflag:$0x2] =	stream.linear.gather [hbm4b:s9+s3], $0x800, $0x38;
	[tilespmem:$0x8800] =	vst v63  }
0x14: {  	_ =	swait.ge [sflag:s4], $0x800  }
0x15: {  	[sflag:s4] =	ssyncset.done $0x0  }
0x16: {  	[sflag:s4] =	ssyncadd.s32 $0xFFFFF800  }
0x17: {  	[tilespmem:s6], [sflag:$0x1] =	stream.indirect.gather [hbm4b:s2+s6], $0x10, s3, s6, $0xb8;
	[tilespmem:$0x8800] =	vst v63  }
0x18: {  	_ =	swait.ge [sflag:s7], $0x8000  }
0x19: {  	s10 =	sshll.u32 s10, $0x1;
	[sflag:s7] =	ssyncset.done $0x0  }
0x1a: {  	s10 =	sadd.s32 s16, s10;
	[sflag:s7] =	ssyncadd.s32 $0xFFFF8000  }
0x1b: {  	[hbm4b:s10+s3] =	stream.linear.scatter [tilespmem:s6], [sflag:$0x2], $0x8000, $0x38;
	[tilespmem:$0x8800] =	vst v63  }
0x1c: {  	s12 =	sor.u32 $0x1000, s13;
	_ =	swait.ge [sflag:s4], $0x8000  }
0x1d: {  	s11 =	sshrl.u32 s12, $0x3;
	[sflag:s4] =	ssyncset.done $0x0  }
0x1e: {  	s11 =	sadd.s32 s15, s11;
	[sflag:s4] =	ssyncadd.s32 $0xFFFF8000  }
0x1f: {  	[tilespmem:s3], [sflag:$0x2] =	stream.linear.gather [hbm4b:s11+s3], $0x800, $0x38;
	[tilespmem:$0x8800] =	vst v63  }
0x20: {  	_ =	swait.ge [sflag:s4], $0x800  }
0x21: {  	[sflag:s4] =	ssyncset.done $0x0  }
0x22: {  	[sflag:s4] =	ssyncadd.s32 $0xFFFFF800  }
0x23: {  	[tilespmem:s6], [sflag:$0x1] =	stream.indirect.gather [hbm4b:s2+s6], $0x10, s3, s6, $0xb8;
	[tilespmem:$0x8800] =	vst v63  }
0x24: {  	_ =	swait.ge [sflag:s7], $0x8000  }
0x25: {  	s12 =	sshll.u32 s12, $0x1;
	[sflag:s7] =	ssyncset.done $0x0  }
0x26: {  	s12 =	sadd.s32 s16, s12;
	[sflag:s7] =	ssyncadd.s32 $0xFFFF8000  }
0x27: {  	[hbm4b:s12+s3] =	stream.linear.scatter [tilespmem:s6], [sflag:$0x2], $0x8000, $0x38;
	[tilespmem:$0x8800] =	vst v63  }
0x28: {  	s17 =	sor.u32 $0x1800, s13;
	_ =	swait.ge [sflag:s4], $0x8000  }
0x29: {  	s13 =	sshrl.u32 s17, $0x3;
	[sflag:s4] =	ssyncset.done $0x0  }
0x2a: {  	s14 =	ssub.s32 $0x2, s14;
	s13 =	sadd.s32 s15, s13;
	[sflag:s4] =	ssyncadd.s32 $0xFFFF8000  }
0x2b: {  	[tilespmem:s3], [sflag:$0x2] =	stream.linear.gather [hbm4b:s13+s3], $0x800, $0x38;
	[tilespmem:$0x8800] =	vst v63  }
0x2c: {  	s30 =	sshrl.u32 s14, $0x1;
	_ =	swait.ge [sflag:s4], $0x800  }
0x2d: {  	s15 =	ssub.s32 s14, s30;
	[sflag:s4] =	ssyncset.done $0x0  }
0x2e: {  	s15 =	smax.u32 s15, $0x1;
	[sflag:s4] =	ssyncadd.s32 $0xFFFFF800  }
0x2f: {  	[tilespmem:s6], [sflag:$0x1] =	stream.indirect.gather [hbm4b:s2+s6], $0x10, s3, s6, $0xb8;
	[tilespmem:$0x8800] =	vst v63  }
0x30: {  	p0 =	sne.s32 s15, $0x1;
	_ =	swait.ge [sflag:s7], $0x8000  }
.Ltmp0:
0x31: {  	s31 =	sshll.u32 s17, $0x1;
	[sflag:s7] =	ssyncset.done $0x0;
	(pc) =	sbr.rel @!p0 .LBB2_2-.Ltmp0, $4  }
0x32: {  	s14 =	sadd.s32 s16, s31;
	[sflag:s7] =	ssyncadd.s32 $0xFFFF8000  }
0x33: {  	[hbm4b:s14+s3] =	stream.linear.scatter [tilespmem:s6], [sflag:$0x2], $0x8000, $0x38;
	[tilespmem:$0x8800] =	vst v63  }
0x34: {  	_ =	swait.ge [sflag:s4], $0x8000  }
0x35: {  	s15 =	sadd.s32 $0xFFFFFFFF, s15;
	[sflag:s4] =	ssyncset.done $0x0  }
.LBB2_1:
0x36: {  	p0 =	sne.s32 s15, $0x1;
	s15 =	sadd.s32 $0xFFFFFFFF, s15;
	[sflag:s4] =	ssyncadd.s32 $0xFFFF8000  }
0x37: {  	[tilespmem:s3], [sflag:$0x2] =	stream.linear.gather [hbm4b:s5+s3], $0x800, $0x38;
	[tilespmem:$0x8800] =	vst v63  }
0x38: {  	_ =	swait.ge [sflag:s4], $0x800  }
0x39: {  	[sflag:s4] =	ssyncset.done $0x0  }
0x3a: {  	[sflag:s4] =	ssyncadd.s32 $0xFFFFF800  }
0x3b: {  	[tilespmem:s6], [sflag:$0x1] =	stream.indirect.gather [hbm4b:s2+s6], $0x10, s3, s6, $0xb8;
	[tilespmem:$0x8800] =	vst v63  }
0x3c: {  	_ =	swait.ge [sflag:s7], $0x8000  }
0x3d: {  	[sflag:s7] =	ssyncset.done $0x0  }
0x3e: {  	[sflag:s7] =	ssyncadd.s32 $0xFFFF8000  }
0x3f: {  	[hbm4b:s8+s3] =	stream.linear.scatter [tilespmem:s6], [sflag:$0x2], $0x8000, $0x38;
	[tilespmem:$0x8800] =	vst v63  }
0x40: {  	_ =	swait.ge [sflag:s4], $0x8000  }
0x41: {  	[sflag:s4] =	ssyncset.done $0x0  }
0x42: {  	[sflag:s4] =	ssyncadd.s32 $0xFFFF8000  }
0x43: {  	[tilespmem:s3], [sflag:$0x2] =	stream.linear.gather [hbm4b:s9+s3], $0x800, $0x38;
	[tilespmem:$0x8800] =	vst v63  }
0x44: {  	_ =	swait.ge [sflag:s4], $0x800  }
0x45: {  	[sflag:s4] =	ssyncset.done $0x0  }
0x46: {  	[sflag:s4] =	ssyncadd.s32 $0xFFFFF800  }
0x47: {  	[tilespmem:s6], [sflag:$0x1] =	stream.indirect.gather [hbm4b:s2+s6], $0x10, s3, s6, $0xb8;
	[tilespmem:$0x8800] =	vst v63  }
0x48: {  	_ =	swait.ge [sflag:s7], $0x8000  }
0x49: {  	[sflag:s7] =	ssyncset.done $0x0  }
0x4a: {  	[sflag:s7] =	ssyncadd.s32 $0xFFFF8000  }
0x4b: {  	[hbm4b:s10+s3] =	stream.linear.scatter [tilespmem:s6], [sflag:$0x2], $0x8000, $0x38;
	[tilespmem:$0x8800] =	vst v63  }
0x4c: {  	_ =	swait.ge [sflag:s4], $0x8000  }
0x4d: {  	[sflag:s4] =	ssyncset.done $0x0  }
0x4e: {  	[sflag:s4] =	ssyncadd.s32 $0xFFFF8000  }
0x4f: {  	[tilespmem:s3], [sflag:$0x2] =	stream.linear.gather [hbm4b:s11+s3], $0x800, $0x38;
	[tilespmem:$0x8800] =	vst v63  }
0x50: {  	_ =	swait.ge [sflag:s4], $0x800  }
0x51: {  	[sflag:s4] =	ssyncset.done $0x0  }
0x52: {  	[sflag:s4] =	ssyncadd.s32 $0xFFFFF800  }
0x53: {  	[tilespmem:s6], [sflag:$0x1] =	stream.indirect.gather [hbm4b:s2+s6], $0x10, s3, s6, $0xb8;
	[tilespmem:$0x8800] =	vst v63  }
0x54: {  	_ =	swait.ge [sflag:s7], $0x8000  }
0x55: {  	[sflag:s7] =	ssyncset.done $0x0  }
0x56: {  	[sflag:s7] =	ssyncadd.s32 $0xFFFF8000  }
0x57: {  	[hbm4b:s12+s3] =	stream.linear.scatter [tilespmem:s6], [sflag:$0x2], $0x8000, $0x38;
	[tilespmem:$0x8800] =	vst v63  }
0x58: {  	_ =	swait.ge [sflag:s4], $0x8000  }
0x59: {  	[sflag:s4] =	ssyncset.done $0x0  }
0x5a: {  	[sflag:s4] =	ssyncadd.s32 $0xFFFF8000  }
0x5b: {  	[tilespmem:s3], [sflag:$0x2] =	stream.linear.gather [hbm4b:s13+s3], $0x800, $0x38;
	[tilespmem:$0x8800] =	vst v63  }
0x5c: {  	_ =	swait.ge [sflag:s4], $0x800  }
0x5d: {  	[sflag:s4] =	ssyncset.done $0x0  }
0x5e: {  	[sflag:s4] =	ssyncadd.s32 $0xFFFFF800  }
0x5f: {  	[tilespmem:s6], [sflag:$0x1] =	stream.indirect.gather [hbm4b:s2+s6], $0x10, s3, s6, $0xb8;
	[tilespmem:$0x8800] =	vst v63  }
0x60: {  	_ =	swait.ge [sflag:s7], $0x8000  }
.Ltmp1:
0x61: {  	[sflag:s7] =	ssyncset.done $0x0;
	(pc) =	sbr.rel @p0 .LBB2_1-.Ltmp1, $4  }
0x62: {  	[sflag:s7] =	ssyncadd.s32 $0xFFFF8000  }
0x63: {  	[hbm4b:s14+s3] =	stream.linear.scatter [tilespmem:s6], [sflag:$0x2], $0x8000, $0x38;
	[tilespmem:$0x8800] =	vst v63  }
0x64: {  	_ =	swait.ge [sflag:s4], $0x8000  }
0x65: {  	[sflag:s4] =	ssyncset.done $0x0  }
.LBB2_2:
0x66: {  	[sflag:s4] =	ssyncadd.s32 $0xFFFF8000  }
0x67: {  	_ =	sfence.sel $0x180000  }
0x68: {  	[bflag:$0x0] =	sbarrier.arrive $0xFFFF  }
0x69: {  	p0 =	sne.s32 s0, $0x0;
	_ =	strace $0x9000004D  }
0x6a: {  	s0 =	sadd.s32 @!p0 $0x100000, s1;
	[bflag:$0x2] =	sbarrier.arrive $0xFFFF  }
0x6b: {  	[sflag:s0] =	ssyncadd.tile.s32 @!p0 $0x1;
	_ =	shalt  }
.Lfunc_end2:
_tile_overlayer_lowered:
.L_overlay_start_2:
0x6c: {  	(tag) =	ssettag $0x2  }
0x6d: {  	s0 =	rddreg [dreg:$0x0];
	s2 =	stileid.u32  }
0x6e: {  	s1 =	rddreg [dreg:$0x1];
	p0 =	sne.s32 s2, $0x0  }
0x6f: {  	s3 =	rddreg [dreg:$0x2];
	[bflag:$0x3] =	sbarrier.arrive $0xFFFF;
	s2 =	simm.s32 @!p0 $0x1C02  }
0x70: {  	[timem:s3], [sflag:s2] =	dma.local @!p0 [hbm:s0], s1  }
0x71: {  	s0 =	simm.s32 @!p0 $0x2  }
0x72: {  	_ =	swait.ge @!p0 [sflag:s0], s1  }
0x73: {  	s1 =	ssub.s32 @!p0 $0x0, s1;
	[sflag:s0] =	ssyncset.done @!p0 $0x0  }
0x74: {  	[sflag:s0] =	ssyncadd.s32 @!p0 s1  }
0x75: {  	[bflag:$0x3] =	sbarrier.arrive $0xFFFF  }
0x76: {  	_ =	shalt  }

// kernel: kernel.27.cloned.1.call-start
scs
__scs_entry_jumppad:
0x0: {  	(pc) =	sbr.rel $0x88, $3  }
0x1: {  	(tag) =	ssettag $0x0;
	lr =	simm.s32 $0x1  }
0x2: {  	[smem:$0x3F6B] =	sst lr;
	_ =	strace $0xD0000000  }
0x3: {  	_ = 	snop  }
0x4: {  	_ = 	snop  }
0x5: {  	_ = 	snop  }
0x6: {  	_ = 	snop  }
0x7: {  	_ = 	snop  }
__scs_overlays_trampoline_lowered:
0x8: {  	[smem:$0x3F7A] =	sst s0  }
0x9: {  	[smem:$0x3F7B] =	sst s1  }
0xa: {  	[smem:$0x3F7C] =	sst s2  }
0xb: {  	[smem:$0x3F7D] =	sst s3  }
0xc: {  	[smem:$0x3F7E] =	sst s4  }
0xd: {  	[smem:$0x3F7F] =	sst s5  }
0xe: {  	[smem:$0x3F80] =	sst s6  }
0xf: {  	[smem:$0x3F81] =	sst s7  }
0x10: {  	[smem:$0x3F82] =	sst s8  }
0x11: {  	[smem:$0x3F83] =	sst s9;
	s0 =	simm.s32 @!p0 $0x0  }
0x12: {  	s1 =	sld [smem:$0x3F69];
	s0 =	simm.s32 @p0 $0x1  }
0x13: {  	[smem:$0x3F84] =	sst s0;
	s0 =	simm.s32 @!p1 $0x0  }
0x14: {  	s2 =	sld [smem:$0x3F68];
	s0 =	simm.s32 @p1 $0x1  }
0x15: {  	[smem:$0x3F85] =	sst s0;
	s0 =	simm.s32 @!p2 $0x0  }
0x16: {  	s3 =	sld [smem:$0x3FDB];
	s0 =	simm.s32 @p2 $0x1  }
0x17: {  	s4 =	simm.s32 $0x1BF5;
	[smem:$0x3F87] =	sst s0  }
0x18: {  	s0 =	sld [smem:$0x3F6A];
	_ =	swait.ge [sflag:s4], $0x0  }
0x19: {  	s7 =	sld [smem:$0x3F6B]  }
0x1a: {  	s8 =	sadd.s32 $0xFFFFE003, lr  }
0x1b: {  	s9 =	sadd.s32 $0xFFFFFEF7, lr;
	s5 =	simm.s32 $0xFFFFFFFF;
	p2 =	slt.u32 s8, $0xFFFFF086  }
0x1c: {  	p1 =	slt.u32 s9, $0xF7A;
	s5 =	simm.s32 @!p2 $0x0  }
0x1d: {  	s5 =	simm.s32 @p1 $0x1;
	p0 =	seq.s32 s7, s2  }
0x1e: {  	s7 =	smul.u32 @!p0 $0xF7A, s2;
	p2 =	seq.s32 @!p0 s5, $0x0  }
0x1f: {  	s9 =	smul.u32 $0xF7A, s1;
	s8 =	simm.s32 @!p0 $0x1BF5;
	p2 =	por !p2, p0  }
0x20: {  	[sflag:s8] =	ssyncset.s32 @!p0 $0xFFFFF086;
	s6 =	sadd.s32 @!p0 s3, s7;
	s7 =	simm.s32 @!p0 $0x108  }
0x21: {  	s3 =	sadd.s32 s3, s9;
	s6 =	sadd.s32 @!p0 $0x88, s6;
	s7 =	simm.s32 @p2 $0x1082  }
0x22: {  	[simem:s7], [sflag:s8] =	dma.local @!p0 [hbm:s6], $0xF7A  }
0x23: {  	s9 =	sor.u32 $0xD0000000, s2;
	s6 =	simm.s32 $0x108;
	_ =	swait.ge @!p0 [sflag:s8], $0x0  }
0x24: {  	s3 =	sadd.s32 $0x88, s3;
	s6 =	simm.s32 @!p1 $0x1082;
	[sflag:s4] =	ssyncset.s32 $0xFFFFF086  }
0x25: {  	[simem:s6], [sflag:s4] =	dma.local [hbm:s3], $0xF7A  }
0x26: {  	[smem:$0x3F6B] =	sst s1;
	(tag) =	ssettag s2;
	_ =	strace s9  }
0x27: {  	s1 =	sld [smem:$0x3F7B]  }
0x28: {  	s2 =	sld [smem:$0x3F7C]  }
0x29: {  	s4 =	sld [smem:$0x3F7E]  }
0x2a: {  	p0 =	seq.s32 s5, $0x0;
	s5 =	sld [smem:$0x3F7F]  }
0x2b: {  	s6 =	sld [smem:$0x3F80]  }
0x2c: {  	s7 =	sld [smem:$0x3F81]  }
0x2d: {  	s3 =	simm.s32 $0x108;
	s8 =	sld [smem:$0x3F82]  }
0x2e: {  	s3 =	simm.s32 @!p0 $0x1082;
	s9 =	sld [smem:$0x3F83]  }
0x2f: {  	lr =	sadd.s32 s0, s3;
	s0 =	sld [smem:$0x3F7A]  }
0x30: {  	s3 =	sld [smem:$0x3F7D]  }
0x31: {  	[smem:$0x3F86] =	sst s10  }
0x32: {  	s10 =	sld [smem:$0x3F84];
	_ =	sdelay $0x3  }
0x33: {  	p0 =	seq.s32 s10, $0x1;
	s10 =	sld [smem:$0x3F86];
	_ =	sdelay $0x3  }
0x34: {  	[smem:$0x3F86] =	sst s10  }
0x35: {  	s10 =	sld [smem:$0x3F85];
	_ =	sdelay $0x3  }
0x36: {  	p1 =	seq.s32 s10, $0x1;
	s10 =	sld [smem:$0x3F86];
	_ =	sdelay $0x3  }
0x37: {  	[smem:$0x3F86] =	sst s10  }
0x38: {  	s10 =	sld [smem:$0x3F87]  }
0x39: {  	_ = 	snop;
	(pc) =	sbr.ind lr, $3  }
0x3a: {  	_ = 	snop  }
0x3b: {  	_ = 	snop  }
0x3c: {  	p2 =	seq.s32 s10, $0x1;
	s10 =	sld [smem:$0x3F86]  }
0x3d: {  	_ =	shalt  }
0x3e: {  	_ =	shalt  }
0x3f: {  	_ =	shalt  }
0x40: {  	_ =	shalt  }
0x41: {  	_ =	shalt  }
0x42: {  	_ =	shalt  }
0x43: {  	_ =	shalt  }
0x44: {  	_ =	shalt  }
0x45: {  	_ =	shalt  }
0x46: {  	_ =	shalt  }
0x47: {  	_ =	shalt  }
0x48: {  	_ =	shalt  }
0x49: {  	_ =	shalt  }
0x4a: {  	_ =	shalt  }
0x4b: {  	_ =	shalt  }
0x4c: {  	_ =	shalt  }
0x4d: {  	_ =	shalt  }
0x4e: {  	_ =	shalt  }
0x4f: {  	_ =	shalt  }
0x50: {  	_ =	shalt  }
0x51: {  	_ =	shalt  }
0x52: {  	_ =	shalt  }
0x53: {  	_ =	shalt  }
0x54: {  	_ =	shalt  }
0x55: {  	_ =	shalt  }
0x56: {  	_ =	shalt  }
0x57: {  	_ =	shalt  }
0x58: {  	_ =	shalt  }
0x59: {  	_ =	shalt  }
0x5a: {  	_ =	shalt  }
0x5b: {  	_ =	shalt  }
0x5c: {  	_ =	shalt  }
0x5d: {  	_ =	shalt  }
0x5e: {  	_ =	shalt  }
0x5f: {  	_ =	shalt  }
0x60: {  	_ =	shalt  }
0x61: {  	_ =	shalt  }
0x62: {  	_ =	shalt  }
0x63: {  	_ =	shalt  }
0x64: {  	_ =	shalt  }
0x65: {  	_ =	shalt  }
0x66: {  	_ =	shalt  }
0x67: {  	_ =	shalt  }
0x68: {  	_ =	shalt  }
0x69: {  	_ =	shalt  }
0x6a: {  	_ =	shalt  }
0x6b: {  	_ =	shalt  }
0x6c: {  	_ =	shalt  }
0x6d: {  	_ =	shalt  }
0x6e: {  	_ =	shalt  }
0x6f: {  	_ =	shalt  }
0x70: {  	_ =	shalt  }
0x71: {  	_ =	shalt  }
0x72: {  	_ =	shalt  }
0x73: {  	_ =	shalt  }
0x74: {  	_ =	shalt  }
0x75: {  	_ =	shalt  }
0x76: {  	_ =	shalt  }
0x77: {  	_ =	shalt  }
0x78: {  	_ =	shalt  }
0x79: {  	_ =	shalt  }
0x7a: {  	_ =	shalt  }
0x7b: {  	_ =	shalt  }
0x7c: {  	_ =	shalt  }
0x7d: {  	_ =	shalt  }
0x7e: {  	_ =	shalt  }
0x7f: {  	_ =	shalt  }
0x80: {  	_ =	shalt  }
0x81: {  	_ =	shalt  }
0x82: {  	_ =	shalt  }
0x83: {  	_ =	shalt  }
0x84: {  	_ =	shalt  }
0x85: {  	_ =	shalt  }
0x86: {  	_ =	shalt  }
0x87: {  	_ =	shalt  }
.Lfunc_end0:
.L_simem_size_0:
called_computation.3_lowered:
.L_overlay_start_0:
0x88: {  	s2 =	sld [smem:$0x3FD9]  }
0x89: {  	s3 =	sld [smem:$0x3FFE];
	_ =	sdelay $0x1  }
0x8a: {  	s1 =	srdreg.scid  }
0x8b: {  	s0 =	sand.u32 $0x1, s1  }
0x8c: {  	s17 =	sshll.u32 s0, $0xA;
	s2 =	sadd.s32 s3, s2  }
0x8d: {  	s2 =	sadd.s32 s2, s17  }
0x8e: {  	[smem:$0x3F92] =	sst s2  }
0x8f: {  	_ = 	snop  }
0x90: {  	s2 =	sld [smem:$0x3FD0];
	(tm) =	ssettm $0x1  }
0x91: {  	s18 =	sld [smem:$0x3FFB];
	_ =	sdelay $0x3  }
0x92: {  	_ =	strace s18  }
0x93: {  	s3 =	sld [smem:$0x3FFC];
	_ =	sdelay $0x3  }
0x94: {  	_ =	strace s3  }
0x95: {  	s3 =	sld [smem:$0x3FFD];
	_ =	sdelay $0x3  }
0x96: {  	_ =	strace s3  }
0x97: {  	_ =	strace $0x8FFFFFFF  }
0x98: {  	s19 =	sld [smem:$0x3FDB];
	_ =	sdelay $0x1  }
0x99: {  	s4 =	simm.s32 $_scs_section_size  }
0x9a: {  	s5 =	simm.s32 $_size__tile_overlayer_lowered;
	s6 =	simm.s32 $_tile_overlayer_lowered  }
0x9b: {  	s22 =	simm.s32 $0x1BFF;
	s21 =	sshll.u32 s6, $0x1;
	s3 =	sadd.s32 s4, s19  }
0x9c: {  	s7 =	simm.s32 $0x0;
	s20 =	sshll.u32 s5, $0x1;
	s5 =	sadd.s32 s21, s3  }
0x9d: {  	[timem:s7], [sflag:s22] =	dma.local [hbm:s5], s20  }
0x9e: {  	_ =	swait.ge [sflag:s22], s20  }
0x9f: {  	s4 =	ssub.s32 $0x0, s20;
	[sflag:s22] =	ssyncset.done $0x0  }
0xa0: {  	[sflag:s22] =	ssyncadd.s32 s4;
	_ =	sdelay $0x1  }
0xa1: {  	s23 =	simm.s32 $0x1B8B  }
0xa2: {  	_ =	swait.ge [sflag:s23], $0x1  }
0xa3: {  	[sflag:s23] =	ssyncset.done $0x0  }
0xa4: {  	s25 =	simm.s32 $0x1B8E;
	s24 =	sld [smem:$0x3FFE];
	[sflag:s23] =	ssyncadd.s32 $0xFFFFFFFF  }
0xa5: {  	s26 =	simm.s32 $execute0_lowered;
	[smem:$0x3FD2] =	sst s25  }
0xa6: {  	s5 =	sshll.u32 s26, $0x1;
	_ =	strace $0x8000004F;
	[dreg:$0x1] =	wrdreg $0xFFFFFFFF  }
0xa7: {  	s28 =	simm.s32 $_size_execute0_lowered;
	s3 =	sadd.s32 s3, s5;
	[dreg:$0x0] =	wrdreg $0x0  }
0xa8: {  	s5 =	sshll.u32 s28, $0x1;
	[dreg:$0x2] =	wrdreg s3  }
0xa9: {  	[dreg:$0x3] =	wrdreg s5  }
0xaa: {  	[dreg:$0x4] =	wrdreg $0xC0  }
0xab: {  	_ =	task [dreg:s7], $0x5FFFF  }
0xac: {  	[dreg:$0x1] =	wrdreg $0xFFFFFFFF  }
0xad: {  	[dreg:$0x0] =	wrdreg $0x60  }
0xae: {  	[dreg:$0x2] =	wrdreg s2  }
0xaf: {  	[dreg:$0x3] =	wrdreg s24  }
0xb0: {  	[dreg:$0x4] =	wrdreg $0x9  }
0xb1: {  	_ =	task.clear_ibuf [dreg:s7], $0x5FFFF;
	_ =	strace $0x9000004F  }
0xb2: {  	s29 =	simm.s32 $0x9;
	_ =	strace $0x80000051  }
0xb3: {  	_ =	swait.ge [sflag:s29], $0x1  }
0xb4: {  	[sflag:s29] =	ssyncadd.s32 $0xFFFFFFFF  }
0xb5: {  	_ =	strace $0x90000051  }
0xb6: {  	_ =	sfence  }
0xb7: {  	s30 =	sld [smem:$0x0];
	_ =	sdelay $0x2  }
0xb8: {  	s31 =	sshll.u32 s1, $0xD;
	s1 =	sshrl.u32 s1, $0x2  }
0xb9: {  	s3 =	sand.u32 $0x4000, s31;
	s1 =	sadd.s32 s1, s30  }
0xba: {  	s0 =	sor.u32 s3, s0;
	s1 =	sshll.u32 s1, $0x11  }
0xbb: {  	s0 =	sor.u32 s1, s0  }
0xbc: {  	s0 =	sadd.s32 $0x8F2B, s0  }
0xbd: {  	[sflag:s0] =	ssyncadd.remote.s32 $0x1  }
0xbe: {  	_ =	sfence.sel $0xFFFF  }
0xbf: {  	[dreg:$0x0] =	wrdreg $0xFFFFFFFF;
	(pc) =	sbr.abs _section_cstart, $3  }
0xc0: {  	[dreg:$0x1] =	wrdreg $0xFFFFFFFF  }
0xc1: {  	_ =	task.clear_ibuf [dreg:s7], $0x2FFFF;
	_ =	strace $0x9FFFFFFF  }
0xc2: {  	(tm) =	ssettm $0x7FFFFFFF  }
0xc3: {  	_ =	shalt  }
tec
execute0_lowered:
.L_overlay_start_1:
0x0: {  	(tag) =	ssettag $0x1  }
0x1: {  	s1 =	srdreg.scid  }
0x2: {  	s2 =	rddreg [dreg:$0x0];
	s0 =	stileid.u32;
	s14 =	sand.u32 $0x1, s1  }
0x3: {  	s8 =	rddreg [dreg:$0x1];
	s4 =	sshll.u32 s0, $0xE;
	s5 =	sshll.u32 s14, $0xD  }
0x4: {  	s3 =	simm.s32 $0x0;
	s1 =	rddreg [dreg:$0x2];
	s13 =	sor.u32 s5, s4  }
0x5: {  	[smem:$0x7FF] =	sst s3;
	s15 =	sadd.s32 $0xA400, s8;
	s4 =	sshrl.u32 s13, $0x3  }
0x6: {  	_ =	strace $0x80000050;
	s5 =	sadd.s32 s15, s4;
	s4 =	simm.s32 $0x2  }
0x7: {  	[tilespmem:s3], [sflag:$0x2] =	stream.linear.gather [hbm4b:s5+s3], $0x800, $0x38;
	[tilespmem:$0x8800] =	vst v63  }
0x8: {  	_ =	swait.ge [sflag:s4], $0x800  }
0x9: {  	[sflag:s4] =	ssyncset.done $0x0  }
0xa: {  	s6 =	simm.s32 $0x800;
	s7 =	simm.s32 $0x1;
	[sflag:s4] =	ssyncadd.s32 $0xFFFFF800  }
0xb: {  	[tilespmem:s6], [sflag:$0x1] =	stream.indirect.gather [hbm4b:s2+s6], $0x10, s3, s6, $0xb8;
	[tilespmem:$0x8800] =	vst v63  }
0xc: {  	_ =	swait.ge [sflag:s7], $0x8000  }
0xd: {  	s16 =	sadd.s32 $0x12400, s8;
	s29 =	sshll.u32 s13, $0x1;
	[sflag:s7] =	ssyncset.done $0x0  }
0xe: {  	s8 =	sadd.s32 s16, s29;
	[sflag:s7] =	ssyncadd.s32 $0xFFFF8000  }
0xf: {  	[hbm4b:s8+s3] =	stream.linear.scatter [tilespmem:s6], [sflag:$0x2], $0x8000, $0x38;
	[tilespmem:$0x8800] =	vst v63  }
0x10: {  	s10 =	sor.u32 $0x800, s13;
	_ =	swait.ge [sflag:s4], $0x8000  }
0x11: {  	s9 =	sshrl.u32 s10, $0x3;
	[sflag:s4] =	ssyncset.done $0x0  }
0x12: {  	s9 =	sadd.s32 s15, s9;
	[sflag:s4] =	ssyncadd.s32 $0xFFFF8000  }
0x13: {  	[tilespmem:s3], [sflag:$0x2] =	stream.linear.gather [hbm4b:s9+s3], $0x800, $0x38;
	[tilespmem:$0x8800] =	vst v63  }
0x14: {  	_ =	swait.ge [sflag:s4], $0x800  }
0x15: {  	[sflag:s4] =	ssyncset.done $0x0  }
0x16: {  	[sflag:s4] =	ssyncadd.s32 $0xFFFFF800  }
0x17: {  	[tilespmem:s6], [sflag:$0x1] =	stream.indirect.gather [hbm4b:s2+s6], $0x10, s3, s6, $0xb8;
	[tilespmem:$0x8800] =	vst v63  }
0x18: {  	_ =	swait.ge [sflag:s7], $0x8000  }
0x19: {  	s10 =	sshll.u32 s10, $0x1;
	[sflag:s7] =	ssyncset.done $0x0  }
0x1a: {  	s10 =	sadd.s32 s16, s10;
	[sflag:s7] =	ssyncadd.s32 $0xFFFF8000  }
0x1b: {  	[hbm4b:s10+s3] =	stream.linear.scatter [tilespmem:s6], [sflag:$0x2], $0x8000, $0x38;
	[tilespmem:$0x8800] =	vst v63  }
0x1c: {  	s12 =	sor.u32 $0x1000, s13;
	_ =	swait.ge [sflag:s4], $0x8000  }
0x1d: {  	s11 =	sshrl.u32 s12, $0x3;
	[sflag:s4] =	ssyncset.done $0x0  }
0x1e: {  	s11 =	sadd.s32 s15, s11;
	[sflag:s4] =	ssyncadd.s32 $0xFFFF8000  }
0x1f: {  	[tilespmem:s3], [sflag:$0x2] =	stream.linear.gather [hbm4b:s11+s3], $0x800, $0x38;
	[tilespmem:$0x8800] =	vst v63  }
0x20: {  	_ =	swait.ge [sflag:s4], $0x800  }
0x21: {  	[sflag:s4] =	ssyncset.done $0x0  }
0x22: {  	[sflag:s4] =	ssyncadd.s32 $0xFFFFF800  }
0x23: {  	[tilespmem:s6], [sflag:$0x1] =	stream.indirect.gather [hbm4b:s2+s6], $0x10, s3, s6, $0xb8;
	[tilespmem:$0x8800] =	vst v63  }
0x24: {  	_ =	swait.ge [sflag:s7], $0x8000  }
0x25: {  	s12 =	sshll.u32 s12, $0x1;
	[sflag:s7] =	ssyncset.done $0x0  }
0x26: {  	s12 =	sadd.s32 s16, s12;
	[sflag:s7] =	ssyncadd.s32 $0xFFFF8000  }
0x27: {  	[hbm4b:s12+s3] =	stream.linear.scatter [tilespmem:s6], [sflag:$0x2], $0x8000, $0x38;
	[tilespmem:$0x8800] =	vst v63  }
0x28: {  	s17 =	sor.u32 $0x1800, s13;
	_ =	swait.ge [sflag:s4], $0x8000  }
0x29: {  	s13 =	sshrl.u32 s17, $0x3;
	[sflag:s4] =	ssyncset.done $0x0  }
0x2a: {  	s14 =	ssub.s32 $0x2, s14;
	s13 =	sadd.s32 s15, s13;
	[sflag:s4] =	ssyncadd.s32 $0xFFFF8000  }
0x2b: {  	[tilespmem:s3], [sflag:$0x2] =	stream.linear.gather [hbm4b:s13+s3], $0x800, $0x38;
	[tilespmem:$0x8800] =	vst v63  }
0x2c: {  	s30 =	sshrl.u32 s14, $0x1;
	_ =	swait.ge [sflag:s4], $0x800  }
0x2d: {  	s15 =	ssub.s32 s14, s30;
	[sflag:s4] =	ssyncset.done $0x0  }
0x2e: {  	s15 =	smax.u32 s15, $0x1;
	[sflag:s4] =	ssyncadd.s32 $0xFFFFF800  }
0x2f: {  	[tilespmem:s6], [sflag:$0x1] =	stream.indirect.gather [hbm4b:s2+s6], $0x10, s3, s6, $0xb8;
	[tilespmem:$0x8800] =	vst v63  }
0x30: {  	p0 =	sne.s32 s15, $0x1;
	_ =	swait.ge [sflag:s7], $0x8000  }
.Ltmp0:
0x31: {  	s31 =	sshll.u32 s17, $0x1;
	[sflag:s7] =	ssyncset.done $0x0;
	(pc) =	sbr.rel @!p0 .LBB2_2-.Ltmp0, $4  }
0x32: {  	s14 =	sadd.s32 s16, s31;
	[sflag:s7] =	ssyncadd.s32 $0xFFFF8000  }
0x33: {  	[hbm4b:s14+s3] =	stream.linear.scatter [tilespmem:s6], [sflag:$0x2], $0x8000, $0x38;
	[tilespmem:$0x8800] =	vst v63  }
0x34: {  	_ =	swait.ge [sflag:s4], $0x8000  }
0x35: {  	s15 =	sadd.s32 $0xFFFFFFFF, s15;
	[sflag:s4] =	ssyncset.done $0x0  }
.LBB2_1:
0x36: {  	p0 =	sne.s32 s15, $0x1;
	s15 =	sadd.s32 $0xFFFFFFFF, s15;
	[sflag:s4] =	ssyncadd.s32 $0xFFFF8000  }
0x37: {  	[tilespmem:s3], [sflag:$0x2] =	stream.linear.gather [hbm4b:s5+s3], $0x800, $0x38;
	[tilespmem:$0x8800] =	vst v63  }
0x38: {  	_ =	swait.ge [sflag:s4], $0x800  }
0x39: {  	[sflag:s4] =	ssyncset.done $0x0  }
0x3a: {  	[sflag:s4] =	ssyncadd.s32 $0xFFFFF800  }
0x3b: {  	[tilespmem:s6], [sflag:$0x1] =	stream.indirect.gather [hbm4b:s2+s6], $0x10, s3, s6, $0xb8;
	[tilespmem:$0x8800] =	vst v63  }
0x3c: {  	_ =	swait.ge [sflag:s7], $0x8000  }
0x3d: {  	[sflag:s7] =	ssyncset.done $0x0  }
0x3e: {  	[sflag:s7] =	ssyncadd.s32 $0xFFFF8000  }
0x3f: {  	[hbm4b:s8+s3] =	stream.linear.scatter [tilespmem:s6], [sflag:$0x2], $0x8000, $0x38;
	[tilespmem:$0x8800] =	vst v63  }
0x40: {  	_ =	swait.ge [sflag:s4], $0x8000  }
0x41: {  	[sflag:s4] =	ssyncset.done $0x0  }
0x42: {  	[sflag:s4] =	ssyncadd.s32 $0xFFFF8000  }
0x43: {  	[tilespmem:s3], [sflag:$0x2] =	stream.linear.gather [hbm4b:s9+s3], $0x800, $0x38;
	[tilespmem:$0x8800] =	vst v63  }
0x44: {  	_ =	swait.ge [sflag:s4], $0x800  }
0x45: {  	[sflag:s4] =	ssyncset.done $0x0  }
0x46: {  	[sflag:s4] =	ssyncadd.s32 $0xFFFFF800  }
0x47: {  	[tilespmem:s6], [sflag:$0x1] =	stream.indirect.gather [hbm4b:s2+s6], $0x10, s3, s6, $0xb8;
	[tilespmem:$0x8800] =	vst v63  }
0x48: {  	_ =	swait.ge [sflag:s7], $0x8000  }
0x49: {  	[sflag:s7] =	ssyncset.done $0x0  }
0x4a: {  	[sflag:s7] =	ssyncadd.s32 $0xFFFF8000  }
0x4b: {  	[hbm4b:s10+s3] =	stream.linear.scatter [tilespmem:s6], [sflag:$0x2], $0x8000, $0x38;
	[tilespmem:$0x8800] =	vst v63  }
0x4c: {  	_ =	swait.ge [sflag:s4], $0x8000  }
0x4d: {  	[sflag:s4] =	ssyncset.done $0x0  }
0x4e: {  	[sflag:s4] =	ssyncadd.s32 $0xFFFF8000  }
0x4f: {  	[tilespmem:s3], [sflag:$0x2] =	stream.linear.gather [hbm4b:s11+s3], $0x800, $0x38;
	[tilespmem:$0x8800] =	vst v63  }
0x50: {  	_ =	swait.ge [sflag:s4], $0x800  }
0x51: {  	[sflag:s4] =	ssyncset.done $0x0  }
0x52: {  	[sflag:s4] =	ssyncadd.s32 $0xFFFFF800  }
0x53: {  	[tilespmem:s6], [sflag:$0x1] =	stream.indirect.gather [hbm4b:s2+s6], $0x10, s3, s6, $0xb8;
	[tilespmem:$0x8800] =	vst v63  }
0x54: {  	_ =	swait.ge [sflag:s7], $0x8000  }
0x55: {  	[sflag:s7] =	ssyncset.done $0x0  }
0x56: {  	[sflag:s7] =	ssyncadd.s32 $0xFFFF8000  }
0x57: {  	[hbm4b:s12+s3] =	stream.linear.scatter [tilespmem:s6], [sflag:$0x2], $0x8000, $0x38;
	[tilespmem:$0x8800] =	vst v63  }
0x58: {  	_ =	swait.ge [sflag:s4], $0x8000  }
0x59: {  	[sflag:s4] =	ssyncset.done $0x0  }
0x5a: {  	[sflag:s4] =	ssyncadd.s32 $0xFFFF8000  }
0x5b: {  	[tilespmem:s3], [sflag:$0x2] =	stream.linear.gather [hbm4b:s13+s3], $0x800, $0x38;
	[tilespmem:$0x8800] =	vst v63  }
0x5c: {  	_ =	swait.ge [sflag:s4], $0x800  }
0x5d: {  	[sflag:s4] =	ssyncset.done $0x0  }
0x5e: {  	[sflag:s4] =	ssyncadd.s32 $0xFFFFF800  }
0x5f: {  	[tilespmem:s6], [sflag:$0x1] =	stream.indirect.gather [hbm4b:s2+s6], $0x10, s3, s6, $0xb8;
	[tilespmem:$0x8800] =	vst v63  }
0x60: {  	_ =	swait.ge [sflag:s7], $0x8000  }
.Ltmp1:
0x61: {  	[sflag:s7] =	ssyncset.done $0x0;
	(pc) =	sbr.rel @p0 .LBB2_1-.Ltmp1, $4  }
0x62: {  	[sflag:s7] =	ssyncadd.s32 $0xFFFF8000  }
0x63: {  	[hbm4b:s14+s3] =	stream.linear.scatter [tilespmem:s6], [sflag:$0x2], $0x8000, $0x38;
	[tilespmem:$0x8800] =	vst v63  }
0x64: {  	_ =	swait.ge [sflag:s4], $0x8000  }
0x65: {  	[sflag:s4] =	ssyncset.done $0x0  }
.LBB2_2:
0x66: {  	[sflag:s4] =	ssyncadd.s32 $0xFFFF8000  }
0x67: {  	_ =	sfence.sel $0x180000  }
0x68: {  	[bflag:$0x0] =	sbarrier.arrive $0xFFFF  }
0x69: {  	p0 =	sne.s32 s0, $0x0;
	_ =	strace $0x90000050  }
0x6a: {  	s0 =	sadd.s32 @!p0 $0x100000, s1;
	[bflag:$0x2] =	sbarrier.arrive $0xFFFF  }
0x6b: {  	[sflag:s0] =	ssyncadd.tile.s32 @!p0 $0x1;
	_ =	shalt  }
.Lfunc_end2:
_tile_overlayer_lowered:
.L_overlay_start_2:
0x6c: {  	(tag) =	ssettag $0x2  }
0x6d: {  	s0 =	rddreg [dreg:$0x0];
	s2 =	stileid.u32  }
0x6e: {  	s1 =	rddreg [dreg:$0x1];
	p0 =	sne.s32 s2, $0x0  }
0x6f: {  	s3 =	rddreg [dreg:$0x2];
	[bflag:$0x3] =	sbarrier.arrive $0xFFFF;
	s2 =	simm.s32 @!p0 $0x1C02  }
0x70: {  	[timem:s3], [sflag:s2] =	dma.local @!p0 [hbm:s0], s1  }
0x71: {  	s0 =	simm.s32 @!p0 $0x2  }
0x72: {  	_ =	swait.ge @!p0 [sflag:s0], s1  }
0x73: {  	s1 =	ssub.s32 @!p0 $0x0, s1;
	[sflag:s0] =	ssyncset.done @!p0 $0x0  }
0x74: {  	[sflag:s0] =	ssyncadd.s32 @!p0 s1  }
0x75: {  	[bflag:$0x3] =	sbarrier.arrive $0xFFFF  }
0x76: {  	_ =	shalt  }

</sc_bundles>
